<compile_context>
chip_gen: v7x
topology: tpu7x:2x2x1
jax: 0.10.2.dev20260603
libtpu: 0.0.44.dev20260713+nightly
codegen_flags: <defaults>
</compile_context>

<pallas_src>
import functools

import jax
import jax.numpy as jnp
from jax import lax
from jax.experimental import pallas as pl
from jax.experimental.pallas import tpu as pltpu
from jax.experimental.pallas import tpu_sc as plsc

K = 512
D = 8
EMB = 64
SUB = EMB // D
DK = D * K

HIGH = lax.Precision.HIGHEST


def _make_sc_gather(n_rows: int):
    info = plsc.get_sparse_core_info()
    nw = info.num_cores * info.num_subcores
    ch = 128
    assert n_rows % (nw * ch) == 0
    nch = n_rows // (nw * ch)
    mesh = plsc.VectorSubcoreMesh(core_axis_name="c", subcore_axis_name="s")

    @functools.partial(
        pl.kernel,
        mesh=mesh,
        out_type=jax.ShapeDtypeStruct((n_rows, EMB), jnp.float32),
        scratch_types=[
            pltpu.VMEM((nch, ch), jnp.int32),
            pltpu.VMEM((ch, EMB), jnp.float32),
            pltpu.VMEM((ch, EMB), jnp.float32),
            pltpu.SemaphoreType.DMA,
            pltpu.SemaphoreType.DMA,
        ],
        compiler_params=pltpu.CompilerParams(use_tc_tiling_on_sc=False),
    )
    def sc_gather(table_hbm, idx_hbm, out_hbm, idx_v, buf0, buf1, sem0, sem1):
        wid = lax.axis_index("s") * info.num_cores + lax.axis_index("c")
        row0 = wid * nch
        pltpu.sync_copy(idx_hbm.at[wid], idx_v)
        bufs = (buf0, buf1)
        sems = (sem0, sem1)
        pltpu.async_copy(table_hbm.at[idx_v.at[0]], bufs[0], sems[0])
        for c in range(nch):
            if c + 1 < nch:
                pltpu.async_copy(
                    table_hbm.at[idx_v.at[c + 1]], bufs[(c + 1) % 2],
                    sems[(c + 1) % 2])
            pltpu.make_async_copy(
                table_hbm.at[idx_v.at[c]], bufs[c % 2], sems[c % 2]).wait()
            pltpu.sync_copy(bufs[c % 2],
                            out_hbm.at[pl.ds((row0 + c) * ch, ch)])

    return sc_gather


def _make_sc_lookup(n_out: int):
    info = plsc.get_sparse_core_info()
    nw = info.num_cores * info.num_subcores
    ch = 128
    assert n_out % (nw * ch * 2) == 0
    nch = n_out // (nw * ch)
    mesh = plsc.VectorSubcoreMesh(core_axis_name="c", subcore_axis_name="s")

    @functools.partial(
        pl.kernel,
        mesh=mesh,
        out_type=jax.ShapeDtypeStruct((n_out, SUB), jnp.float32),
        scratch_types=[
            pltpu.VMEM((nch, ch), jnp.int32),
            pltpu.VMEM((ch, SUB), jnp.float32),
            pltpu.VMEM((ch, SUB), jnp.float32),
            pltpu.SemaphoreType.DMA,
            pltpu.SemaphoreType.DMA,
        ],
        compiler_params=pltpu.CompilerParams(use_tc_tiling_on_sc=False),
    )
    def sc_lookup(cent_hbm, nbr_hbm, out_hbm, idx_v, buf0, buf1, sem0, sem1):
        wid = lax.axis_index("s") * info.num_cores + lax.axis_index("c")
        row0 = wid * nch * ch
        pltpu.sync_copy(nbr_hbm.at[wid], idx_v)

        def body(i, carry):
            c0 = 2 * i
            c1 = c0 + 1
            pltpu.async_copy(cent_hbm.at[idx_v.at[c0]], buf0, sem0)
            pltpu.async_copy(cent_hbm.at[idx_v.at[c1]], buf1, sem1)
            pltpu.make_async_copy(
                cent_hbm.at[idx_v.at[c0]], buf0, sem0).wait()
            pltpu.sync_copy(buf0, out_hbm.at[pl.ds(row0 + c0 * ch, ch)])
            pltpu.make_async_copy(
                cent_hbm.at[idx_v.at[c1]], buf1, sem1).wait()
            pltpu.sync_copy(buf1, out_hbm.at[pl.ds(row0 + c1 * ch, ch)])
            return carry

        lax.fori_loop(0, nch // 2, body, 0)

    return sc_lookup


def _stats_kernel(x_ref, w_ref, sum_ref, sq_ref):
    @pl.when(pl.program_id(0) == 0)
    def _init():
        sum_ref[...] = jnp.zeros_like(sum_ref)
        sq_ref[...] = jnp.zeros_like(sq_ref)

    x = x_ref[...]
    dot = lax.dot_general(x, w_ref[...], (((1,), (0,)), ((), ())),
                          preferred_element_type=jnp.float32)
    c2 = jnp.sum(w_ref[...] * w_ref[...], axis=0, keepdims=True)
    xsq = x * x
    s_acc = jnp.zeros((1, K), jnp.float32)
    q_acc = jnp.zeros((1, K), jnp.float32)
    for d in range(D):
        a = jnp.sum(xsq[:, d * SUB:(d + 1) * SUB], axis=1, keepdims=True)
        r = (-a + 2.0 * dot[:, d * K:(d + 1) * K]) - c2[:, d * K:(d + 1) * K]
        s_acc = s_acc + jnp.sum(r, axis=0, keepdims=True)
        q_acc = q_acc + jnp.sum(r * r, axis=0, keepdims=True)
    sum_ref[...] += s_acc
    sq_ref[...] += q_acc


def _argmax_kernel(n_total, x_ref, w_ref, sum_ref, sq_ref, out_ref):
    nd = jnp.float32(n_total * D)
    mean = sum_ref[...] / nd
    var = sq_ref[...] / nd - (sum_ref[...] / nd) * (sum_ref[...] / nd)
    inv = 1.0 / jnp.sqrt(var + 1e-3)
    x = x_ref[...]
    bn = x.shape[0]
    dot = lax.dot_general(x, w_ref[...], (((1,), (0,)), ((), ())),
                          preferred_element_type=jnp.float32)
    c2 = jnp.sum(w_ref[...] * w_ref[...], axis=0, keepdims=True)
    xsq = x * x
    iota = lax.broadcasted_iota(jnp.int32, (bn, K), 1)
    ohs = []
    for d in range(D):
        a = jnp.sum(xsq[:, d * SUB:(d + 1) * SUB], axis=1, keepdims=True)
        c2m = c2[:, d * K:(d + 1) * K] + mean
        rn = ((2.0 * dot[:, d * K:(d + 1) * K] - a) - c2m) * inv
        m = jnp.max(rn, axis=1, keepdims=True)
        code = jnp.min(jnp.where(rn == m, iota, K), axis=1, keepdims=True)
        ohs.append(code + d * K)
    out_ref[...] = jnp.concatenate(ohs, axis=1)


def kernel(indices, query_wemb, centroids_k):
    b, h = indices.shape
    n = b * h
    idx = indices.reshape(32, n // (32 * 128), 128).astype(jnp.int32)
    x = _make_sc_gather(n)(query_wemb, idx)

    ct = jnp.transpose(centroids_k, (0, 2, 1))
    dr = jnp.arange(D)
    w = (jnp.zeros((D, SUB, D, K), jnp.float32)
         .at[dr, :, dr, :].set(ct).reshape(EMB, DK))
    cent_flat = centroids_k.reshape(DK, SUB)

    bn = 2048
    grid = (n // bn,)
    sums, sqs = pl.pallas_call(
        _stats_kernel,
        grid=grid,
        in_specs=[
            pl.BlockSpec((bn, EMB), lambda i: (i, 0)),
            pl.BlockSpec((EMB, DK), lambda i: (0, 0)),
        ],
        out_specs=[
            pl.BlockSpec((1, K), lambda i: (0, 0)),
            pl.BlockSpec((1, K), lambda i: (0, 0)),
        ],
        out_shape=[
            jax.ShapeDtypeStruct((1, K), jnp.float32),
            jax.ShapeDtypeStruct((1, K), jnp.float32),
        ],
    )(x, w)

    nbr = pl.pallas_call(
        functools.partial(_argmax_kernel, n),
        grid=grid,
        in_specs=[
            pl.BlockSpec((bn, EMB), lambda i: (i, 0)),
            pl.BlockSpec((EMB, DK), lambda i: (0, 0)),
            pl.BlockSpec((1, K), lambda i: (0, 0)),
            pl.BlockSpec((1, K), lambda i: (0, 0)),
        ],
        out_specs=pl.BlockSpec((bn, D), lambda i: (i, 0)),
        out_shape=jax.ShapeDtypeStruct((n, D), jnp.int32),
    )(x, w, sums, sqs)

    n_out = n * D
    nbr3 = nbr.reshape(32, n_out // (32 * 128), 128)
    sel = _make_sc_lookup(n_out)(cent_flat, nbr3)
    return sel.reshape(b, h, EMB)

# --- scband reference (transcript-rebuilt; emitter-appended) ---
"""Pipeline reference for scband-dpqembedding-33346126086311 (READ-ONLY COPY).

The authoritative reference and input builder live on the scoring server;
editing this copy changes nothing except your own understanding.
"""

import jax, jax.numpy as jnp
import numpy as np

K = 512
D = 8
VOCAB = 1000000
EMB = 64
SUB = EMB // D  # 8
BATCH = 4096
HIST = 20


def setup_inputs(seed: int = 0) -> dict:
    key = jax.random.key(seed)
    k1, k2, k3 = jax.random.split(key, 3)
    indices = jax.random.randint(k1, (BATCH, HIST), 0, VOCAB)
    # learned params (random_normal init in keras defaults to stddev=0.05)
    query_wemb = 0.05 * jax.random.normal(k2, (VOCAB, EMB), dtype=jnp.float32)
    centroids_k = 0.05 * jax.random.normal(k3, (D, K, SUB), dtype=jnp.float32)
    return {"indices": indices, "query_wemb": query_wemb, "centroids_k": centroids_k}


def reference(indices, query_wemb, centroids_k):
    # embedding lookup
    idxs = indices.reshape(-1)
    input_emb = jnp.take(query_wemb, idxs, axis=0)  # [N, EMB]
    x = input_emb.reshape(-1, D, SUB)  # [N, D, SUB]

    # KDQuantizer: squared-euclidean response
    norm_1 = jnp.sum(x ** 2, axis=-1, keepdims=True)            # [N, D, 1]
    norm_2 = jnp.sum(centroids_k ** 2, axis=-1)[None]           # [1, D, K]
    dot = jnp.matmul(jnp.transpose(x, (1, 0, 2)),
                     jnp.transpose(centroids_k, (0, 2, 1)))     # [D, N, K]
    response = -norm_1 + 2.0 * jnp.transpose(dot, (1, 0, 2)) - norm_2  # [N, D, K]
    response = response.reshape(-1, D, K)

    # BatchNormalization(scale=False, center=False), training=True semantics:
    # normalize per-channel (last axis) over batch+D axes, eps=1e-3 (keras default)
    mean = jnp.mean(response, axis=(0, 1), keepdims=True)
    var = jnp.var(response, axis=(0, 1), keepdims=True)
    response = (response - mean) / jnp.sqrt(var + 1e-3)

    codes = jnp.argmax(response, axis=-1)                       # [N, D]
    D_base = (K * jnp.arange(D)).astype(codes.dtype)            # not shared centroids
    neighbor_idxs = (codes + D_base[None, :]).reshape(-1)

    cent_flat = centroids_k.reshape(-1, SUB)                    # [D*K, SUB]
    outputs = jnp.take(cent_flat, neighbor_idxs, axis=0).reshape(-1, D, SUB)

    # straight-through estimator
    outputs_final = jax.lax.stop_gradient(outputs - x) + x      # [N, D, SUB]

    emb = outputs_final.reshape(indices.shape + (EMB,))         # [B, L, EMB]
    return emb

if __name__ == "__main__":
    import jax
    _d = setup_inputs()
    print(jax.jit(kernel)(*tuple(_d.values())))

</pallas_src>

<mosaic_0001>
#map = affine_map<(d0, d1) -> (0, 0)>
#map1 = affine_map<(d0, d1) -> (0, 0, 0)>
module attributes {stable_mosaic.version = 14 : i64} {
  func.func @sc_gather(%arg0: i32, %arg1: i32, %arg2: memref<1000000x64xf32, #tpu.memory_space<hbm>>, %arg3: memref<32x20x128xi32, #tpu.memory_space<hbm>>, %arg4: memref<81920x64xf32, #tpu.memory_space<hbm>>, %arg5: memref<20x128xi32, #tpu.memory_space<vmem>>, %arg6: memref<128x64xf32, #tpu.memory_space<vmem>>, %arg7: memref<128x64xf32, #tpu.memory_space<vmem>>, %arg8: memref<!tpu.dma_semaphore, #tpu.memory_space<semaphore_mem>>, %arg9: memref<!tpu.dma_semaphore, #tpu.memory_space<semaphore_mem>>) attributes {dimension_semantics = [#tpu.dimension_semantics<core_parallel>, #tpu.dimension_semantics<subcore_parallel>], iteration_bounds = array<i64: 2, 16>, scalar_prefetch = 0 : i64, scratch_operands = 5 : i64, tpu.core_type = #tpu.core_type<sc_vector_subcore>, window_params = [{transform_indices = #map}, {transform_indices = #map1}, {transform_indices = #map}]} {
    %mul3A = arith.constant 2 : i32
    %mul3A_0 = arith.muli %arg1, %mul3A : i32
    %add3A = arith.addi %mul3A_0, %arg0 : i32
    %mul3A_1 = arith.constant 20 : i32
    %mul3A_2 = arith.muli %add3A, %mul3A_1 : i32
    "tpu.region"() ({
      %run_scoped3A = tpu.sem_alloc : memref<!tpu.dma_semaphore, #tpu.memory_space<semaphore_mem>>
      %dma_start3A_361 = arith.constant 0 : i32
      %dma_start3A_362 = arith.constant 0 : i32
      %dma_start3A_363 = tpu.memref_slice %arg3[%add3A, %dma_start3A_361, %dma_start3A_362] : memref<32x20x128xi32, #tpu.memory_space<hbm>> -> memref<1x20x128xi32, #tpu.memory_space<hbm>>
      %dma_start3A_364 = tpu.memref_squeeze %dma_start3A_363 : memref<1x20x128xi32, #tpu.memory_space<hbm>> -> memref<20x128xi32, #tpu.memory_space<hbm>>
      %dma_start3A_365 = arith.constant 0 : i32
      %dma_start3A_366 = arith.constant 0 : i32
      %dma_start3A_367 = tpu.memref_slice %arg3[%add3A, %dma_start3A_365, %dma_start3A_366] : memref<32x20x128xi32, #tpu.memory_space<hbm>> -> memref<1x20x128xi32, #tpu.memory_space<hbm>>
      %dma_start3A_368 = tpu.memref_squeeze %dma_start3A_367 : memref<1x20x128xi32, #tpu.memory_space<hbm>> -> memref<20x128xi32, #tpu.memory_space<hbm>>
      tpu.enqueue_dma source(%dma_start3A_368 : memref<20x128xi32, #tpu.memory_space<hbm>>) target(%arg5 : memref<20x128xi32, #tpu.memory_space<vmem>>) target_semaphore(%run_scoped3A : memref<!tpu.dma_semaphore, #tpu.memory_space<semaphore_mem>>)
      %dma_wait3A_369 = arith.constant 0 : i32
      %dma_wait3A_370 = arith.constant 0 : i32
      %dma_wait3A_371 = tpu.memref_slice %arg3[%add3A, %dma_wait3A_369, %dma_wait3A_370] : memref<32x20x128xi32, #tpu.memory_space<hbm>> -> memref<1x20x128xi32, #tpu.memory_space<hbm>>
      %dma_wait3A_372 = tpu.memref_squeeze %dma_wait3A_371 : memref<1x20x128xi32, #tpu.memory_space<hbm>> -> memref<20x128xi32, #tpu.memory_space<hbm>>
      %dma_wait3A_373 = arith.constant 0 : i32
      %dma_wait3A_374 = arith.constant 0 : i32
      %dma_wait3A_375 = tpu.memref_slice %arg3[%add3A, %dma_wait3A_373, %dma_wait3A_374] : memref<32x20x128xi32, #tpu.memory_space<hbm>> -> memref<1x20x128xi32, #tpu.memory_space<hbm>>
      %dma_wait3A_376 = tpu.memref_squeeze %dma_wait3A_375 : memref<1x20x128xi32, #tpu.memory_space<hbm>> -> memref<20x128xi32, #tpu.memory_space<hbm>>
      tpu.wait_dma2 semaphore(%run_scoped3A : memref<!tpu.dma_semaphore, #tpu.memory_space<semaphore_mem>>) src(%dma_wait3A_376 : memref<20x128xi32, #tpu.memory_space<hbm>>) dst(%arg5 : memref<20x128xi32, #tpu.memory_space<vmem>>)
      tpu.yield
    }) : () -> ()
    %dma_start3A = arith.constant 0 : i32
    %dma_start3A_3 = arith.constant 0 : i32
    %dma_start3A_4 = tpu.memref_slice %arg5[%dma_start3A, %dma_start3A_3] : memref<20x128xi32, #tpu.memory_space<vmem>> -> memref<1x128xi32, #tpu.memory_space<vmem>>
    %dma_start3A_5 = tpu.memref_squeeze %dma_start3A_4 : memref<1x128xi32, #tpu.memory_space<vmem>> -> memref<128xi32, #tpu.memory_space<vmem>>
    %dma_start3A_6 = arith.constant 0 : i32
    %dma_start3A_7 = arith.constant 0 : i32
    %dma_start3A_8 = tpu.memref_slice %arg2[%dma_start3A_6, %dma_start3A_7] : memref<1000000x64xf32, #tpu.memory_space<hbm>> -> memref<1000000x64xf32, #tpu.memory_space<hbm>>
    tpu.enqueue_indirect_dma source(%dma_start3A_8 : memref<1000000x64xf32, #tpu.memory_space<hbm>>) target(%arg6 : memref<128x64xf32, #tpu.memory_space<vmem>>) offsets(%dma_start3A_5 : memref<128xi32, #tpu.memory_space<vmem>>) semaphore(%arg8 : memref<!tpu.dma_semaphore, #tpu.memory_space<semaphore_mem>>)
    %dma_start3A_9 = arith.constant 1 : i32
    %dma_start3A_10 = arith.constant 0 : i32
    %dma_start3A_11 = tpu.memref_slice %arg5[%dma_start3A_9, %dma_start3A_10] : memref<20x128xi32, #tpu.memory_space<vmem>> -> memref<1x128xi32, #tpu.memory_space<vmem>>
    %dma_start3A_12 = tpu.memref_squeeze %dma_start3A_11 : memref<1x128xi32, #tpu.memory_space<vmem>> -> memref<128xi32, #tpu.memory_space<vmem>>
    %dma_start3A_13 = arith.constant 0 : i32
    %dma_start3A_14 = arith.constant 0 : i32
    %dma_start3A_15 = tpu.memref_slice %arg2[%dma_start3A_13, %dma_start3A_14] : memref<1000000x64xf32, #tpu.memory_space<hbm>> -> memref<1000000x64xf32, #tpu.memory_space<hbm>>
    tpu.enqueue_indirect_dma source(%dma_start3A_15 : memref<1000000x64xf32, #tpu.memory_space<hbm>>) target(%arg7 : memref<128x64xf32, #tpu.memory_space<vmem>>) offsets(%dma_start3A_12 : memref<128xi32, #tpu.memory_space<vmem>>) semaphore(%arg9 : memref<!tpu.dma_semaphore, #tpu.memory_space<semaphore_mem>>)
    %dma_wait3A = arith.constant 0 : i32
    %dma_wait3A_16 = arith.constant 0 : i32
    %dma_wait3A_17 = tpu.memref_slice %arg5[%dma_wait3A, %dma_wait3A_16] : memref<20x128xi32, #tpu.memory_space<vmem>> -> memref<1x128xi32, #tpu.memory_space<vmem>>
    %dma_wait3A_18 = tpu.memref_squeeze %dma_wait3A_17 : memref<1x128xi32, #tpu.memory_space<vmem>> -> memref<128xi32, #tpu.memory_space<vmem>>
    %dma_wait3A_19 = arith.constant 0 : i32
    %dma_wait3A_20 = arith.constant 0 : i32
    %dma_wait3A_21 = tpu.memref_slice %arg2[%dma_wait3A_19, %dma_wait3A_20] : memref<1000000x64xf32, #tpu.memory_space<hbm>> -> memref<1000000x64xf32, #tpu.memory_space<hbm>>
    tpu.wait_indirect_dma semaphore(%arg8 : memref<!tpu.dma_semaphore, #tpu.memory_space<semaphore_mem>>) src(%dma_wait3A_21 : memref<1000000x64xf32, #tpu.memory_space<hbm>>) dst(%arg6 : memref<128x64xf32, #tpu.memory_space<vmem>>)
    %add3A_22 = arith.constant 0 : i32
    %add3A_23 = arith.addi %mul3A_2, %add3A_22 : i32
    %mul3A_24 = arith.constant 128 : i32
    %mul3A_25 = arith.muli %add3A_23, %mul3A_24 : i32
    "tpu.region"() ({
      %run_scoped3A = tpu.sem_alloc : memref<!tpu.dma_semaphore, #tpu.memory_space<semaphore_mem>>
      %dma_start3A_361 = arith.constant 0 : i32
      %dma_start3A_362 = tpu.memref_slice %arg4[%mul3A_25, %dma_start3A_361] : memref<81920x64xf32, #tpu.memory_space<hbm>> -> memref<128x64xf32, #tpu.memory_space<hbm>>
      %dma_start3A_363 = arith.constant 0 : i32
      %dma_start3A_364 = tpu.memref_slice %arg4[%mul3A_25, %dma_start3A_363] : memref<81920x64xf32, #tpu.memory_space<hbm>> -> memref<128x64xf32, #tpu.memory_space<hbm>>
      tpu.enqueue_dma source(%arg6 : memref<128x64xf32, #tpu.memory_space<vmem>>) target(%dma_start3A_364 : memref<128x64xf32, #tpu.memory_space<hbm>>) target_semaphore(%run_scoped3A : memref<!tpu.dma_semaphore, #tpu.memory_space<semaphore_mem>>)
      %dma_wait3A_365 = arith.constant 0 : i32
      %dma_wait3A_366 = tpu.memref_slice %arg4[%mul3A_25, %dma_wait3A_365] : memref<81920x64xf32, #tpu.memory_space<hbm>> -> memref<128x64xf32, #tpu.memory_space<hbm>>
      %dma_wait3A_367 = arith.constant 0 : i32
      %dma_wait3A_368 = tpu.memref_slice %arg4[%mul3A_25, %dma_wait3A_367] : memref<81920x64xf32, #tpu.memory_space<hbm>> -> memref<128x64xf32, #tpu.memory_space<hbm>>
      tpu.wait_dma2 semaphore(%run_scoped3A : memref<!tpu.dma_semaphore, #tpu.memory_space<semaphore_mem>>) src(%arg6 : memref<128x64xf32, #tpu.memory_space<vmem>>) dst(%dma_wait3A_368 : memref<128x64xf32, #tpu.memory_space<hbm>>)
      tpu.yield
    }) : () -> ()
    %dma_start3A_26 = arith.constant 2 : i32
    %dma_start3A_27 = arith.constant 0 : i32
    %dma_start3A_28 = tpu.memref_slice %arg5[%dma_start3A_26, %dma_start3A_27] : memref<20x128xi32, #tpu.memory_space<vmem>> -> memref<1x128xi32, #tpu.memory_space<vmem>>
    %dma_start3A_29 = tpu.memref_squeeze %dma_start3A_28 : memref<1x128xi32, #tpu.memory_space<vmem>> -> memref<128xi32, #tpu.memory_space<vmem>>
    %dma_start3A_30 = arith.constant 0 : i32
    %dma_start3A_31 = arith.constant 0 : i32
    %dma_start3A_32 = tpu.memref_slice %arg2[%dma_start3A_30, %dma_start3A_31] : memref<1000000x64xf32, #tpu.memory_space<hbm>> -> memref<1000000x64xf32, #tpu.memory_space<hbm>>
    tpu.enqueue_indirect_dma source(%dma_start3A_32 : memref<1000000x64xf32, #tpu.memory_space<hbm>>) target(%arg6 : memref<128x64xf32, #tpu.memory_space<vmem>>) offsets(%dma_start3A_29 : memref<128xi32, #tpu.memory_space<vmem>>) semaphore(%arg8 : memref<!tpu.dma_semaphore, #tpu.memory_space<semaphore_mem>>)
    %dma_wait3A_33 = arith.constant 1 : i32
    %dma_wait3A_34 = arith.constant 0 : i32
    %dma_wait3A_35 = tpu.memref_slice %arg5[%dma_wait3A_33, %dma_wait3A_34] : memref<20x128xi32, #tpu.memory_space<vmem>> -> memref<1x128xi32, #tpu.memory_space<vmem>>
    %dma_wait3A_36 = tpu.memref_squeeze %dma_wait3A_35 : memref<1x128xi32, #tpu.memory_space<vmem>> -> memref<128xi32, #tpu.memory_space<vmem>>
    %dma_wait3A_37 = arith.constant 0 : i32
    %dma_wait3A_38 = arith.constant 0 : i32
    %dma_wait3A_39 = tpu.memref_slice %arg2[%dma_wait3A_37, %dma_wait3A_38] : memref<1000000x64xf32, #tpu.memory_space<hbm>> -> memref<1000000x64xf32, #tpu.memory_space<hbm>>
    tpu.wait_indirect_dma semaphore(%arg9 : memref<!tpu.dma_semaphore, #tpu.memory_space<semaphore_mem>>) src(%dma_wait3A_39 : memref<1000000x64xf32, #tpu.memory_space<hbm>>) dst(%arg7 : memref<128x64xf32, #tpu.memory_space<vmem>>)
    %add3A_40 = arith.constant 1 : i32
    %add3A_41 = arith.addi %mul3A_2, %add3A_40 : i32
    %mul3A_42 = arith.constant 128 : i32
    %mul3A_43 = arith.muli %add3A_41, %mul3A_42 : i32
    "tpu.region"() ({
      %run_scoped3A = tpu.sem_alloc : memref<!tpu.dma_semaphore, #tpu.memory_space<semaphore_mem>>
      %dma_start3A_361 = arith.constant 0 : i32
      %dma_start3A_362 = tpu.memref_slice %arg4[%mul3A_43, %dma_start3A_361] : memref<81920x64xf32, #tpu.memory_space<hbm>> -> memref<128x64xf32, #tpu.memory_space<hbm>>
      %dma_start3A_363 = arith.constant 0 : i32
      %dma_start3A_364 = tpu.memref_slice %arg4[%mul3A_43, %dma_start3A_363] : memref<81920x64xf32, #tpu.memory_space<hbm>> -> memref<128x64xf32, #tpu.memory_space<hbm>>
      tpu.enqueue_dma source(%arg7 : memref<128x64xf32, #tpu.memory_space<vmem>>) target(%dma_start3A_364 : memref<128x64xf32, #tpu.memory_space<hbm>>) target_semaphore(%run_scoped3A : memref<!tpu.dma_semaphore, #tpu.memory_space<semaphore_mem>>)
      %dma_wait3A_365 = arith.constant 0 : i32
      %dma_wait3A_366 = tpu.memref_slice %arg4[%mul3A_43, %dma_wait3A_365] : memref<81920x64xf32, #tpu.memory_space<hbm>> -> memref<128x64xf32, #tpu.memory_space<hbm>>
      %dma_wait3A_367 = arith.constant 0 : i32
      %dma_wait3A_368 = tpu.memref_slice %arg4[%mul3A_43, %dma_wait3A_367] : memref<81920x64xf32, #tpu.memory_space<hbm>> -> memref<128x64xf32, #tpu.memory_space<hbm>>
      tpu.wait_dma2 semaphore(%run_scoped3A : memref<!tpu.dma_semaphore, #tpu.memory_space<semaphore_mem>>) src(%arg7 : memref<128x64xf32, #tpu.memory_space<vmem>>) dst(%dma_wait3A_368 : memref<128x64xf32, #tpu.memory_space<hbm>>)
      tpu.yield
    }) : () -> ()
    %dma_start3A_44 = arith.constant 3 : i32
    %dma_start3A_45 = arith.constant 0 : i32
    %dma_start3A_46 = tpu.memref_slice %arg5[%dma_start3A_44, %dma_start3A_45] : memref<20x128xi32, #tpu.memory_space<vmem>> -> memref<1x128xi32, #tpu.memory_space<vmem>>
    %dma_start3A_47 = tpu.memref_squeeze %dma_start3A_46 : memref<1x128xi32, #tpu.memory_space<vmem>> -> memref<128xi32, #tpu.memory_space<vmem>>
    %dma_start3A_48 = arith.constant 0 : i32
    %dma_start3A_49 = arith.constant 0 : i32
    %dma_start3A_50 = tpu.memref_slice %arg2[%dma_start3A_48, %dma_start3A_49] : memref<1000000x64xf32, #tpu.memory_space<hbm>> -> memref<1000000x64xf32, #tpu.memory_space<hbm>>
    tpu.enqueue_indirect_dma source(%dma_start3A_50 : memref<1000000x64xf32, #tpu.memory_space<hbm>>) target(%arg7 : memref<128x64xf32, #tpu.memory_space<vmem>>) offsets(%dma_start3A_47 : memref<128xi32, #tpu.memory_space<vmem>>) semaphore(%arg9 : memref<!tpu.dma_semaphore, #tpu.memory_space<semaphore_mem>>)
    %dma_wait3A_51 = arith.constant 2 : i32
    %dma_wait3A_52 = arith.constant 0 : i32
    %dma_wait3A_53 = tpu.memref_slice %arg5[%dma_wait3A_51, %dma_wait3A_52] : memref<20x128xi32, #tpu.memory_space<vmem>> -> memref<1x128xi32, #tpu.memory_space<vmem>>
    %dma_wait3A_54 = tpu.memref_squeeze %dma_wait3A_53 : memref<1x128xi32, #tpu.memory_space<vmem>> -> memref<128xi32, #tpu.memory_space<vmem>>
    %dma_wait3A_55 = arith.constant 0 : i32
    %dma_wait3A_56 = arith.constant 0 : i32
    %dma_wait3A_57 = tpu.memref_slice %arg2[%dma_wait3A_55, %dma_wait3A_56] : memref<1000000x64xf32, #tpu.memory_space<hbm>> -> memref<1000000x64xf32, #tpu.memory_space<hbm>>
    tpu.wait_indirect_dma semaphore(%arg8 : memref<!tpu.dma_semaphore, #tpu.memory_space<semaphore_mem>>) src(%dma_wait3A_57 : memref<1000000x64xf32, #tpu.memory_space<hbm>>) dst(%arg6 : memref<128x64xf32, #tpu.memory_space<vmem>>)
    %add3A_58 = arith.constant 2 : i32
    %add3A_59 = arith.addi %mul3A_2, %add3A_58 : i32
    %mul3A_60 = arith.constant 128 : i32
    %mul3A_61 = arith.muli %add3A_59, %mul3A_60 : i32
    "tpu.region"() ({
      %run_scoped3A = tpu.sem_alloc : memref<!tpu.dma_semaphore, #tpu.memory_space<semaphore_mem>>
      %dma_start3A_361 = arith.constant 0 : i32
      %dma_start3A_362 = tpu.memref_slice %arg4[%mul3A_61, %dma_start3A_361] : memref<81920x64xf32, #tpu.memory_space<hbm>> -> memref<128x64xf32, #tpu.memory_space<hbm>>
      %dma_start3A_363 = arith.constant 0 : i32
      %dma_start3A_364 = tpu.memref_slice %arg4[%mul3A_61, %dma_start3A_363] : memref<81920x64xf32, #tpu.memory_space<hbm>> -> memref<128x64xf32, #tpu.memory_space<hbm>>
      tpu.enqueue_dma source(%arg6 : memref<128x64xf32, #tpu.memory_space<vmem>>) target(%dma_start3A_364 : memref<128x64xf32, #tpu.memory_space<hbm>>) target_semaphore(%run_scoped3A : memref<!tpu.dma_semaphore, #tpu.memory_space<semaphore_mem>>)
      %dma_wait3A_365 = arith.constant 0 : i32
      %dma_wait3A_366 = tpu.memref_slice %arg4[%mul3A_61, %dma_wait3A_365] : memref<81920x64xf32, #tpu.memory_space<hbm>> -> memref<128x64xf32, #tpu.memory_space<hbm>>
      %dma_wait3A_367 = arith.constant 0 : i32
      %dma_wait3A_368 = tpu.memref_slice %arg4[%mul3A_61, %dma_wait3A_367] : memref<81920x64xf32, #tpu.memory_space<hbm>> -> memref<128x64xf32, #tpu.memory_space<hbm>>
      tpu.wait_dma2 semaphore(%run_scoped3A : memref<!tpu.dma_semaphore, #tpu.memory_space<semaphore_mem>>) src(%arg6 : memref<128x64xf32, #tpu.memory_space<vmem>>) dst(%dma_wait3A_368 : memref<128x64xf32, #tpu.memory_space<hbm>>)
      tpu.yield
    }) : () -> ()
    %dma_start3A_62 = arith.constant 4 : i32
    %dma_start3A_63 = arith.constant 0 : i32
    %dma_start3A_64 = tpu.memref_slice %arg5[%dma_start3A_62, %dma_start3A_63] : memref<20x128xi32, #tpu.memory_space<vmem>> -> memref<1x128xi32, #tpu.memory_space<vmem>>
    %dma_start3A_65 = tpu.memref_squeeze %dma_start3A_64 : memref<1x128xi32, #tpu.memory_space<vmem>> -> memref<128xi32, #tpu.memory_space<vmem>>
    %dma_start3A_66 = arith.constant 0 : i32
    %dma_start3A_67 = arith.constant 0 : i32
    %dma_start3A_68 = tpu.memref_slice %arg2[%dma_start3A_66, %dma_start3A_67] : memref<1000000x64xf32, #tpu.memory_space<hbm>> -> memref<1000000x64xf32, #tpu.memory_space<hbm>>
    tpu.enqueue_indirect_dma source(%dma_start3A_68 : memref<1000000x64xf32, #tpu.memory_space<hbm>>) target(%arg6 : memref<128x64xf32, #tpu.memory_space<vmem>>) offsets(%dma_start3A_65 : memref<128xi32, #tpu.memory_space<vmem>>) semaphore(%arg8 : memref<!tpu.dma_semaphore, #tpu.memory_space<semaphore_mem>>)
    %dma_wait3A_69 = arith.constant 3 : i32
    %dma_wait3A_70 = arith.constant 0 : i32
    %dma_wait3A_71 = tpu.memref_slice %arg5[%dma_wait3A_69, %dma_wait3A_70] : memref<20x128xi32, #tpu.memory_space<vmem>> -> memref<1x128xi32, #tpu.memory_space<vmem>>
    %dma_wait3A_72 = tpu.memref_squeeze %dma_wait3A_71 : memref<1x128xi32, #tpu.memory_space<vmem>> -> memref<128xi32, #tpu.memory_space<vmem>>
    %dma_wait3A_73 = arith.constant 0 : i32
    %dma_wait3A_74 = arith.constant 0 : i32
    %dma_wait3A_75 = tpu.memref_slice %arg2[%dma_wait3A_73, %dma_wait3A_74] : memref<1000000x64xf32, #tpu.memory_space<hbm>> -> memref<1000000x64xf32, #tpu.memory_space<hbm>>
    tpu.wait_indirect_dma semaphore(%arg9 : memref<!tpu.dma_semaphore, #tpu.memory_space<semaphore_mem>>) src(%dma_wait3A_75 : memref<1000000x64xf32, #tpu.memory_space<hbm>>) dst(%arg7 : memref<128x64xf32, #tpu.memory_space<vmem>>)
    %add3A_76 = arith.constant 3 : i32
    %add3A_77 = arith.addi %mul3A_2, %add3A_76 : i32
    %mul3A_78 = arith.constant 128 : i32
    %mul3A_79 = arith.muli %add3A_77, %mul3A_78 : i32
    "tpu.region"() ({
      %run_scoped3A = tpu.sem_alloc : memref<!tpu.dma_semaphore, #tpu.memory_space<semaphore_mem>>
      %dma_start3A_361 = arith.constant 0 : i32
      %dma_start3A_362 = tpu.memref_slice %arg4[%mul3A_79, %dma_start3A_361] : memref<81920x64xf32, #tpu.memory_space<hbm>> -> memref<128x64xf32, #tpu.memory_space<hbm>>
      %dma_start3A_363 = arith.constant 0 : i32
      %dma_start3A_364 = tpu.memref_slice %arg4[%mul3A_79, %dma_start3A_363] : memref<81920x64xf32, #tpu.memory_space<hbm>> -> memref<128x64xf32, #tpu.memory_space<hbm>>
      tpu.enqueue_dma source(%arg7 : memref<128x64xf32, #tpu.memory_space<vmem>>) target(%dma_start3A_364 : memref<128x64xf32, #tpu.memory_space<hbm>>) target_semaphore(%run_scoped3A : memref<!tpu.dma_semaphore, #tpu.memory_space<semaphore_mem>>)
      %dma_wait3A_365 = arith.constant 0 : i32
      %dma_wait3A_366 = tpu.memref_slice %arg4[%mul3A_79, %dma_wait3A_365] : memref<81920x64xf32, #tpu.memory_space<hbm>> -> memref<128x64xf32, #tpu.memory_space<hbm>>
      %dma_wait3A_367 = arith.constant 0 : i32
      %dma_wait3A_368 = tpu.memref_slice %arg4[%mul3A_79, %dma_wait3A_367] : memref<81920x64xf32, #tpu.memory_space<hbm>> -> memref<128x64xf32, #tpu.memory_space<hbm>>
      tpu.wait_dma2 semaphore(%run_scoped3A : memref<!tpu.dma_semaphore, #tpu.memory_space<semaphore_mem>>) src(%arg7 : memref<128x64xf32, #tpu.memory_space<vmem>>) dst(%dma_wait3A_368 : memref<128x64xf32, #tpu.memory_space<hbm>>)
      tpu.yield
    }) : () -> ()
    %dma_start3A_80 = arith.constant 5 : i32
    %dma_start3A_81 = arith.constant 0 : i32
    %dma_start3A_82 = tpu.memref_slice %arg5[%dma_start3A_80, %dma_start3A_81] : memref<20x128xi32, #tpu.memory_space<vmem>> -> memref<1x128xi32, #tpu.memory_space<vmem>>
    %dma_start3A_83 = tpu.memref_squeeze %dma_start3A_82 : memref<1x128xi32, #tpu.memory_space<vmem>> -> memref<128xi32, #tpu.memory_space<vmem>>
    %dma_start3A_84 = arith.constant 0 : i32
    %dma_start3A_85 = arith.constant 0 : i32
    %dma_start3A_86 = tpu.memref_slice %arg2[%dma_start3A_84, %dma_start3A_85] : memref<1000000x64xf32, #tpu.memory_space<hbm>> -> memref<1000000x64xf32, #tpu.memory_space<hbm>>
    tpu.enqueue_indirect_dma source(%dma_start3A_86 : memref<1000000x64xf32, #tpu.memory_space<hbm>>) target(%arg7 : memref<128x64xf32, #tpu.memory_space<vmem>>) offsets(%dma_start3A_83 : memref<128xi32, #tpu.memory_space<vmem>>) semaphore(%arg9 : memref<!tpu.dma_semaphore, #tpu.memory_space<semaphore_mem>>)
    %dma_wait3A_87 = arith.constant 4 : i32
    %dma_wait3A_88 = arith.constant 0 : i32
    %dma_wait3A_89 = tpu.memref_slice %arg5[%dma_wait3A_87, %dma_wait3A_88] : memref<20x128xi32, #tpu.memory_space<vmem>> -> memref<1x128xi32, #tpu.memory_space<vmem>>
    %dma_wait3A_90 = tpu.memref_squeeze %dma_wait3A_89 : memref<1x128xi32, #tpu.memory_space<vmem>> -> memref<128xi32, #tpu.memory_space<vmem>>
    %dma_wait3A_91 = arith.constant 0 : i32
    %dma_wait3A_92 = arith.constant 0 : i32
    %dma_wait3A_93 = tpu.memref_slice %arg2[%dma_wait3A_91, %dma_wait3A_92] : memref<1000000x64xf32, #tpu.memory_space<hbm>> -> memref<1000000x64xf32, #tpu.memory_space<hbm>>
    tpu.wait_indirect_dma semaphore(%arg8 : memref<!tpu.dma_semaphore, #tpu.memory_space<semaphore_mem>>) src(%dma_wait3A_93 : memref<1000000x64xf32, #tpu.memory_space<hbm>>) dst(%arg6 : memref<128x64xf32, #tpu.memory_space<vmem>>)
    %add3A_94 = arith.constant 4 : i32
    %add3A_95 = arith.addi %mul3A_2, %add3A_94 : i32
    %mul3A_96 = arith.constant 128 : i32
    %mul3A_97 = arith.muli %add3A_95, %mul3A_96 : i32
    "tpu.region"() ({
      %run_scoped3A = tpu.sem_alloc : memref<!tpu.dma_semaphore, #tpu.memory_space<semaphore_mem>>
      %dma_start3A_361 = arith.constant 0 : i32
      %dma_start3A_362 = tpu.memref_slice %arg4[%mul3A_97, %dma_start3A_361] : memref<81920x64xf32, #tpu.memory_space<hbm>> -> memref<128x64xf32, #tpu.memory_space<hbm>>
      %dma_start3A_363 = arith.constant 0 : i32
      %dma_start3A_364 = tpu.memref_slice %arg4[%mul3A_97, %dma_start3A_363] : memref<81920x64xf32, #tpu.memory_space<hbm>> -> memref<128x64xf32, #tpu.memory_space<hbm>>
      tpu.enqueue_dma source(%arg6 : memref<128x64xf32, #tpu.memory_space<vmem>>) target(%dma_start3A_364 : memref<128x64xf32, #tpu.memory_space<hbm>>) target_semaphore(%run_scoped3A : memref<!tpu.dma_semaphore, #tpu.memory_space<semaphore_mem>>)
      %dma_wait3A_365 = arith.constant 0 : i32
      %dma_wait3A_366 = tpu.memref_slice %arg4[%mul3A_97, %dma_wait3A_365] : memref<81920x64xf32, #tpu.memory_space<hbm>> -> memref<128x64xf32, #tpu.memory_space<hbm>>
      %dma_wait3A_367 = arith.constant 0 : i32
      %dma_wait3A_368 = tpu.memref_slice %arg4[%mul3A_97, %dma_wait3A_367] : memref<81920x64xf32, #tpu.memory_space<hbm>> -> memref<128x64xf32, #tpu.memory_space<hbm>>
      tpu.wait_dma2 semaphore(%run_scoped3A : memref<!tpu.dma_semaphore, #tpu.memory_space<semaphore_mem>>) src(%arg6 : memref<128x64xf32, #tpu.memory_space<vmem>>) dst(%dma_wait3A_368 : memref<128x64xf32, #tpu.memory_space<hbm>>)
      tpu.yield
    }) : () -> ()
    %dma_start3A_98 = arith.constant 6 : i32
    %dma_start3A_99 = arith.constant 0 : i32
    %dma_start3A_100 = tpu.memref_slice %arg5[%dma_start3A_98, %dma_start3A_99] : memref<20x128xi32, #tpu.memory_space<vmem>> -> memref<1x128xi32, #tpu.memory_space<vmem>>
    %dma_start3A_101 = tpu.memref_squeeze %dma_start3A_100 : memref<1x128xi32, #tpu.memory_space<vmem>> -> memref<128xi32, #tpu.memory_space<vmem>>
    %dma_start3A_102 = arith.constant 0 : i32
    %dma_start3A_103 = arith.constant 0 : i32
    %dma_start3A_104 = tpu.memref_slice %arg2[%dma_start3A_102, %dma_start3A_103] : memref<1000000x64xf32, #tpu.memory_space<hbm>> -> memref<1000000x64xf32, #tpu.memory_space<hbm>>
    tpu.enqueue_indirect_dma source(%dma_start3A_104 : memref<1000000x64xf32, #tpu.memory_space<hbm>>) target(%arg6 : memref<128x64xf32, #tpu.memory_space<vmem>>) offsets(%dma_start3A_101 : memref<128xi32, #tpu.memory_space<vmem>>) semaphore(%arg8 : memref<!tpu.dma_semaphore, #tpu.memory_space<semaphore_mem>>)
    %dma_wait3A_105 = arith.constant 5 : i32
    %dma_wait3A_106 = arith.constant 0 : i32
    %dma_wait3A_107 = tpu.memref_slice %arg5[%dma_wait3A_105, %dma_wait3A_106] : memref<20x128xi32, #tpu.memory_space<vmem>> -> memref<1x128xi32, #tpu.memory_space<vmem>>
    %dma_wait3A_108 = tpu.memref_squeeze %dma_wait3A_107 : memref<1x128xi32, #tpu.memory_space<vmem>> -> memref<128xi32, #tpu.memory_space<vmem>>
    %dma_wait3A_109 = arith.constant 0 : i32
    %dma_wait3A_110 = arith.constant 0 : i32
    %dma_wait3A_111 = tpu.memref_slice %arg2[%dma_wait3A_109, %dma_wait3A_110] : memref<1000000x64xf32, #tpu.memory_space<hbm>> -> memref<1000000x64xf32, #tpu.memory_space<hbm>>
    tpu.wait_indirect_dma semaphore(%arg9 : memref<!tpu.dma_semaphore, #tpu.memory_space<semaphore_mem>>) src(%dma_wait3A_111 : memref<1000000x64xf32, #tpu.memory_space<hbm>>) dst(%arg7 : memref<128x64xf32, #tpu.memory_space<vmem>>)
    %add3A_112 = arith.constant 5 : i32
    %add3A_113 = arith.addi %mul3A_2, %add3A_112 : i32
    %mul3A_114 = arith.constant 128 : i32
    %mul3A_115 = arith.muli %add3A_113, %mul3A_114 : i32
    "tpu.region"() ({
      %run_scoped3A = tpu.sem_alloc : memref<!tpu.dma_semaphore, #tpu.memory_space<semaphore_mem>>
      %dma_start3A_361 = arith.constant 0 : i32
      %dma_start3A_362 = tpu.memref_slice %arg4[%mul3A_115, %dma_start3A_361] : memref<81920x64xf32, #tpu.memory_space<hbm>> -> memref<128x64xf32, #tpu.memory_space<hbm>>
      %dma_start3A_363 = arith.constant 0 : i32
      %dma_start3A_364 = tpu.memref_slice %arg4[%mul3A_115, %dma_start3A_363] : memref<81920x64xf32, #tpu.memory_space<hbm>> -> memref<128x64xf32, #tpu.memory_space<hbm>>
      tpu.enqueue_dma source(%arg7 : memref<128x64xf32, #tpu.memory_space<vmem>>) target(%dma_start3A_364 : memref<128x64xf32, #tpu.memory_space<hbm>>) target_semaphore(%run_scoped3A : memref<!tpu.dma_semaphore, #tpu.memory_space<semaphore_mem>>)
      %dma_wait3A_365 = arith.constant 0 : i32
      %dma_wait3A_366 = tpu.memref_slice %arg4[%mul3A_115, %dma_wait3A_365] : memref<81920x64xf32, #tpu.memory_space<hbm>> -> memref<128x64xf32, #tpu.memory_space<hbm>>
      %dma_wait3A_367 = arith.constant 0 : i32
      %dma_wait3A_368 = tpu.memref_slice %arg4[%mul3A_115, %dma_wait3A_367] : memref<81920x64xf32, #tpu.memory_space<hbm>> -> memref<128x64xf32, #tpu.memory_space<hbm>>
      tpu.wait_dma2 semaphore(%run_scoped3A : memref<!tpu.dma_semaphore, #tpu.memory_space<semaphore_mem>>) src(%arg7 : memref<128x64xf32, #tpu.memory_space<vmem>>) dst(%dma_wait3A_368 : memref<128x64xf32, #tpu.memory_space<hbm>>)
      tpu.yield
    }) : () -> ()
    %dma_start3A_116 = arith.constant 7 : i32
    %dma_start3A_117 = arith.constant 0 : i32
    %dma_start3A_118 = tpu.memref_slice %arg5[%dma_start3A_116, %dma_start3A_117] : memref<20x128xi32, #tpu.memory_space<vmem>> -> memref<1x128xi32, #tpu.memory_space<vmem>>
    %dma_start3A_119 = tpu.memref_squeeze %dma_start3A_118 : memref<1x128xi32, #tpu.memory_space<vmem>> -> memref<128xi32, #tpu.memory_space<vmem>>
    %dma_start3A_120 = arith.constant 0 : i32
    %dma_start3A_121 = arith.constant 0 : i32
    %dma_start3A_122 = tpu.memref_slice %arg2[%dma_start3A_120, %dma_start3A_121] : memref<1000000x64xf32, #tpu.memory_space<hbm>> -> memref<1000000x64xf32, #tpu.memory_space<hbm>>
    tpu.enqueue_indirect_dma source(%dma_start3A_122 : memref<1000000x64xf32, #tpu.memory_space<hbm>>) target(%arg7 : memref<128x64xf32, #tpu.memory_space<vmem>>) offsets(%dma_start3A_119 : memref<128xi32, #tpu.memory_space<vmem>>) semaphore(%arg9 : memref<!tpu.dma_semaphore, #tpu.memory_space<semaphore_mem>>)
    %dma_wait3A_123 = arith.constant 6 : i32
    %dma_wait3A_124 = arith.constant 0 : i32
    %dma_wait3A_125 = tpu.memref_slice %arg5[%dma_wait3A_123, %dma_wait3A_124] : memref<20x128xi32, #tpu.memory_space<vmem>> -> memref<1x128xi32, #tpu.memory_space<vmem>>
    %dma_wait3A_126 = tpu.memref_squeeze %dma_wait3A_125 : memref<1x128xi32, #tpu.memory_space<vmem>> -> memref<128xi32, #tpu.memory_space<vmem>>
    %dma_wait3A_127 = arith.constant 0 : i32
    %dma_wait3A_128 = arith.constant 0 : i32
    %dma_wait3A_129 = tpu.memref_slice %arg2[%dma_wait3A_127, %dma_wait3A_128] : memref<1000000x64xf32, #tpu.memory_space<hbm>> -> memref<1000000x64xf32, #tpu.memory_space<hbm>>
    tpu.wait_indirect_dma semaphore(%arg8 : memref<!tpu.dma_semaphore, #tpu.memory_space<semaphore_mem>>) src(%dma_wait3A_129 : memref<1000000x64xf32, #tpu.memory_space<hbm>>) dst(%arg6 : memref<128x64xf32, #tpu.memory_space<vmem>>)
    %add3A_130 = arith.constant 6 : i32
    %add3A_131 = arith.addi %mul3A_2, %add3A_130 : i32
    %mul3A_132 = arith.constant 128 : i32
    %mul3A_133 = arith.muli %add3A_131, %mul3A_132 : i32
    "tpu.region"() ({
      %run_scoped3A = tpu.sem_alloc : memref<!tpu.dma_semaphore, #tpu.memory_space<semaphore_mem>>
      %dma_start3A_361 = arith.constant 0 : i32
      %dma_start3A_362 = tpu.memref_slice %arg4[%mul3A_133, %dma_start3A_361] : memref<81920x64xf32, #tpu.memory_space<hbm>> -> memref<128x64xf32, #tpu.memory_space<hbm>>
      %dma_start3A_363 = arith.constant 0 : i32
      %dma_start3A_364 = tpu.memref_slice %arg4[%mul3A_133, %dma_start3A_363] : memref<81920x64xf32, #tpu.memory_space<hbm>> -> memref<128x64xf32, #tpu.memory_space<hbm>>
      tpu.enqueue_dma source(%arg6 : memref<128x64xf32, #tpu.memory_space<vmem>>) target(%dma_start3A_364 : memref<128x64xf32, #tpu.memory_space<hbm>>) target_semaphore(%run_scoped3A : memref<!tpu.dma_semaphore, #tpu.memory_space<semaphore_mem>>)
      %dma_wait3A_365 = arith.constant 0 : i32
      %dma_wait3A_366 = tpu.memref_slice %arg4[%mul3A_133, %dma_wait3A_365] : memref<81920x64xf32, #tpu.memory_space<hbm>> -> memref<128x64xf32, #tpu.memory_space<hbm>>
      %dma_wait3A_367 = arith.constant 0 : i32
      %dma_wait3A_368 = tpu.memref_slice %arg4[%mul3A_133, %dma_wait3A_367] : memref<81920x64xf32, #tpu.memory_space<hbm>> -> memref<128x64xf32, #tpu.memory_space<hbm>>
      tpu.wait_dma2 semaphore(%run_scoped3A : memref<!tpu.dma_semaphore, #tpu.memory_space<semaphore_mem>>) src(%arg6 : memref<128x64xf32, #tpu.memory_space<vmem>>) dst(%dma_wait3A_368 : memref<128x64xf32, #tpu.memory_space<hbm>>)
      tpu.yield
    }) : () -> ()
    %dma_start3A_134 = arith.constant 8 : i32
    %dma_start3A_135 = arith.constant 0 : i32
    %dma_start3A_136 = tpu.memref_slice %arg5[%dma_start3A_134, %dma_start3A_135] : memref<20x128xi32, #tpu.memory_space<vmem>> -> memref<1x128xi32, #tpu.memory_space<vmem>>
    %dma_start3A_137 = tpu.memref_squeeze %dma_start3A_136 : memref<1x128xi32, #tpu.memory_space<vmem>> -> memref<128xi32, #tpu.memory_space<vmem>>
    %dma_start3A_138 = arith.constant 0 : i32
    %dma_start3A_139 = arith.constant 0 : i32
    %dma_start3A_140 = tpu.memref_slice %arg2[%dma_start3A_138, %dma_start3A_139] : memref<1000000x64xf32, #tpu.memory_space<hbm>> -> memref<1000000x64xf32, #tpu.memory_space<hbm>>
    tpu.enqueue_indirect_dma source(%dma_start3A_140 : memref<1000000x64xf32, #tpu.memory_space<hbm>>) target(%arg6 : memref<128x64xf32, #tpu.memory_space<vmem>>) offsets(%dma_start3A_137 : memref<128xi32, #tpu.memory_space<vmem>>) semaphore(%arg8 : memref<!tpu.dma_semaphore, #tpu.memory_space<semaphore_mem>>)
    %dma_wait3A_141 = arith.constant 7 : i32
    %dma_wait3A_142 = arith.constant 0 : i32
    %dma_wait3A_143 = tpu.memref_slice %arg5[%dma_wait3A_141, %dma_wait3A_142] : memref<20x128xi32, #tpu.memory_space<vmem>> -> memref<1x128xi32, #tpu.memory_space<vmem>>
    %dma_wait3A_144 = tpu.memref_squeeze %dma_wait3A_143 : memref<1x128xi32, #tpu.memory_space<vmem>> -> memref<128xi32, #tpu.memory_space<vmem>>
    %dma_wait3A_145 = arith.constant 0 : i32
    %dma_wait3A_146 = arith.constant 0 : i32
    %dma_wait3A_147 = tpu.memref_slice %arg2[%dma_wait3A_145, %dma_wait3A_146] : memref<1000000x64xf32, #tpu.memory_space<hbm>> -> memref<1000000x64xf32, #tpu.memory_space<hbm>>
    tpu.wait_indirect_dma semaphore(%arg9 : memref<!tpu.dma_semaphore, #tpu.memory_space<semaphore_mem>>) src(%dma_wait3A_147 : memref<1000000x64xf32, #tpu.memory_space<hbm>>) dst(%arg7 : memref<128x64xf32, #tpu.memory_space<vmem>>)
    %add3A_148 = arith.constant 7 : i32
    %add3A_149 = arith.addi %mul3A_2, %add3A_148 : i32
    %mul3A_150 = arith.constant 128 : i32
    %mul3A_151 = arith.muli %add3A_149, %mul3A_150 : i32
    "tpu.region"() ({
      %run_scoped3A = tpu.sem_alloc : memref<!tpu.dma_semaphore, #tpu.memory_space<semaphore_mem>>
      %dma_start3A_361 = arith.constant 0 : i32
      %dma_start3A_362 = tpu.memref_slice %arg4[%mul3A_151, %dma_start3A_361] : memref<81920x64xf32, #tpu.memory_space<hbm>> -> memref<128x64xf32, #tpu.memory_space<hbm>>
      %dma_start3A_363 = arith.constant 0 : i32
      %dma_start3A_364 = tpu.memref_slice %arg4[%mul3A_151, %dma_start3A_363] : memref<81920x64xf32, #tpu.memory_space<hbm>> -> memref<128x64xf32, #tpu.memory_space<hbm>>
      tpu.enqueue_dma source(%arg7 : memref<128x64xf32, #tpu.memory_space<vmem>>) target(%dma_start3A_364 : memref<128x64xf32, #tpu.memory_space<hbm>>) target_semaphore(%run_scoped3A : memref<!tpu.dma_semaphore, #tpu.memory_space<semaphore_mem>>)
      %dma_wait3A_365 = arith.constant 0 : i32
      %dma_wait3A_366 = tpu.memref_slice %arg4[%mul3A_151, %dma_wait3A_365] : memref<81920x64xf32, #tpu.memory_space<hbm>> -> memref<128x64xf32, #tpu.memory_space<hbm>>
      %dma_wait3A_367 = arith.constant 0 : i32
      %dma_wait3A_368 = tpu.memref_slice %arg4[%mul3A_151, %dma_wait3A_367] : memref<81920x64xf32, #tpu.memory_space<hbm>> -> memref<128x64xf32, #tpu.memory_space<hbm>>
      tpu.wait_dma2 semaphore(%run_scoped3A : memref<!tpu.dma_semaphore, #tpu.memory_space<semaphore_mem>>) src(%arg7 : memref<128x64xf32, #tpu.memory_space<vmem>>) dst(%dma_wait3A_368 : memref<128x64xf32, #tpu.memory_space<hbm>>)
      tpu.yield
    }) : () -> ()
    %dma_start3A_152 = arith.constant 9 : i32
    %dma_start3A_153 = arith.constant 0 : i32
    %dma_start3A_154 = tpu.memref_slice %arg5[%dma_start3A_152, %dma_start3A_153] : memref<20x128xi32, #tpu.memory_space<vmem>> -> memref<1x128xi32, #tpu.memory_space<vmem>>
    %dma_start3A_155 = tpu.memref_squeeze %dma_start3A_154 : memref<1x128xi32, #tpu.memory_space<vmem>> -> memref<128xi32, #tpu.memory_space<vmem>>
    %dma_start3A_156 = arith.constant 0 : i32
    %dma_start3A_157 = arith.constant 0 : i32
    %dma_start3A_158 = tpu.memref_slice %arg2[%dma_start3A_156, %dma_start3A_157] : memref<1000000x64xf32, #tpu.memory_space<hbm>> -> memref<1000000x64xf32, #tpu.memory_space<hbm>>
    tpu.enqueue_indirect_dma source(%dma_start3A_158 : memref<1000000x64xf32, #tpu.memory_space<hbm>>) target(%arg7 : memref<128x64xf32, #tpu.memory_space<vmem>>) offsets(%dma_start3A_155 : memref<128xi32, #tpu.memory_space<vmem>>) semaphore(%arg9 : memref<!tpu.dma_semaphore, #tpu.memory_space<semaphore_mem>>)
    %dma_wait3A_159 = arith.constant 8 : i32
    %dma_wait3A_160 = arith.constant 0 : i32
    %dma_wait3A_161 = tpu.memref_slice %arg5[%dma_wait3A_159, %dma_wait3A_160] : memref<20x128xi32, #tpu.memory_space<vmem>> -> memref<1x128xi32, #tpu.memory_space<vmem>>
    %dma_wait3A_162 = tpu.memref_squeeze %dma_wait3A_161 : memref<1x128xi32, #tpu.memory_space<vmem>> -> memref<128xi32, #tpu.memory_space<vmem>>
    %dma_wait3A_163 = arith.constant 0 : i32
    %dma_wait3A_164 = arith.constant 0 : i32
    %dma_wait3A_165 = tpu.memref_slice %arg2[%dma_wait3A_163, %dma_wait3A_164] : memref<1000000x64xf32, #tpu.memory_space<hbm>> -> memref<1000000x64xf32, #tpu.memory_space<hbm>>
    tpu.wait_indirect_dma semaphore(%arg8 : memref<!tpu.dma_semaphore, #tpu.memory_space<semaphore_mem>>) src(%dma_wait3A_165 : memref<1000000x64xf32, #tpu.memory_space<hbm>>) dst(%arg6 : memref<128x64xf32, #tpu.memory_space<vmem>>)
    %add3A_166 = arith.constant 8 : i32
    %add3A_167 = arith.addi %mul3A_2, %add3A_166 : i32
    %mul3A_168 = arith.constant 128 : i32
    %mul3A_169 = arith.muli %add3A_167, %mul3A_168 : i32
    "tpu.region"() ({
      %run_scoped3A = tpu.sem_alloc : memref<!tpu.dma_semaphore, #tpu.memory_space<semaphore_mem>>
      %dma_start3A_361 = arith.constant 0 : i32
      %dma_start3A_362 = tpu.memref_slice %arg4[%mul3A_169, %dma_start3A_361] : memref<81920x64xf32, #tpu.memory_space<hbm>> -> memref<128x64xf32, #tpu.memory_space<hbm>>
      %dma_start3A_363 = arith.constant 0 : i32
      %dma_start3A_364 = tpu.memref_slice %arg4[%mul3A_169, %dma_start3A_363] : memref<81920x64xf32, #tpu.memory_space<hbm>> -> memref<128x64xf32, #tpu.memory_space<hbm>>
      tpu.enqueue_dma source(%arg6 : memref<128x64xf32, #tpu.memory_space<vmem>>) target(%dma_start3A_364 : memref<128x64xf32, #tpu.memory_space<hbm>>) target_semaphore(%run_scoped3A : memref<!tpu.dma_semaphore, #tpu.memory_space<semaphore_mem>>)
      %dma_wait3A_365 = arith.constant 0 : i32
      %dma_wait3A_366 = tpu.memref_slice %arg4[%mul3A_169, %dma_wait3A_365] : memref<81920x64xf32, #tpu.memory_space<hbm>> -> memref<128x64xf32, #tpu.memory_space<hbm>>
      %dma_wait3A_367 = arith.constant 0 : i32
      %dma_wait3A_368 = tpu.memref_slice %arg4[%mul3A_169, %dma_wait3A_367] : memref<81920x64xf32, #tpu.memory_space<hbm>> -> memref<128x64xf32, #tpu.memory_space<hbm>>
      tpu.wait_dma2 semaphore(%run_scoped3A : memref<!tpu.dma_semaphore, #tpu.memory_space<semaphore_mem>>) src(%arg6 : memref<128x64xf32, #tpu.memory_space<vmem>>) dst(%dma_wait3A_368 : memref<128x64xf32, #tpu.memory_space<hbm>>)
      tpu.yield
    }) : () -> ()
    %dma_start3A_170 = arith.constant 10 : i32
    %dma_start3A_171 = arith.constant 0 : i32
    %dma_start3A_172 = tpu.memref_slice %arg5[%dma_start3A_170, %dma_start3A_171] : memref<20x128xi32, #tpu.memory_space<vmem>> -> memref<1x128xi32, #tpu.memory_space<vmem>>
    %dma_start3A_173 = tpu.memref_squeeze %dma_start3A_172 : memref<1x128xi32, #tpu.memory_space<vmem>> -> memref<128xi32, #tpu.memory_space<vmem>>
    %dma_start3A_174 = arith.constant 0 : i32
    %dma_start3A_175 = arith.constant 0 : i32
    %dma_start3A_176 = tpu.memref_slice %arg2[%dma_start3A_174, %dma_start3A_175] : memref<1000000x64xf32, #tpu.memory_space<hbm>> -> memref<1000000x64xf32, #tpu.memory_space<hbm>>
    tpu.enqueue_indirect_dma source(%dma_start3A_176 : memref<1000000x64xf32, #tpu.memory_space<hbm>>) target(%arg6 : memref<128x64xf32, #tpu.memory_space<vmem>>) offsets(%dma_start3A_173 : memref<128xi32, #tpu.memory_space<vmem>>) semaphore(%arg8 : memref<!tpu.dma_semaphore, #tpu.memory_space<semaphore_mem>>)
    %dma_wait3A_177 = arith.constant 9 : i32
    %dma_wait3A_178 = arith.constant 0 : i32
    %dma_wait3A_179 = tpu.memref_slice %arg5[%dma_wait3A_177, %dma_wait3A_178] : memref<20x128xi32, #tpu.memory_space<vmem>> -> memref<1x128xi32, #tpu.memory_space<vmem>>
    %dma_wait3A_180 = tpu.memref_squeeze %dma_wait3A_179 : memref<1x128xi32, #tpu.memory_space<vmem>> -> memref<128xi32, #tpu.memory_space<vmem>>
    %dma_wait3A_181 = arith.constant 0 : i32
    %dma_wait3A_182 = arith.constant 0 : i32
    %dma_wait3A_183 = tpu.memref_slice %arg2[%dma_wait3A_181, %dma_wait3A_182] : memref<1000000x64xf32, #tpu.memory_space<hbm>> -> memref<1000000x64xf32, #tpu.memory_space<hbm>>
    tpu.wait_indirect_dma semaphore(%arg9 : memref<!tpu.dma_semaphore, #tpu.memory_space<semaphore_mem>>) src(%dma_wait3A_183 : memref<1000000x64xf32, #tpu.memory_space<hbm>>) dst(%arg7 : memref<128x64xf32, #tpu.memory_space<vmem>>)
    %add3A_184 = arith.constant 9 : i32
    %add3A_185 = arith.addi %mul3A_2, %add3A_184 : i32
    %mul3A_186 = arith.constant 128 : i32
    %mul3A_187 = arith.muli %add3A_185, %mul3A_186 : i32
    "tpu.region"() ({
      %run_scoped3A = tpu.sem_alloc : memref<!tpu.dma_semaphore, #tpu.memory_space<semaphore_mem>>
      %dma_start3A_361 = arith.constant 0 : i32
      %dma_start3A_362 = tpu.memref_slice %arg4[%mul3A_187, %dma_start3A_361] : memref<81920x64xf32, #tpu.memory_space<hbm>> -> memref<128x64xf32, #tpu.memory_space<hbm>>
      %dma_start3A_363 = arith.constant 0 : i32
      %dma_start3A_364 = tpu.memref_slice %arg4[%mul3A_187, %dma_start3A_363] : memref<81920x64xf32, #tpu.memory_space<hbm>> -> memref<128x64xf32, #tpu.memory_space<hbm>>
      tpu.enqueue_dma source(%arg7 : memref<128x64xf32, #tpu.memory_space<vmem>>) target(%dma_start3A_364 : memref<128x64xf32, #tpu.memory_space<hbm>>) target_semaphore(%run_scoped3A : memref<!tpu.dma_semaphore, #tpu.memory_space<semaphore_mem>>)
      %dma_wait3A_365 = arith.constant 0 : i32
      %dma_wait3A_366 = tpu.memref_slice %arg4[%mul3A_187, %dma_wait3A_365] : memref<81920x64xf32, #tpu.memory_space<hbm>> -> memref<128x64xf32, #tpu.memory_space<hbm>>
      %dma_wait3A_367 = arith.constant 0 : i32
      %dma_wait3A_368 = tpu.memref_slice %arg4[%mul3A_187, %dma_wait3A_367] : memref<81920x64xf32, #tpu.memory_space<hbm>> -> memref<128x64xf32, #tpu.memory_space<hbm>>
      tpu.wait_dma2 semaphore(%run_scoped3A : memref<!tpu.dma_semaphore, #tpu.memory_space<semaphore_mem>>) src(%arg7 : memref<128x64xf32, #tpu.memory_space<vmem>>) dst(%dma_wait3A_368 : memref<128x64xf32, #tpu.memory_space<hbm>>)
      tpu.yield
    }) : () -> ()
    %dma_start3A_188 = arith.constant 11 : i32
    %dma_start3A_189 = arith.constant 0 : i32
    %dma_start3A_190 = tpu.memref_slice %arg5[%dma_start3A_188, %dma_start3A_189] : memref<20x128xi32, #tpu.memory_space<vmem>> -> memref<1x128xi32, #tpu.memory_space<vmem>>
    %dma_start3A_191 = tpu.memref_squeeze %dma_start3A_190 : memref<1x128xi32, #tpu.memory_space<vmem>> -> memref<128xi32, #tpu.memory_space<vmem>>
    %dma_start3A_192 = arith.constant 0 : i32
    %dma_start3A_193 = arith.constant 0 : i32
    %dma_start3A_194 = tpu.memref_slice %arg2[%dma_start3A_192, %dma_start3A_193] : memref<1000000x64xf32, #tpu.memory_space<hbm>> -> memref<1000000x64xf32, #tpu.memory_space<hbm>>
    tpu.enqueue_indirect_dma source(%dma_start3A_194 : memref<1000000x64xf32, #tpu.memory_space<hbm>>) target(%arg7 : memref<128x64xf32, #tpu.memory_space<vmem>>) offsets(%dma_start3A_191 : memref<128xi32, #tpu.memory_space<vmem>>) semaphore(%arg9 : memref<!tpu.dma_semaphore, #tpu.memory_space<semaphore_mem>>)
    %dma_wait3A_195 = arith.constant 10 : i32
    %dma_wait3A_196 = arith.constant 0 : i32
    %dma_wait3A_197 = tpu.memref_slice %arg5[%dma_wait3A_195, %dma_wait3A_196] : memref<20x128xi32, #tpu.memory_space<vmem>> -> memref<1x128xi32, #tpu.memory_space<vmem>>
    %dma_wait3A_198 = tpu.memref_squeeze %dma_wait3A_197 : memref<1x128xi32, #tpu.memory_space<vmem>> -> memref<128xi32, #tpu.memory_space<vmem>>
    %dma_wait3A_199 = arith.constant 0 : i32
    %dma_wait3A_200 = arith.constant 0 : i32
    %dma_wait3A_201 = tpu.memref_slice %arg2[%dma_wait3A_199, %dma_wait3A_200] : memref<1000000x64xf32, #tpu.memory_space<hbm>> -> memref<1000000x64xf32, #tpu.memory_space<hbm>>
    tpu.wait_indirect_dma semaphore(%arg8 : memref<!tpu.dma_semaphore, #tpu.memory_space<semaphore_mem>>) src(%dma_wait3A_201 : memref<1000000x64xf32, #tpu.memory_space<hbm>>) dst(%arg6 : memref<128x64xf32, #tpu.memory_space<vmem>>)
    %add3A_202 = arith.constant 10 : i32
    %add3A_203 = arith.addi %mul3A_2, %add3A_202 : i32
    %mul3A_204 = arith.constant 128 : i32
    %mul3A_205 = arith.muli %add3A_203, %mul3A_204 : i32
    "tpu.region"() ({
      %run_scoped3A = tpu.sem_alloc : memref<!tpu.dma_semaphore, #tpu.memory_space<semaphore_mem>>
      %dma_start3A_361 = arith.constant 0 : i32
      %dma_start3A_362 = tpu.memref_slice %arg4[%mul3A_205, %dma_start3A_361] : memref<81920x64xf32, #tpu.memory_space<hbm>> -> memref<128x64xf32, #tpu.memory_space<hbm>>
      %dma_start3A_363 = arith.constant 0 : i32
      %dma_start3A_364 = tpu.memref_slice %arg4[%mul3A_205, %dma_start3A_363] : memref<81920x64xf32, #tpu.memory_space<hbm>> -> memref<128x64xf32, #tpu.memory_space<hbm>>
      tpu.enqueue_dma source(%arg6 : memref<128x64xf32, #tpu.memory_space<vmem>>) target(%dma_start3A_364 : memref<128x64xf32, #tpu.memory_space<hbm>>) target_semaphore(%run_scoped3A : memref<!tpu.dma_semaphore, #tpu.memory_space<semaphore_mem>>)
      %dma_wait3A_365 = arith.constant 0 : i32
      %dma_wait3A_366 = tpu.memref_slice %arg4[%mul3A_205, %dma_wait3A_365] : memref<81920x64xf32, #tpu.memory_space<hbm>> -> memref<128x64xf32, #tpu.memory_space<hbm>>
      %dma_wait3A_367 = arith.constant 0 : i32
      %dma_wait3A_368 = tpu.memref_slice %arg4[%mul3A_205, %dma_wait3A_367] : memref<81920x64xf32, #tpu.memory_space<hbm>> -> memref<128x64xf32, #tpu.memory_space<hbm>>
      tpu.wait_dma2 semaphore(%run_scoped3A : memref<!tpu.dma_semaphore, #tpu.memory_space<semaphore_mem>>) src(%arg6 : memref<128x64xf32, #tpu.memory_space<vmem>>) dst(%dma_wait3A_368 : memref<128x64xf32, #tpu.memory_space<hbm>>)
      tpu.yield
    }) : () -> ()
    %dma_start3A_206 = arith.constant 12 : i32
    %dma_start3A_207 = arith.constant 0 : i32
    %dma_start3A_208 = tpu.memref_slice %arg5[%dma_start3A_206, %dma_start3A_207] : memref<20x128xi32, #tpu.memory_space<vmem>> -> memref<1x128xi32, #tpu.memory_space<vmem>>
    %dma_start3A_209 = tpu.memref_squeeze %dma_start3A_208 : memref<1x128xi32, #tpu.memory_space<vmem>> -> memref<128xi32, #tpu.memory_space<vmem>>
    %dma_start3A_210 = arith.constant 0 : i32
    %dma_start3A_211 = arith.constant 0 : i32
    %dma_start3A_212 = tpu.memref_slice %arg2[%dma_start3A_210, %dma_start3A_211] : memref<1000000x64xf32, #tpu.memory_space<hbm>> -> memref<1000000x64xf32, #tpu.memory_space<hbm>>
    tpu.enqueue_indirect_dma source(%dma_start3A_212 : memref<1000000x64xf32, #tpu.memory_space<hbm>>) target(%arg6 : memref<128x64xf32, #tpu.memory_space<vmem>>) offsets(%dma_start3A_209 : memref<128xi32, #tpu.memory_space<vmem>>) semaphore(%arg8 : memref<!tpu.dma_semaphore, #tpu.memory_space<semaphore_mem>>)
    %dma_wait3A_213 = arith.constant 11 : i32
    %dma_wait3A_214 = arith.constant 0 : i32
    %dma_wait3A_215 = tpu.memref_slice %arg5[%dma_wait3A_213, %dma_wait3A_214] : memref<20x128xi32, #tpu.memory_space<vmem>> -> memref<1x128xi32, #tpu.memory_space<vmem>>
    %dma_wait3A_216 = tpu.memref_squeeze %dma_wait3A_215 : memref<1x128xi32, #tpu.memory_space<vmem>> -> memref<128xi32, #tpu.memory_space<vmem>>
    %dma_wait3A_217 = arith.constant 0 : i32
    %dma_wait3A_218 = arith.constant 0 : i32
    %dma_wait3A_219 = tpu.memref_slice %arg2[%dma_wait3A_217, %dma_wait3A_218] : memref<1000000x64xf32, #tpu.memory_space<hbm>> -> memref<1000000x64xf32, #tpu.memory_space<hbm>>
    tpu.wait_indirect_dma semaphore(%arg9 : memref<!tpu.dma_semaphore, #tpu.memory_space<semaphore_mem>>) src(%dma_wait3A_219 : memref<1000000x64xf32, #tpu.memory_space<hbm>>) dst(%arg7 : memref<128x64xf32, #tpu.memory_space<vmem>>)
    %add3A_220 = arith.constant 11 : i32
    %add3A_221 = arith.addi %mul3A_2, %add3A_220 : i32
    %mul3A_222 = arith.constant 128 : i32
    %mul3A_223 = arith.muli %add3A_221, %mul3A_222 : i32
    "tpu.region"() ({
      %run_scoped3A = tpu.sem_alloc : memref<!tpu.dma_semaphore, #tpu.memory_space<semaphore_mem>>
      %dma_start3A_361 = arith.constant 0 : i32
      %dma_start3A_362 = tpu.memref_slice %arg4[%mul3A_223, %dma_start3A_361] : memref<81920x64xf32, #tpu.memory_space<hbm>> -> memref<128x64xf32, #tpu.memory_space<hbm>>
      %dma_start3A_363 = arith.constant 0 : i32
      %dma_start3A_364 = tpu.memref_slice %arg4[%mul3A_223, %dma_start3A_363] : memref<81920x64xf32, #tpu.memory_space<hbm>> -> memref<128x64xf32, #tpu.memory_space<hbm>>
      tpu.enqueue_dma source(%arg7 : memref<128x64xf32, #tpu.memory_space<vmem>>) target(%dma_start3A_364 : memref<128x64xf32, #tpu.memory_space<hbm>>) target_semaphore(%run_scoped3A : memref<!tpu.dma_semaphore, #tpu.memory_space<semaphore_mem>>)
      %dma_wait3A_365 = arith.constant 0 : i32
      %dma_wait3A_366 = tpu.memref_slice %arg4[%mul3A_223, %dma_wait3A_365] : memref<81920x64xf32, #tpu.memory_space<hbm>> -> memref<128x64xf32, #tpu.memory_space<hbm>>
      %dma_wait3A_367 = arith.constant 0 : i32
      %dma_wait3A_368 = tpu.memref_slice %arg4[%mul3A_223, %dma_wait3A_367] : memref<81920x64xf32, #tpu.memory_space<hbm>> -> memref<128x64xf32, #tpu.memory_space<hbm>>
      tpu.wait_dma2 semaphore(%run_scoped3A : memref<!tpu.dma_semaphore, #tpu.memory_space<semaphore_mem>>) src(%arg7 : memref<128x64xf32, #tpu.memory_space<vmem>>) dst(%dma_wait3A_368 : memref<128x64xf32, #tpu.memory_space<hbm>>)
      tpu.yield
    }) : () -> ()
    %dma_start3A_224 = arith.constant 13 : i32
    %dma_start3A_225 = arith.constant 0 : i32
    %dma_start3A_226 = tpu.memref_slice %arg5[%dma_start3A_224, %dma_start3A_225] : memref<20x128xi32, #tpu.memory_space<vmem>> -> memref<1x128xi32, #tpu.memory_space<vmem>>
    %dma_start3A_227 = tpu.memref_squeeze %dma_start3A_226 : memref<1x128xi32, #tpu.memory_space<vmem>> -> memref<128xi32, #tpu.memory_space<vmem>>
    %dma_start3A_228 = arith.constant 0 : i32
    %dma_start3A_229 = arith.constant 0 : i32
    %dma_start3A_230 = tpu.memref_slice %arg2[%dma_start3A_228, %dma_start3A_229] : memref<1000000x64xf32, #tpu.memory_space<hbm>> -> memref<1000000x64xf32, #tpu.memory_space<hbm>>
    tpu.enqueue_indirect_dma source(%dma_start3A_230 : memref<1000000x64xf32, #tpu.memory_space<hbm>>) target(%arg7 : memref<128x64xf32, #tpu.memory_space<vmem>>) offsets(%dma_start3A_227 : memref<128xi32, #tpu.memory_space<vmem>>) semaphore(%arg9 : memref<!tpu.dma_semaphore, #tpu.memory_space<semaphore_mem>>)
    %dma_wait3A_231 = arith.constant 12 : i32
    %dma_wait3A_232 = arith.constant 0 : i32
    %dma_wait3A_233 = tpu.memref_slice %arg5[%dma_wait3A_231, %dma_wait3A_232] : memref<20x128xi32, #tpu.memory_space<vmem>> -> memref<1x128xi32, #tpu.memory_space<vmem>>
    %dma_wait3A_234 = tpu.memref_squeeze %dma_wait3A_233 : memref<1x128xi32, #tpu.memory_space<vmem>> -> memref<128xi32, #tpu.memory_space<vmem>>
    %dma_wait3A_235 = arith.constant 0 : i32
    %dma_wait3A_236 = arith.constant 0 : i32
    %dma_wait3A_237 = tpu.memref_slice %arg2[%dma_wait3A_235, %dma_wait3A_236] : memref<1000000x64xf32, #tpu.memory_space<hbm>> -> memref<1000000x64xf32, #tpu.memory_space<hbm>>
    tpu.wait_indirect_dma semaphore(%arg8 : memref<!tpu.dma_semaphore, #tpu.memory_space<semaphore_mem>>) src(%dma_wait3A_237 : memref<1000000x64xf32, #tpu.memory_space<hbm>>) dst(%arg6 : memref<128x64xf32, #tpu.memory_space<vmem>>)
    %add3A_238 = arith.constant 12 : i32
    %add3A_239 = arith.addi %mul3A_2, %add3A_238 : i32
    %mul3A_240 = arith.constant 128 : i32
    %mul3A_241 = arith.muli %add3A_239, %mul3A_240 : i32
    "tpu.region"() ({
      %run_scoped3A = tpu.sem_alloc : memref<!tpu.dma_semaphore, #tpu.memory_space<semaphore_mem>>
      %dma_start3A_361 = arith.constant 0 : i32
      %dma_start3A_362 = tpu.memref_slice %arg4[%mul3A_241, %dma_start3A_361] : memref<81920x64xf32, #tpu.memory_space<hbm>> -> memref<128x64xf32, #tpu.memory_space<hbm>>
      %dma_start3A_363 = arith.constant 0 : i32
      %dma_start3A_364 = tpu.memref_slice %arg4[%mul3A_241, %dma_start3A_363] : memref<81920x64xf32, #tpu.memory_space<hbm>> -> memref<128x64xf32, #tpu.memory_space<hbm>>
      tpu.enqueue_dma source(%arg6 : memref<128x64xf32, #tpu.memory_space<vmem>>) target(%dma_start3A_364 : memref<128x64xf32, #tpu.memory_space<hbm>>) target_semaphore(%run_scoped3A : memref<!tpu.dma_semaphore, #tpu.memory_space<semaphore_mem>>)
      %dma_wait3A_365 = arith.constant 0 : i32
      %dma_wait3A_366 = tpu.memref_slice %arg4[%mul3A_241, %dma_wait3A_365] : memref<81920x64xf32, #tpu.memory_space<hbm>> -> memref<128x64xf32, #tpu.memory_space<hbm>>
      %dma_wait3A_367 = arith.constant 0 : i32
      %dma_wait3A_368 = tpu.memref_slice %arg4[%mul3A_241, %dma_wait3A_367] : memref<81920x64xf32, #tpu.memory_space<hbm>> -> memref<128x64xf32, #tpu.memory_space<hbm>>
      tpu.wait_dma2 semaphore(%run_scoped3A : memref<!tpu.dma_semaphore, #tpu.memory_space<semaphore_mem>>) src(%arg6 : memref<128x64xf32, #tpu.memory_space<vmem>>) dst(%dma_wait3A_368 : memref<128x64xf32, #tpu.memory_space<hbm>>)
      tpu.yield
    }) : () -> ()
    %dma_start3A_242 = arith.constant 14 : i32
    %dma_start3A_243 = arith.constant 0 : i32
    %dma_start3A_244 = tpu.memref_slice %arg5[%dma_start3A_242, %dma_start3A_243] : memref<20x128xi32, #tpu.memory_space<vmem>> -> memref<1x128xi32, #tpu.memory_space<vmem>>
    %dma_start3A_245 = tpu.memref_squeeze %dma_start3A_244 : memref<1x128xi32, #tpu.memory_space<vmem>> -> memref<128xi32, #tpu.memory_space<vmem>>
    %dma_start3A_246 = arith.constant 0 : i32
    %dma_start3A_247 = arith.constant 0 : i32
    %dma_start3A_248 = tpu.memref_slice %arg2[%dma_start3A_246, %dma_start3A_247] : memref<1000000x64xf32, #tpu.memory_space<hbm>> -> memref<1000000x64xf32, #tpu.memory_space<hbm>>
    tpu.enqueue_indirect_dma source(%dma_start3A_248 : memref<1000000x64xf32, #tpu.memory_space<hbm>>) target(%arg6 : memref<128x64xf32, #tpu.memory_space<vmem>>) offsets(%dma_start3A_245 : memref<128xi32, #tpu.memory_space<vmem>>) semaphore(%arg8 : memref<!tpu.dma_semaphore, #tpu.memory_space<semaphore_mem>>)
    %dma_wait3A_249 = arith.constant 13 : i32
    %dma_wait3A_250 = arith.constant 0 : i32
    %dma_wait3A_251 = tpu.memref_slice %arg5[%dma_wait3A_249, %dma_wait3A_250] : memref<20x128xi32, #tpu.memory_space<vmem>> -> memref<1x128xi32, #tpu.memory_space<vmem>>
    %dma_wait3A_252 = tpu.memref_squeeze %dma_wait3A_251 : memref<1x128xi32, #tpu.memory_space<vmem>> -> memref<128xi32, #tpu.memory_space<vmem>>
    %dma_wait3A_253 = arith.constant 0 : i32
    %dma_wait3A_254 = arith.constant 0 : i32
    %dma_wait3A_255 = tpu.memref_slice %arg2[%dma_wait3A_253, %dma_wait3A_254] : memref<1000000x64xf32, #tpu.memory_space<hbm>> -> memref<1000000x64xf32, #tpu.memory_space<hbm>>
    tpu.wait_indirect_dma semaphore(%arg9 : memref<!tpu.dma_semaphore, #tpu.memory_space<semaphore_mem>>) src(%dma_wait3A_255 : memref<1000000x64xf32, #tpu.memory_space<hbm>>) dst(%arg7 : memref<128x64xf32, #tpu.memory_space<vmem>>)
    %add3A_256 = arith.constant 13 : i32
    %add3A_257 = arith.addi %mul3A_2, %add3A_256 : i32
    %mul3A_258 = arith.constant 128 : i32
    %mul3A_259 = arith.muli %add3A_257, %mul3A_258 : i32
    "tpu.region"() ({
      %run_scoped3A = tpu.sem_alloc : memref<!tpu.dma_semaphore, #tpu.memory_space<semaphore_mem>>
      %dma_start3A_361 = arith.constant 0 : i32
      %dma_start3A_362 = tpu.memref_slice %arg4[%mul3A_259, %dma_start3A_361] : memref<81920x64xf32, #tpu.memory_space<hbm>> -> memref<128x64xf32, #tpu.memory_space<hbm>>
      %dma_start3A_363 = arith.constant 0 : i32
      %dma_start3A_364 = tpu.memref_slice %arg4[%mul3A_259, %dma_start3A_363] : memref<81920x64xf32, #tpu.memory_space<hbm>> -> memref<128x64xf32, #tpu.memory_space<hbm>>
      tpu.enqueue_dma source(%arg7 : memref<128x64xf32, #tpu.memory_space<vmem>>) target(%dma_start3A_364 : memref<128x64xf32, #tpu.memory_space<hbm>>) target_semaphore(%run_scoped3A : memref<!tpu.dma_semaphore, #tpu.memory_space<semaphore_mem>>)
      %dma_wait3A_365 = arith.constant 0 : i32
      %dma_wait3A_366 = tpu.memref_slice %arg4[%mul3A_259, %dma_wait3A_365] : memref<81920x64xf32, #tpu.memory_space<hbm>> -> memref<128x64xf32, #tpu.memory_space<hbm>>
      %dma_wait3A_367 = arith.constant 0 : i32
      %dma_wait3A_368 = tpu.memref_slice %arg4[%mul3A_259, %dma_wait3A_367] : memref<81920x64xf32, #tpu.memory_space<hbm>> -> memref<128x64xf32, #tpu.memory_space<hbm>>
      tpu.wait_dma2 semaphore(%run_scoped3A : memref<!tpu.dma_semaphore, #tpu.memory_space<semaphore_mem>>) src(%arg7 : memref<128x64xf32, #tpu.memory_space<vmem>>) dst(%dma_wait3A_368 : memref<128x64xf32, #tpu.memory_space<hbm>>)
      tpu.yield
    }) : () -> ()
    %dma_start3A_260 = arith.constant 15 : i32
    %dma_start3A_261 = arith.constant 0 : i32
    %dma_start3A_262 = tpu.memref_slice %arg5[%dma_start3A_260, %dma_start3A_261] : memref<20x128xi32, #tpu.memory_space<vmem>> -> memref<1x128xi32, #tpu.memory_space<vmem>>
    %dma_start3A_263 = tpu.memref_squeeze %dma_start3A_262 : memref<1x128xi32, #tpu.memory_space<vmem>> -> memref<128xi32, #tpu.memory_space<vmem>>
    %dma_start3A_264 = arith.constant 0 : i32
    %dma_start3A_265 = arith.constant 0 : i32
    %dma_start3A_266 = tpu.memref_slice %arg2[%dma_start3A_264, %dma_start3A_265] : memref<1000000x64xf32, #tpu.memory_space<hbm>> -> memref<1000000x64xf32, #tpu.memory_space<hbm>>
    tpu.enqueue_indirect_dma source(%dma_start3A_266 : memref<1000000x64xf32, #tpu.memory_space<hbm>>) target(%arg7 : memref<128x64xf32, #tpu.memory_space<vmem>>) offsets(%dma_start3A_263 : memref<128xi32, #tpu.memory_space<vmem>>) semaphore(%arg9 : memref<!tpu.dma_semaphore, #tpu.memory_space<semaphore_mem>>)
    %dma_wait3A_267 = arith.constant 14 : i32
    %dma_wait3A_268 = arith.constant 0 : i32
    %dma_wait3A_269 = tpu.memref_slice %arg5[%dma_wait3A_267, %dma_wait3A_268] : memref<20x128xi32, #tpu.memory_space<vmem>> -> memref<1x128xi32, #tpu.memory_space<vmem>>
    %dma_wait3A_270 = tpu.memref_squeeze %dma_wait3A_269 : memref<1x128xi32, #tpu.memory_space<vmem>> -> memref<128xi32, #tpu.memory_space<vmem>>
    %dma_wait3A_271 = arith.constant 0 : i32
    %dma_wait3A_272 = arith.constant 0 : i32
    %dma_wait3A_273 = tpu.memref_slice %arg2[%dma_wait3A_271, %dma_wait3A_272] : memref<1000000x64xf32, #tpu.memory_space<hbm>> -> memref<1000000x64xf32, #tpu.memory_space<hbm>>
    tpu.wait_indirect_dma semaphore(%arg8 : memref<!tpu.dma_semaphore, #tpu.memory_space<semaphore_mem>>) src(%dma_wait3A_273 : memref<1000000x64xf32, #tpu.memory_space<hbm>>) dst(%arg6 : memref<128x64xf32, #tpu.memory_space<vmem>>)
    %add3A_274 = arith.constant 14 : i32
    %add3A_275 = arith.addi %mul3A_2, %add3A_274 : i32
    %mul3A_276 = arith.constant 128 : i32
    %mul3A_277 = arith.muli %add3A_275, %mul3A_276 : i32
    "tpu.region"() ({
      %run_scoped3A = tpu.sem_alloc : memref<!tpu.dma_semaphore, #tpu.memory_space<semaphore_mem>>
      %dma_start3A_361 = arith.constant 0 : i32
      %dma_start3A_362 = tpu.memref_slice %arg4[%mul3A_277, %dma_start3A_361] : memref<81920x64xf32, #tpu.memory_space<hbm>> -> memref<128x64xf32, #tpu.memory_space<hbm>>
      %dma_start3A_363 = arith.constant 0 : i32
      %dma_start3A_364 = tpu.memref_slice %arg4[%mul3A_277, %dma_start3A_363] : memref<81920x64xf32, #tpu.memory_space<hbm>> -> memref<128x64xf32, #tpu.memory_space<hbm>>
      tpu.enqueue_dma source(%arg6 : memref<128x64xf32, #tpu.memory_space<vmem>>) target(%dma_start3A_364 : memref<128x64xf32, #tpu.memory_space<hbm>>) target_semaphore(%run_scoped3A : memref<!tpu.dma_semaphore, #tpu.memory_space<semaphore_mem>>)
      %dma_wait3A_365 = arith.constant 0 : i32
      %dma_wait3A_366 = tpu.memref_slice %arg4[%mul3A_277, %dma_wait3A_365] : memref<81920x64xf32, #tpu.memory_space<hbm>> -> memref<128x64xf32, #tpu.memory_space<hbm>>
      %dma_wait3A_367 = arith.constant 0 : i32
      %dma_wait3A_368 = tpu.memref_slice %arg4[%mul3A_277, %dma_wait3A_367] : memref<81920x64xf32, #tpu.memory_space<hbm>> -> memref<128x64xf32, #tpu.memory_space<hbm>>
      tpu.wait_dma2 semaphore(%run_scoped3A : memref<!tpu.dma_semaphore, #tpu.memory_space<semaphore_mem>>) src(%arg6 : memref<128x64xf32, #tpu.memory_space<vmem>>) dst(%dma_wait3A_368 : memref<128x64xf32, #tpu.memory_space<hbm>>)
      tpu.yield
    }) : () -> ()
    %dma_start3A_278 = arith.constant 16 : i32
    %dma_start3A_279 = arith.constant 0 : i32
    %dma_start3A_280 = tpu.memref_slice %arg5[%dma_start3A_278, %dma_start3A_279] : memref<20x128xi32, #tpu.memory_space<vmem>> -> memref<1x128xi32, #tpu.memory_space<vmem>>
    %dma_start3A_281 = tpu.memref_squeeze %dma_start3A_280 : memref<1x128xi32, #tpu.memory_space<vmem>> -> memref<128xi32, #tpu.memory_space<vmem>>
    %dma_start3A_282 = arith.constant 0 : i32
    %dma_start3A_283 = arith.constant 0 : i32
    %dma_start3A_284 = tpu.memref_slice %arg2[%dma_start3A_282, %dma_start3A_283] : memref<1000000x64xf32, #tpu.memory_space<hbm>> -> memref<1000000x64xf32, #tpu.memory_space<hbm>>
    tpu.enqueue_indirect_dma source(%dma_start3A_284 : memref<1000000x64xf32, #tpu.memory_space<hbm>>) target(%arg6 : memref<128x64xf32, #tpu.memory_space<vmem>>) offsets(%dma_start3A_281 : memref<128xi32, #tpu.memory_space<vmem>>) semaphore(%arg8 : memref<!tpu.dma_semaphore, #tpu.memory_space<semaphore_mem>>)
    %dma_wait3A_285 = arith.constant 15 : i32
    %dma_wait3A_286 = arith.constant 0 : i32
    %dma_wait3A_287 = tpu.memref_slice %arg5[%dma_wait3A_285, %dma_wait3A_286] : memref<20x128xi32, #tpu.memory_space<vmem>> -> memref<1x128xi32, #tpu.memory_space<vmem>>
    %dma_wait3A_288 = tpu.memref_squeeze %dma_wait3A_287 : memref<1x128xi32, #tpu.memory_space<vmem>> -> memref<128xi32, #tpu.memory_space<vmem>>
    %dma_wait3A_289 = arith.constant 0 : i32
    %dma_wait3A_290 = arith.constant 0 : i32
    %dma_wait3A_291 = tpu.memref_slice %arg2[%dma_wait3A_289, %dma_wait3A_290] : memref<1000000x64xf32, #tpu.memory_space<hbm>> -> memref<1000000x64xf32, #tpu.memory_space<hbm>>
    tpu.wait_indirect_dma semaphore(%arg9 : memref<!tpu.dma_semaphore, #tpu.memory_space<semaphore_mem>>) src(%dma_wait3A_291 : memref<1000000x64xf32, #tpu.memory_space<hbm>>) dst(%arg7 : memref<128x64xf32, #tpu.memory_space<vmem>>)
    %add3A_292 = arith.constant 15 : i32
    %add3A_293 = arith.addi %mul3A_2, %add3A_292 : i32
    %mul3A_294 = arith.constant 128 : i32
    %mul3A_295 = arith.muli %add3A_293, %mul3A_294 : i32
    "tpu.region"() ({
      %run_scoped3A = tpu.sem_alloc : memref<!tpu.dma_semaphore, #tpu.memory_space<semaphore_mem>>
      %dma_start3A_361 = arith.constant 0 : i32
      %dma_start3A_362 = tpu.memref_slice %arg4[%mul3A_295, %dma_start3A_361] : memref<81920x64xf32, #tpu.memory_space<hbm>> -> memref<128x64xf32, #tpu.memory_space<hbm>>
      %dma_start3A_363 = arith.constant 0 : i32
      %dma_start3A_364 = tpu.memref_slice %arg4[%mul3A_295, %dma_start3A_363] : memref<81920x64xf32, #tpu.memory_space<hbm>> -> memref<128x64xf32, #tpu.memory_space<hbm>>
      tpu.enqueue_dma source(%arg7 : memref<128x64xf32, #tpu.memory_space<vmem>>) target(%dma_start3A_364 : memref<128x64xf32, #tpu.memory_space<hbm>>) target_semaphore(%run_scoped3A : memref<!tpu.dma_semaphore, #tpu.memory_space<semaphore_mem>>)
      %dma_wait3A_365 = arith.constant 0 : i32
      %dma_wait3A_366 = tpu.memref_slice %arg4[%mul3A_295, %dma_wait3A_365] : memref<81920x64xf32, #tpu.memory_space<hbm>> -> memref<128x64xf32, #tpu.memory_space<hbm>>
      %dma_wait3A_367 = arith.constant 0 : i32
      %dma_wait3A_368 = tpu.memref_slice %arg4[%mul3A_295, %dma_wait3A_367] : memref<81920x64xf32, #tpu.memory_space<hbm>> -> memref<128x64xf32, #tpu.memory_space<hbm>>
      tpu.wait_dma2 semaphore(%run_scoped3A : memref<!tpu.dma_semaphore, #tpu.memory_space<semaphore_mem>>) src(%arg7 : memref<128x64xf32, #tpu.memory_space<vmem>>) dst(%dma_wait3A_368 : memref<128x64xf32, #tpu.memory_space<hbm>>)
      tpu.yield
    }) : () -> ()
    %dma_start3A_296 = arith.constant 17 : i32
    %dma_start3A_297 = arith.constant 0 : i32
    %dma_start3A_298 = tpu.memref_slice %arg5[%dma_start3A_296, %dma_start3A_297] : memref<20x128xi32, #tpu.memory_space<vmem>> -> memref<1x128xi32, #tpu.memory_space<vmem>>
    %dma_start3A_299 = tpu.memref_squeeze %dma_start3A_298 : memref<1x128xi32, #tpu.memory_space<vmem>> -> memref<128xi32, #tpu.memory_space<vmem>>
    %dma_start3A_300 = arith.constant 0 : i32
    %dma_start3A_301 = arith.constant 0 : i32
    %dma_start3A_302 = tpu.memref_slice %arg2[%dma_start3A_300, %dma_start3A_301] : memref<1000000x64xf32, #tpu.memory_space<hbm>> -> memref<1000000x64xf32, #tpu.memory_space<hbm>>
    tpu.enqueue_indirect_dma source(%dma_start3A_302 : memref<1000000x64xf32, #tpu.memory_space<hbm>>) target(%arg7 : memref<128x64xf32, #tpu.memory_space<vmem>>) offsets(%dma_start3A_299 : memref<128xi32, #tpu.memory_space<vmem>>) semaphore(%arg9 : memref<!tpu.dma_semaphore, #tpu.memory_space<semaphore_mem>>)
    %dma_wait3A_303 = arith.constant 16 : i32
    %dma_wait3A_304 = arith.constant 0 : i32
    %dma_wait3A_305 = tpu.memref_slice %arg5[%dma_wait3A_303, %dma_wait3A_304] : memref<20x128xi32, #tpu.memory_space<vmem>> -> memref<1x128xi32, #tpu.memory_space<vmem>>
    %dma_wait3A_306 = tpu.memref_squeeze %dma_wait3A_305 : memref<1x128xi32, #tpu.memory_space<vmem>> -> memref<128xi32, #tpu.memory_space<vmem>>
    %dma_wait3A_307 = arith.constant 0 : i32
    %dma_wait3A_308 = arith.constant 0 : i32
    %dma_wait3A_309 = tpu.memref_slice %arg2[%dma_wait3A_307, %dma_wait3A_308] : memref<1000000x64xf32, #tpu.memory_space<hbm>> -> memref<1000000x64xf32, #tpu.memory_space<hbm>>
    tpu.wait_indirect_dma semaphore(%arg8 : memref<!tpu.dma_semaphore, #tpu.memory_space<semaphore_mem>>) src(%dma_wait3A_309 : memref<1000000x64xf32, #tpu.memory_space<hbm>>) dst(%arg6 : memref<128x64xf32, #tpu.memory_space<vmem>>)
    %add3A_310 = arith.constant 16 : i32
    %add3A_311 = arith.addi %mul3A_2, %add3A_310 : i32
    %mul3A_312 = arith.constant 128 : i32
    %mul3A_313 = arith.muli %add3A_311, %mul3A_312 : i32
    "tpu.region"() ({
      %run_scoped3A = tpu.sem_alloc : memref<!tpu.dma_semaphore, #tpu.memory_space<semaphore_mem>>
      %dma_start3A_361 = arith.constant 0 : i32
      %dma_start3A_362 = tpu.memref_slice %arg4[%mul3A_313, %dma_start3A_361] : memref<81920x64xf32, #tpu.memory_space<hbm>> -> memref<128x64xf32, #tpu.memory_space<hbm>>
      %dma_start3A_363 = arith.constant 0 : i32
      %dma_start3A_364 = tpu.memref_slice %arg4[%mul3A_313, %dma_start3A_363] : memref<81920x64xf32, #tpu.memory_space<hbm>> -> memref<128x64xf32, #tpu.memory_space<hbm>>
      tpu.enqueue_dma source(%arg6 : memref<128x64xf32, #tpu.memory_space<vmem>>) target(%dma_start3A_364 : memref<128x64xf32, #tpu.memory_space<hbm>>) target_semaphore(%run_scoped3A : memref<!tpu.dma_semaphore, #tpu.memory_space<semaphore_mem>>)
      %dma_wait3A_365 = arith.constant 0 : i32
      %dma_wait3A_366 = tpu.memref_slice %arg4[%mul3A_313, %dma_wait3A_365] : memref<81920x64xf32, #tpu.memory_space<hbm>> -> memref<128x64xf32, #tpu.memory_space<hbm>>
      %dma_wait3A_367 = arith.constant 0 : i32
      %dma_wait3A_368 = tpu.memref_slice %arg4[%mul3A_313, %dma_wait3A_367] : memref<81920x64xf32, #tpu.memory_space<hbm>> -> memref<128x64xf32, #tpu.memory_space<hbm>>
      tpu.wait_dma2 semaphore(%run_scoped3A : memref<!tpu.dma_semaphore, #tpu.memory_space<semaphore_mem>>) src(%arg6 : memref<128x64xf32, #tpu.memory_space<vmem>>) dst(%dma_wait3A_368 : memref<128x64xf32, #tpu.memory_space<hbm>>)
      tpu.yield
    }) : () -> ()
    %dma_start3A_314 = arith.constant 18 : i32
    %dma_start3A_315 = arith.constant 0 : i32
    %dma_start3A_316 = tpu.memref_slice %arg5[%dma_start3A_314, %dma_start3A_315] : memref<20x128xi32, #tpu.memory_space<vmem>> -> memref<1x128xi32, #tpu.memory_space<vmem>>
    %dma_start3A_317 = tpu.memref_squeeze %dma_start3A_316 : memref<1x128xi32, #tpu.memory_space<vmem>> -> memref<128xi32, #tpu.memory_space<vmem>>
    %dma_start3A_318 = arith.constant 0 : i32
    %dma_start3A_319 = arith.constant 0 : i32
    %dma_start3A_320 = tpu.memref_slice %arg2[%dma_start3A_318, %dma_start3A_319] : memref<1000000x64xf32, #tpu.memory_space<hbm>> -> memref<1000000x64xf32, #tpu.memory_space<hbm>>
    tpu.enqueue_indirect_dma source(%dma_start3A_320 : memref<1000000x64xf32, #tpu.memory_space<hbm>>) target(%arg6 : memref<128x64xf32, #tpu.memory_space<vmem>>) offsets(%dma_start3A_317 : memref<128xi32, #tpu.memory_space<vmem>>) semaphore(%arg8 : memref<!tpu.dma_semaphore, #tpu.memory_space<semaphore_mem>>)
    %dma_wait3A_321 = arith.constant 17 : i32
    %dma_wait3A_322 = arith.constant 0 : i32
    %dma_wait3A_323 = tpu.memref_slice %arg5[%dma_wait3A_321, %dma_wait3A_322] : memref<20x128xi32, #tpu.memory_space<vmem>> -> memref<1x128xi32, #tpu.memory_space<vmem>>
    %dma_wait3A_324 = tpu.memref_squeeze %dma_wait3A_323 : memref<1x128xi32, #tpu.memory_space<vmem>> -> memref<128xi32, #tpu.memory_space<vmem>>
    %dma_wait3A_325 = arith.constant 0 : i32
    %dma_wait3A_326 = arith.constant 0 : i32
    %dma_wait3A_327 = tpu.memref_slice %arg2[%dma_wait3A_325, %dma_wait3A_326] : memref<1000000x64xf32, #tpu.memory_space<hbm>> -> memref<1000000x64xf32, #tpu.memory_space<hbm>>
    tpu.wait_indirect_dma semaphore(%arg9 : memref<!tpu.dma_semaphore, #tpu.memory_space<semaphore_mem>>) src(%dma_wait3A_327 : memref<1000000x64xf32, #tpu.memory_space<hbm>>) dst(%arg7 : memref<128x64xf32, #tpu.memory_space<vmem>>)
    %add3A_328 = arith.constant 17 : i32
    %add3A_329 = arith.addi %mul3A_2, %add3A_328 : i32
    %mul3A_330 = arith.constant 128 : i32
    %mul3A_331 = arith.muli %add3A_329, %mul3A_330 : i32
    "tpu.region"() ({
      %run_scoped3A = tpu.sem_alloc : memref<!tpu.dma_semaphore, #tpu.memory_space<semaphore_mem>>
      %dma_start3A_361 = arith.constant 0 : i32
      %dma_start3A_362 = tpu.memref_slice %arg4[%mul3A_331, %dma_start3A_361] : memref<81920x64xf32, #tpu.memory_space<hbm>> -> memref<128x64xf32, #tpu.memory_space<hbm>>
      %dma_start3A_363 = arith.constant 0 : i32
      %dma_start3A_364 = tpu.memref_slice %arg4[%mul3A_331, %dma_start3A_363] : memref<81920x64xf32, #tpu.memory_space<hbm>> -> memref<128x64xf32, #tpu.memory_space<hbm>>
      tpu.enqueue_dma source(%arg7 : memref<128x64xf32, #tpu.memory_space<vmem>>) target(%dma_start3A_364 : memref<128x64xf32, #tpu.memory_space<hbm>>) target_semaphore(%run_scoped3A : memref<!tpu.dma_semaphore, #tpu.memory_space<semaphore_mem>>)
      %dma_wait3A_365 = arith.constant 0 : i32
      %dma_wait3A_366 = tpu.memref_slice %arg4[%mul3A_331, %dma_wait3A_365] : memref<81920x64xf32, #tpu.memory_space<hbm>> -> memref<128x64xf32, #tpu.memory_space<hbm>>
      %dma_wait3A_367 = arith.constant 0 : i32
      %dma_wait3A_368 = tpu.memref_slice %arg4[%mul3A_331, %dma_wait3A_367] : memref<81920x64xf32, #tpu.memory_space<hbm>> -> memref<128x64xf32, #tpu.memory_space<hbm>>
      tpu.wait_dma2 semaphore(%run_scoped3A : memref<!tpu.dma_semaphore, #tpu.memory_space<semaphore_mem>>) src(%arg7 : memref<128x64xf32, #tpu.memory_space<vmem>>) dst(%dma_wait3A_368 : memref<128x64xf32, #tpu.memory_space<hbm>>)
      tpu.yield
    }) : () -> ()
    %dma_start3A_332 = arith.constant 19 : i32
    %dma_start3A_333 = arith.constant 0 : i32
    %dma_start3A_334 = tpu.memref_slice %arg5[%dma_start3A_332, %dma_start3A_333] : memref<20x128xi32, #tpu.memory_space<vmem>> -> memref<1x128xi32, #tpu.memory_space<vmem>>
    %dma_start3A_335 = tpu.memref_squeeze %dma_start3A_334 : memref<1x128xi32, #tpu.memory_space<vmem>> -> memref<128xi32, #tpu.memory_space<vmem>>
    %dma_start3A_336 = arith.constant 0 : i32
    %dma_start3A_337 = arith.constant 0 : i32
    %dma_start3A_338 = tpu.memref_slice %arg2[%dma_start3A_336, %dma_start3A_337] : memref<1000000x64xf32, #tpu.memory_space<hbm>> -> memref<1000000x64xf32, #tpu.memory_space<hbm>>
    tpu.enqueue_indirect_dma source(%dma_start3A_338 : memref<1000000x64xf32, #tpu.memory_space<hbm>>) target(%arg7 : memref<128x64xf32, #tpu.memory_space<vmem>>) offsets(%dma_start3A_335 : memref<128xi32, #tpu.memory_space<vmem>>) semaphore(%arg9 : memref<!tpu.dma_semaphore, #tpu.memory_space<semaphore_mem>>)
    %dma_wait3A_339 = arith.constant 18 : i32
    %dma_wait3A_340 = arith.constant 0 : i32
    %dma_wait3A_341 = tpu.memref_slice %arg5[%dma_wait3A_339, %dma_wait3A_340] : memref<20x128xi32, #tpu.memory_space<vmem>> -> memref<1x128xi32, #tpu.memory_space<vmem>>
    %dma_wait3A_342 = tpu.memref_squeeze %dma_wait3A_341 : memref<1x128xi32, #tpu.memory_space<vmem>> -> memref<128xi32, #tpu.memory_space<vmem>>
    %dma_wait3A_343 = arith.constant 0 : i32
    %dma_wait3A_344 = arith.constant 0 : i32
    %dma_wait3A_345 = tpu.memref_slice %arg2[%dma_wait3A_343, %dma_wait3A_344] : memref<1000000x64xf32, #tpu.memory_space<hbm>> -> memref<1000000x64xf32, #tpu.memory_space<hbm>>
    tpu.wait_indirect_dma semaphore(%arg8 : memref<!tpu.dma_semaphore, #tpu.memory_space<semaphore_mem>>) src(%dma_wait3A_345 : memref<1000000x64xf32, #tpu.memory_space<hbm>>) dst(%arg6 : memref<128x64xf32, #tpu.memory_space<vmem>>)
    %add3A_346 = arith.constant 18 : i32
    %add3A_347 = arith.addi %mul3A_2, %add3A_346 : i32
    %mul3A_348 = arith.constant 128 : i32
    %mul3A_349 = arith.muli %add3A_347, %mul3A_348 : i32
    "tpu.region"() ({
      %run_scoped3A = tpu.sem_alloc : memref<!tpu.dma_semaphore, #tpu.memory_space<semaphore_mem>>
      %dma_start3A_361 = arith.constant 0 : i32
      %dma_start3A_362 = tpu.memref_slice %arg4[%mul3A_349, %dma_start3A_361] : memref<81920x64xf32, #tpu.memory_space<hbm>> -> memref<128x64xf32, #tpu.memory_space<hbm>>
      %dma_start3A_363 = arith.constant 0 : i32
      %dma_start3A_364 = tpu.memref_slice %arg4[%mul3A_349, %dma_start3A_363] : memref<81920x64xf32, #tpu.memory_space<hbm>> -> memref<128x64xf32, #tpu.memory_space<hbm>>
      tpu.enqueue_dma source(%arg6 : memref<128x64xf32, #tpu.memory_space<vmem>>) target(%dma_start3A_364 : memref<128x64xf32, #tpu.memory_space<hbm>>) target_semaphore(%run_scoped3A : memref<!tpu.dma_semaphore, #tpu.memory_space<semaphore_mem>>)
      %dma_wait3A_365 = arith.constant 0 : i32
      %dma_wait3A_366 = tpu.memref_slice %arg4[%mul3A_349, %dma_wait3A_365] : memref<81920x64xf32, #tpu.memory_space<hbm>> -> memref<128x64xf32, #tpu.memory_space<hbm>>
      %dma_wait3A_367 = arith.constant 0 : i32
      %dma_wait3A_368 = tpu.memref_slice %arg4[%mul3A_349, %dma_wait3A_367] : memref<81920x64xf32, #tpu.memory_space<hbm>> -> memref<128x64xf32, #tpu.memory_space<hbm>>
      tpu.wait_dma2 semaphore(%run_scoped3A : memref<!tpu.dma_semaphore, #tpu.memory_space<semaphore_mem>>) src(%arg6 : memref<128x64xf32, #tpu.memory_space<vmem>>) dst(%dma_wait3A_368 : memref<128x64xf32, #tpu.memory_space<hbm>>)
      tpu.yield
    }) : () -> ()
    %dma_wait3A_350 = arith.constant 19 : i32
    %dma_wait3A_351 = arith.constant 0 : i32
    %dma_wait3A_352 = tpu.memref_slice %arg5[%dma_wait3A_350, %dma_wait3A_351] : memref<20x128xi32, #tpu.memory_space<vmem>> -> memref<1x128xi32, #tpu.memory_space<vmem>>
    %dma_wait3A_353 = tpu.memref_squeeze %dma_wait3A_352 : memref<1x128xi32, #tpu.memory_space<vmem>> -> memref<128xi32, #tpu.memory_space<vmem>>
    %dma_wait3A_354 = arith.constant 0 : i32
    %dma_wait3A_355 = arith.constant 0 : i32
    %dma_wait3A_356 = tpu.memref_slice %arg2[%dma_wait3A_354, %dma_wait3A_355] : memref<1000000x64xf32, #tpu.memory_space<hbm>> -> memref<1000000x64xf32, #tpu.memory_space<hbm>>
    tpu.wait_indirect_dma semaphore(%arg9 : memref<!tpu.dma_semaphore, #tpu.memory_space<semaphore_mem>>) src(%dma_wait3A_356 : memref<1000000x64xf32, #tpu.memory_space<hbm>>) dst(%arg7 : memref<128x64xf32, #tpu.memory_space<vmem>>)
    %add3A_357 = arith.constant 19 : i32
    %add3A_358 = arith.addi %mul3A_2, %add3A_357 : i32
    %mul3A_359 = arith.constant 128 : i32
    %mul3A_360 = arith.muli %add3A_358, %mul3A_359 : i32
    "tpu.region"() ({
      %run_scoped3A = tpu.sem_alloc : memref<!tpu.dma_semaphore, #tpu.memory_space<semaphore_mem>>
      %dma_start3A_361 = arith.constant 0 : i32
      %dma_start3A_362 = tpu.memref_slice %arg4[%mul3A_360, %dma_start3A_361] : memref<81920x64xf32, #tpu.memory_space<hbm>> -> memref<128x64xf32, #tpu.memory_space<hbm>>
      %dma_start3A_363 = arith.constant 0 : i32
      %dma_start3A_364 = tpu.memref_slice %arg4[%mul3A_360, %dma_start3A_363] : memref<81920x64xf32, #tpu.memory_space<hbm>> -> memref<128x64xf32, #tpu.memory_space<hbm>>
      tpu.enqueue_dma source(%arg7 : memref<128x64xf32, #tpu.memory_space<vmem>>) target(%dma_start3A_364 : memref<128x64xf32, #tpu.memory_space<hbm>>) target_semaphore(%run_scoped3A : memref<!tpu.dma_semaphore, #tpu.memory_space<semaphore_mem>>)
      %dma_wait3A_365 = arith.constant 0 : i32
      %dma_wait3A_366 = tpu.memref_slice %arg4[%mul3A_360, %dma_wait3A_365] : memref<81920x64xf32, #tpu.memory_space<hbm>> -> memref<128x64xf32, #tpu.memory_space<hbm>>
      %dma_wait3A_367 = arith.constant 0 : i32
      %dma_wait3A_368 = tpu.memref_slice %arg4[%mul3A_360, %dma_wait3A_367] : memref<81920x64xf32, #tpu.memory_space<hbm>> -> memref<128x64xf32, #tpu.memory_space<hbm>>
      tpu.wait_dma2 semaphore(%run_scoped3A : memref<!tpu.dma_semaphore, #tpu.memory_space<semaphore_mem>>) src(%arg7 : memref<128x64xf32, #tpu.memory_space<vmem>>) dst(%dma_wait3A_368 : memref<128x64xf32, #tpu.memory_space<hbm>>)
      tpu.yield
    }) : () -> ()
    return
  }
}

#map = affine_map<(d0, d1) -> (0, 0)>
#map1 = affine_map<(d0, d1) -> (0, 0, 0)>
module attributes {stable_mosaic.version = 14 : i64} {
  func.func @sc_lookup(%arg0: i32, %arg1: i32, %arg2: memref<4096x8xf32, #tpu.memory_space<hbm>>, %arg3: memref<32x160x128xi32, #tpu.memory_space<hbm>>, %arg4: memref<655360x8xf32, #tpu.memory_space<hbm>>, %arg5: memref<160x128xi32, #tpu.memory_space<vmem>>, %arg6: memref<128x8xf32, #tpu.memory_space<vmem>>, %arg7: memref<128x8xf32, #tpu.memory_space<vmem>>, %arg8: memref<!tpu.dma_semaphore, #tpu.memory_space<semaphore_mem>>, %arg9: memref<!tpu.dma_semaphore, #tpu.memory_space<semaphore_mem>>) attributes {dimension_semantics = [#tpu.dimension_semantics<core_parallel>, #tpu.dimension_semantics<subcore_parallel>], iteration_bounds = array<i64: 2, 16>, scalar_prefetch = 0 : i64, scratch_operands = 5 : i64, tpu.core_type = #tpu.core_type<sc_vector_subcore>, window_params = [{transform_indices = #map}, {transform_indices = #map1}, {transform_indices = #map}]} {
    %mul3A = arith.constant 2 : i32
    %mul3A_0 = arith.muli %arg1, %mul3A : i32
    %add3A = arith.addi %mul3A_0, %arg0 : i32
    %mul3A_1 = arith.constant 160 : i32
    %mul3A_2 = arith.muli %add3A, %mul3A_1 : i32
    %mul3A_3 = arith.constant 128 : i32
    %mul3A_4 = arith.muli %mul3A_2, %mul3A_3 : i32
    "tpu.region"() ({
      %run_scoped3A = tpu.sem_alloc : memref<!tpu.dma_semaphore, #tpu.memory_space<semaphore_mem>>
      %dma_start3A = arith.constant 0 : i32
      %dma_start3A_10 = arith.constant 0 : i32
      %dma_start3A_11 = tpu.memref_slice %arg3[%add3A, %dma_start3A, %dma_start3A_10] : memref<32x160x128xi32, #tpu.memory_space<hbm>> -> memref<1x160x128xi32, #tpu.memory_space<hbm>>
      %dma_start3A_12 = tpu.memref_squeeze %dma_start3A_11 : memref<1x160x128xi32, #tpu.memory_space<hbm>> -> memref<160x128xi32, #tpu.memory_space<hbm>>
      %dma_start3A_13 = arith.constant 0 : i32
      %dma_start3A_14 = arith.constant 0 : i32
      %dma_start3A_15 = tpu.memref_slice %arg3[%add3A, %dma_start3A_13, %dma_start3A_14] : memref<32x160x128xi32, #tpu.memory_space<hbm>> -> memref<1x160x128xi32, #tpu.memory_space<hbm>>
      %dma_start3A_16 = tpu.memref_squeeze %dma_start3A_15 : memref<1x160x128xi32, #tpu.memory_space<hbm>> -> memref<160x128xi32, #tpu.memory_space<hbm>>
      tpu.enqueue_dma source(%dma_start3A_16 : memref<160x128xi32, #tpu.memory_space<hbm>>) target(%arg5 : memref<160x128xi32, #tpu.memory_space<vmem>>) target_semaphore(%run_scoped3A : memref<!tpu.dma_semaphore, #tpu.memory_space<semaphore_mem>>)
      %dma_wait3A = arith.constant 0 : i32
      %dma_wait3A_17 = arith.constant 0 : i32
      %dma_wait3A_18 = tpu.memref_slice %arg3[%add3A, %dma_wait3A, %dma_wait3A_17] : memref<32x160x128xi32, #tpu.memory_space<hbm>> -> memref<1x160x128xi32, #tpu.memory_space<hbm>>
      %dma_wait3A_19 = tpu.memref_squeeze %dma_wait3A_18 : memref<1x160x128xi32, #tpu.memory_space<hbm>> -> memref<160x128xi32, #tpu.memory_space<hbm>>
      %dma_wait3A_20 = arith.constant 0 : i32
      %dma_wait3A_21 = arith.constant 0 : i32
      %dma_wait3A_22 = tpu.memref_slice %arg3[%add3A, %dma_wait3A_20, %dma_wait3A_21] : memref<32x160x128xi32, #tpu.memory_space<hbm>> -> memref<1x160x128xi32, #tpu.memory_space<hbm>>
      %dma_wait3A_23 = tpu.memref_squeeze %dma_wait3A_22 : memref<1x160x128xi32, #tpu.memory_space<hbm>> -> memref<160x128xi32, #tpu.memory_space<hbm>>
      tpu.wait_dma2 semaphore(%run_scoped3A : memref<!tpu.dma_semaphore, #tpu.memory_space<semaphore_mem>>) src(%dma_wait3A_23 : memref<160x128xi32, #tpu.memory_space<hbm>>) dst(%arg5 : memref<160x128xi32, #tpu.memory_space<vmem>>)
      tpu.yield
    }) : () -> ()
    %scan3A = arith.constant 0 : i32
    %scan3A_5 = arith.constant 0 : i32
    %scan3A_6 = arith.constant 80 : i32
    %scan3A_7 = arith.addi %scan3A_5, %scan3A_6 : i32
    %scan3A_8 = arith.constant 1 : i32
    scf.for %scan3A_10 = %scan3A_5 to %scan3A_7 step %scan3A_8  : i32 {
      %mul3A_11 = arith.constant 2 : i32
      %mul3A_12 = arith.muli %mul3A_11, %scan3A_10 : i32
      %add3A_13 = arith.constant 1 : i32
      %add3A_14 = arith.addi %mul3A_12, %add3A_13 : i32
      %dma_start3A = arith.constant 0 : i32
      %dma_start3A_15 = tpu.memref_slice %arg5[%mul3A_12, %dma_start3A] : memref<160x128xi32, #tpu.memory_space<vmem>> -> memref<1x128xi32, #tpu.memory_space<vmem>>
      %dma_start3A_16 = tpu.memref_squeeze %dma_start3A_15 : memref<1x128xi32, #tpu.memory_space<vmem>> -> memref<128xi32, #tpu.memory_space<vmem>>
      %dma_start3A_17 = arith.constant 0 : i32
      %dma_start3A_18 = arith.constant 0 : i32
      %dma_start3A_19 = tpu.memref_slice %arg2[%dma_start3A_17, %dma_start3A_18] : memref<4096x8xf32, #tpu.memory_space<hbm>> -> memref<4096x8xf32, #tpu.memory_space<hbm>>
      tpu.enqueue_indirect_dma source(%dma_start3A_19 : memref<4096x8xf32, #tpu.memory_space<hbm>>) target(%arg6 : memref<128x8xf32, #tpu.memory_space<vmem>>) offsets(%dma_start3A_16 : memref<128xi32, #tpu.memory_space<vmem>>) semaphore(%arg8 : memref<!tpu.dma_semaphore, #tpu.memory_space<semaphore_mem>>)
      %dma_start3A_20 = arith.constant 0 : i32
      %dma_start3A_21 = tpu.memref_slice %arg5[%add3A_14, %dma_start3A_20] : memref<160x128xi32, #tpu.memory_space<vmem>> -> memref<1x128xi32, #tpu.memory_space<vmem>>
      %dma_start3A_22 = tpu.memref_squeeze %dma_start3A_21 : memref<1x128xi32, #tpu.memory_space<vmem>> -> memref<128xi32, #tpu.memory_space<vmem>>
      %dma_start3A_23 = arith.constant 0 : i32
      %dma_start3A_24 = arith.constant 0 : i32
      %dma_start3A_25 = tpu.memref_slice %arg2[%dma_start3A_23, %dma_start3A_24] : memref<4096x8xf32, #tpu.memory_space<hbm>> -> memref<4096x8xf32, #tpu.memory_space<hbm>>
      tpu.enqueue_indirect_dma source(%dma_start3A_25 : memref<4096x8xf32, #tpu.memory_space<hbm>>) target(%arg7 : memref<128x8xf32, #tpu.memory_space<vmem>>) offsets(%dma_start3A_22 : memref<128xi32, #tpu.memory_space<vmem>>) semaphore(%arg9 : memref<!tpu.dma_semaphore, #tpu.memory_space<semaphore_mem>>)
      %dma_wait3A = arith.constant 0 : i32
      %dma_wait3A_26 = tpu.memref_slice %arg5[%mul3A_12, %dma_wait3A] : memref<160x128xi32, #tpu.memory_space<vmem>> -> memref<1x128xi32, #tpu.memory_space<vmem>>
      %dma_wait3A_27 = tpu.memref_squeeze %dma_wait3A_26 : memref<1x128xi32, #tpu.memory_space<vmem>> -> memref<128xi32, #tpu.memory_space<vmem>>
      %dma_wait3A_28 = arith.constant 0 : i32
      %dma_wait3A_29 = arith.constant 0 : i32
      %dma_wait3A_30 = tpu.memref_slice %arg2[%dma_wait3A_28, %dma_wait3A_29] : memref<4096x8xf32, #tpu.memory_space<hbm>> -> memref<4096x8xf32, #tpu.memory_space<hbm>>
      tpu.wait_indirect_dma semaphore(%arg8 : memref<!tpu.dma_semaphore, #tpu.memory_space<semaphore_mem>>) src(%dma_wait3A_30 : memref<4096x8xf32, #tpu.memory_space<hbm>>) dst(%arg6 : memref<128x8xf32, #tpu.memory_space<vmem>>)
      %mul3A_31 = arith.constant 128 : i32
      %mul3A_32 = arith.muli %mul3A_12, %mul3A_31 : i32
      %add3A_33 = arith.addi %mul3A_4, %mul3A_32 : i32
      "tpu.region"() ({
        %run_scoped3A = tpu.sem_alloc : memref<!tpu.dma_semaphore, #tpu.memory_space<semaphore_mem>>
        %dma_start3A_43 = arith.constant 0 : i32
        %dma_start3A_44 = tpu.memref_slice %arg4[%add3A_33, %dma_start3A_43] : memref<655360x8xf32, #tpu.memory_space<hbm>> -> memref<128x8xf32, #tpu.memory_space<hbm>>
        %dma_start3A_45 = arith.constant 0 : i32
        %dma_start3A_46 = tpu.memref_slice %arg4[%add3A_33, %dma_start3A_45] : memref<655360x8xf32, #tpu.memory_space<hbm>> -> memref<128x8xf32, #tpu.memory_space<hbm>>
        tpu.enqueue_dma source(%arg6 : memref<128x8xf32, #tpu.memory_space<vmem>>) target(%dma_start3A_46 : memref<128x8xf32, #tpu.memory_space<hbm>>) target_semaphore(%run_scoped3A : memref<!tpu.dma_semaphore, #tpu.memory_space<semaphore_mem>>)
        %dma_wait3A_47 = arith.constant 0 : i32
        %dma_wait3A_48 = tpu.memref_slice %arg4[%add3A_33, %dma_wait3A_47] : memref<655360x8xf32, #tpu.memory_space<hbm>> -> memref<128x8xf32, #tpu.memory_space<hbm>>
        %dma_wait3A_49 = arith.constant 0 : i32
        %dma_wait3A_50 = tpu.memref_slice %arg4[%add3A_33, %dma_wait3A_49] : memref<655360x8xf32, #tpu.memory_space<hbm>> -> memref<128x8xf32, #tpu.memory_space<hbm>>
        tpu.wait_dma2 semaphore(%run_scoped3A : memref<!tpu.dma_semaphore, #tpu.memory_space<semaphore_mem>>) src(%arg6 : memref<128x8xf32, #tpu.memory_space<vmem>>) dst(%dma_wait3A_50 : memref<128x8xf32, #tpu.memory_space<hbm>>)
        tpu.yield
      }) : () -> ()
      %dma_wait3A_34 = arith.constant 0 : i32
      %dma_wait3A_35 = tpu.memref_slice %arg5[%add3A_14, %dma_wait3A_34] : memref<160x128xi32, #tpu.memory_space<vmem>> -> memref<1x128xi32, #tpu.memory_space<vmem>>
      %dma_wait3A_36 = tpu.memref_squeeze %dma_wait3A_35 : memref<1x128xi32, #tpu.memory_space<vmem>> -> memref<128xi32, #tpu.memory_space<vmem>>
      %dma_wait3A_37 = arith.constant 0 : i32
      %dma_wait3A_38 = arith.constant 0 : i32
      %dma_wait3A_39 = tpu.memref_slice %arg2[%dma_wait3A_37, %dma_wait3A_38] : memref<4096x8xf32, #tpu.memory_space<hbm>> -> memref<4096x8xf32, #tpu.memory_space<hbm>>
      tpu.wait_indirect_dma semaphore(%arg9 : memref<!tpu.dma_semaphore, #tpu.memory_space<semaphore_mem>>) src(%dma_wait3A_39 : memref<4096x8xf32, #tpu.memory_space<hbm>>) dst(%arg7 : memref<128x8xf32, #tpu.memory_space<vmem>>)
      %mul3A_40 = arith.constant 128 : i32
      %mul3A_41 = arith.muli %add3A_14, %mul3A_40 : i32
      %add3A_42 = arith.addi %mul3A_4, %mul3A_41 : i32
      "tpu.region"() ({
        %run_scoped3A = tpu.sem_alloc : memref<!tpu.dma_semaphore, #tpu.memory_space<semaphore_mem>>
        %dma_start3A_43 = arith.constant 0 : i32
        %dma_start3A_44 = tpu.memref_slice %arg4[%add3A_42, %dma_start3A_43] : memref<655360x8xf32, #tpu.memory_space<hbm>> -> memref<128x8xf32, #tpu.memory_space<hbm>>
        %dma_start3A_45 = arith.constant 0 : i32
        %dma_start3A_46 = tpu.memref_slice %arg4[%add3A_42, %dma_start3A_45] : memref<655360x8xf32, #tpu.memory_space<hbm>> -> memref<128x8xf32, #tpu.memory_space<hbm>>
        tpu.enqueue_dma source(%arg7 : memref<128x8xf32, #tpu.memory_space<vmem>>) target(%dma_start3A_46 : memref<128x8xf32, #tpu.memory_space<hbm>>) target_semaphore(%run_scoped3A : memref<!tpu.dma_semaphore, #tpu.memory_space<semaphore_mem>>)
        %dma_wait3A_47 = arith.constant 0 : i32
        %dma_wait3A_48 = tpu.memref_slice %arg4[%add3A_42, %dma_wait3A_47] : memref<655360x8xf32, #tpu.memory_space<hbm>> -> memref<128x8xf32, #tpu.memory_space<hbm>>
        %dma_wait3A_49 = arith.constant 0 : i32
        %dma_wait3A_50 = tpu.memref_slice %arg4[%add3A_42, %dma_wait3A_49] : memref<655360x8xf32, #tpu.memory_space<hbm>> -> memref<128x8xf32, #tpu.memory_space<hbm>>
        tpu.wait_dma2 semaphore(%run_scoped3A : memref<!tpu.dma_semaphore, #tpu.memory_space<semaphore_mem>>) src(%arg7 : memref<128x8xf32, #tpu.memory_space<vmem>>) dst(%dma_wait3A_50 : memref<128x8xf32, #tpu.memory_space<hbm>>)
        tpu.yield
      }) : () -> ()
    }
    %scan3A_9 = arith.constant 80 : i32
    return
  }
}

module attributes {stable_mosaic.version = 14 : i64} {
  func.func @_stats_kernel(%arg0: i32, %arg1: memref<2048x64xf32, #tpu.memory_space<vmem>>, %arg2: memref<64x4096xf32, #tpu.memory_space<vmem>>, %arg3: memref<1x512xf32, #tpu.memory_space<vmem>>, %arg4: memref<1x512xf32, #tpu.memory_space<vmem>>) attributes {dimension_semantics = [#tpu.dimension_semantics<arbitrary>], iteration_bounds = array<i64: 40>, scalar_prefetch = 0 : i64, scratch_operands = 0 : i64, tpu.core_type = #tpu.core_type<tc>, window_params = [{transform_indices = @transform_0, window_bounds = array<i64: 2048, 64>}, {pipeline_mode = #tpu.pipeline_mode<synchronous>, transform_indices = @transform_1, window_bounds = array<i64: 64, 4096>}, {pipeline_mode = #tpu.pipeline_mode<synchronous>, transform_indices = @transform_2, window_bounds = array<i64: 1, 512>}, {pipeline_mode = #tpu.pipeline_mode<synchronous>, transform_indices = @transform_3, window_bounds = array<i64: 1, 512>}]} {
    %eq3A = arith.constant 0 : i32
    %eq3A_0 = arith.cmpi eq, %arg0, %eq3A : i32
    %convert_element_type3A = arith.extui %eq3A_0 : i1 to i32
    %cond3A = arith.constant 0 : i32
    %cond3A_1 = arith.cmpi ne, %convert_element_type3A, %cond3A : i32
    scf.if %cond3A_1 {
      %broadcast_in_dim3A_229 = arith.constant 0.000000e+00 : f32
      %broadcast_in_dim3A_230 = vector.broadcast %broadcast_in_dim3A_229 : f32 to vector<1x512xf32>
      %swap3A_231 = arith.constant 0 : index
      %swap3A_232 = arith.constant 0 : index
      %swap3A_233 = vector.load %arg3[%swap3A_231, %swap3A_232] : memref<1x512xf32, #tpu.memory_space<vmem>>, vector<1x512xf32>
      tpu.vector_store %arg3[%swap3A_231, %swap3A_232], %broadcast_in_dim3A_230 {strides = array<i32>} : memref<1x512xf32, #tpu.memory_space<vmem>>, vector<1x512xf32>,
      %broadcast_in_dim3A_234 = arith.constant 0.000000e+00 : f32
      %broadcast_in_dim3A_235 = vector.broadcast %broadcast_in_dim3A_234 : f32 to vector<1x512xf32>
      %swap3A_236 = arith.constant 0 : index
      %swap3A_237 = arith.constant 0 : index
      %swap3A_238 = vector.load %arg4[%swap3A_236, %swap3A_237] : memref<1x512xf32, #tpu.memory_space<vmem>>, vector<1x512xf32>
      tpu.vector_store %arg4[%swap3A_236, %swap3A_237], %broadcast_in_dim3A_235 {strides = array<i32>} : memref<1x512xf32, #tpu.memory_space<vmem>>, vector<1x512xf32>,
    } else {
    }
    %get3A = arith.constant 0 : index
    %get3A_2 = arith.constant 0 : index
    %get3A_3 = vector.load %arg1[%get3A, %get3A_2] : memref<2048x64xf32, #tpu.memory_space<vmem>>, vector<2048x64xf32>
    %get3A_4 = arith.constant 0 : index
    %get3A_5 = arith.constant 0 : index
    %get3A_6 = vector.load %arg2[%get3A_4, %get3A_5] : memref<64x4096xf32, #tpu.memory_space<vmem>>, vector<64x4096xf32>
    %dot_general3A = arith.constant dense<0.000000e+00> : vector<2048x4096xf32>
    %dot_general3A_7 = tpu.matmul %get3A_3, %get3A_6, %dot_general3A {dimension_numbers = #tpu.dot_dimension_numbers<[1], [0], [0], [1], [0, 0, 1, 1], [], []>, transpose_lhs_hint = false} : vector<2048x64xf32>, vector<64x4096xf32>, vector<2048x4096xf32> -> vector<2048x4096xf32>
    %get3A_8 = arith.constant 0 : index
    %get3A_9 = arith.constant 0 : index
    %get3A_10 = vector.load %arg2[%get3A_8, %get3A_9] : memref<64x4096xf32, #tpu.memory_space<vmem>>, vector<64x4096xf32>
    %get3A_11 = arith.constant 0 : index
    %get3A_12 = arith.constant 0 : index
    %get3A_13 = vector.load %arg2[%get3A_11, %get3A_12] : memref<64x4096xf32, #tpu.memory_space<vmem>>, vector<64x4096xf32>
    %mul3A = arith.mulf %get3A_10, %get3A_13 : vector<64x4096xf32>
    %reduce_sum3A = arith.constant dense<0.000000e+00> : vector<4096xf32>
    %reduce_sum3A_14 = vector.multi_reduction <add>, %mul3A, %reduce_sum3A [0] : vector<64x4096xf32> to vector<4096xf32>
    %broadcast_in_dim3A = vector.shape_cast %reduce_sum3A_14 : vector<4096xf32> to vector<1x4096xf32>
    %mul3A_15 = arith.mulf %get3A_3, %get3A_3 : vector<2048x64xf32>
    %broadcast_in_dim3A_16 = arith.constant 0.000000e+00 : f32
    %broadcast_in_dim3A_17 = vector.broadcast %broadcast_in_dim3A_16 : f32 to vector<1x512xf32>
    %broadcast_in_dim3A_18 = arith.constant 0.000000e+00 : f32
    %broadcast_in_dim3A_19 = vector.broadcast %broadcast_in_dim3A_18 : f32 to vector<1x512xf32>
    %slice3A = vector.extract_strided_slice %mul3A_15 {offsets = [0, 0], sizes = [2048, 8], strides = [1, 1]} : vector<2048x64xf32> to vector<2048x8xf32>
    %reduce_sum3A_20 = arith.constant dense<0.000000e+00> : vector<2048xf32>
    %reduce_sum3A_21 = vector.multi_reduction <add>, %slice3A, %reduce_sum3A_20 [1] : vector<2048x8xf32> to vector<2048xf32>
    %broadcast_in_dim3A_22 = vector.shape_cast %reduce_sum3A_21 : vector<2048xf32> to vector<2048x1xf32>
    %neg3A = arith.constant 0.000000e+00 : f32
    %neg3A_23 = vector.broadcast %neg3A : f32 to vector<2048x1xf32>
    %neg3A_24 = arith.subf %neg3A_23, %broadcast_in_dim3A_22 : vector<2048x1xf32>
    %slice3A_25 = vector.extract_strided_slice %dot_general3A_7 {offsets = [0, 0], sizes = [2048, 512], strides = [1, 1]} : vector<2048x4096xf32> to vector<2048x512xf32>
    %mul3A_26 = arith.constant 2.000000e+00 : f32
    %mul3A_27 = vector.broadcast %mul3A_26 : f32 to vector<2048x512xf32>
    %mul3A_28 = arith.mulf %mul3A_27, %slice3A_25 : vector<2048x512xf32>
    %add3A = vector.broadcast %neg3A_24 : vector<2048x1xf32> to vector<2048x512xf32>
    %add3A_29 = arith.addf %add3A, %mul3A_28 : vector<2048x512xf32>
    %slice3A_30 = vector.extract_strided_slice %broadcast_in_dim3A {offsets = [0, 0], sizes = [1, 512], strides = [1, 1]} : vector<1x4096xf32> to vector<1x512xf32>
    %sub3A = vector.broadcast %slice3A_30 : vector<1x512xf32> to vector<2048x512xf32>
    %sub3A_31 = arith.subf %add3A_29, %sub3A : vector<2048x512xf32>
    %reduce_sum3A_32 = arith.constant dense<0.000000e+00> : vector<512xf32>
    %reduce_sum3A_33 = vector.multi_reduction <add>, %sub3A_31, %reduce_sum3A_32 [0] : vector<2048x512xf32> to vector<512xf32>
    %broadcast_in_dim3A_34 = vector.shape_cast %reduce_sum3A_33 : vector<512xf32> to vector<1x512xf32>
    %add3A_35 = arith.addf %broadcast_in_dim3A_17, %broadcast_in_dim3A_34 : vector<1x512xf32>
    %mul3A_36 = arith.mulf %sub3A_31, %sub3A_31 : vector<2048x512xf32>
    %reduce_sum3A_37 = arith.constant dense<0.000000e+00> : vector<512xf32>
    %reduce_sum3A_38 = vector.multi_reduction <add>, %mul3A_36, %reduce_sum3A_37 [0] : vector<2048x512xf32> to vector<512xf32>
    %broadcast_in_dim3A_39 = vector.shape_cast %reduce_sum3A_38 : vector<512xf32> to vector<1x512xf32>
    %add3A_40 = arith.addf %broadcast_in_dim3A_19, %broadcast_in_dim3A_39 : vector<1x512xf32>
    %slice3A_41 = vector.extract_strided_slice %mul3A_15 {offsets = [0, 8], sizes = [2048, 8], strides = [1, 1]} : vector<2048x64xf32> to vector<2048x8xf32>
    %reduce_sum3A_42 = arith.constant dense<0.000000e+00> : vector<2048xf32>
    %reduce_sum3A_43 = vector.multi_reduction <add>, %slice3A_41, %reduce_sum3A_42 [1] : vector<2048x8xf32> to vector<2048xf32>
    %broadcast_in_dim3A_44 = vector.shape_cast %reduce_sum3A_43 : vector<2048xf32> to vector<2048x1xf32>
    %neg3A_45 = arith.constant 0.000000e+00 : f32
    %neg3A_46 = vector.broadcast %neg3A_45 : f32 to vector<2048x1xf32>
    %neg3A_47 = arith.subf %neg3A_46, %broadcast_in_dim3A_44 : vector<2048x1xf32>
    %slice3A_48 = vector.extract_strided_slice %dot_general3A_7 {offsets = [0, 512], sizes = [2048, 512], strides = [1, 1]} : vector<2048x4096xf32> to vector<2048x512xf32>
    %mul3A_49 = arith.constant 2.000000e+00 : f32
    %mul3A_50 = vector.broadcast %mul3A_49 : f32 to vector<2048x512xf32>
    %mul3A_51 = arith.mulf %mul3A_50, %slice3A_48 : vector<2048x512xf32>
    %add3A_52 = vector.broadcast %neg3A_47 : vector<2048x1xf32> to vector<2048x512xf32>
    %add3A_53 = arith.addf %add3A_52, %mul3A_51 : vector<2048x512xf32>
    %slice3A_54 = vector.extract_strided_slice %broadcast_in_dim3A {offsets = [0, 512], sizes = [1, 512], strides = [1, 1]} : vector<1x4096xf32> to vector<1x512xf32>
    %sub3A_55 = vector.broadcast %slice3A_54 : vector<1x512xf32> to vector<2048x512xf32>
    %sub3A_56 = arith.subf %add3A_53, %sub3A_55 : vector<2048x512xf32>
    %reduce_sum3A_57 = arith.constant dense<0.000000e+00> : vector<512xf32>
    %reduce_sum3A_58 = vector.multi_reduction <add>, %sub3A_56, %reduce_sum3A_57 [0] : vector<2048x512xf32> to vector<512xf32>
    %broadcast_in_dim3A_59 = vector.shape_cast %reduce_sum3A_58 : vector<512xf32> to vector<1x512xf32>
    %add3A_60 = arith.addf %add3A_35, %broadcast_in_dim3A_59 : vector<1x512xf32>
    %mul3A_61 = arith.mulf %sub3A_56, %sub3A_56 : vector<2048x512xf32>
    %reduce_sum3A_62 = arith.constant dense<0.000000e+00> : vector<512xf32>
    %reduce_sum3A_63 = vector.multi_reduction <add>, %mul3A_61, %reduce_sum3A_62 [0] : vector<2048x512xf32> to vector<512xf32>
    %broadcast_in_dim3A_64 = vector.shape_cast %reduce_sum3A_63 : vector<512xf32> to vector<1x512xf32>
    %add3A_65 = arith.addf %add3A_40, %broadcast_in_dim3A_64 : vector<1x512xf32>
    %slice3A_66 = vector.extract_strided_slice %mul3A_15 {offsets = [0, 16], sizes = [2048, 8], strides = [1, 1]} : vector<2048x64xf32> to vector<2048x8xf32>
    %reduce_sum3A_67 = arith.constant dense<0.000000e+00> : vector<2048xf32>
    %reduce_sum3A_68 = vector.multi_reduction <add>, %slice3A_66, %reduce_sum3A_67 [1] : vector<2048x8xf32> to vector<2048xf32>
    %broadcast_in_dim3A_69 = vector.shape_cast %reduce_sum3A_68 : vector<2048xf32> to vector<2048x1xf32>
    %neg3A_70 = arith.constant 0.000000e+00 : f32
    %neg3A_71 = vector.broadcast %neg3A_70 : f32 to vector<2048x1xf32>
    %neg3A_72 = arith.subf %neg3A_71, %broadcast_in_dim3A_69 : vector<2048x1xf32>
    %slice3A_73 = vector.extract_strided_slice %dot_general3A_7 {offsets = [0, 1024], sizes = [2048, 512], strides = [1, 1]} : vector<2048x4096xf32> to vector<2048x512xf32>
    %mul3A_74 = arith.constant 2.000000e+00 : f32
    %mul3A_75 = vector.broadcast %mul3A_74 : f32 to vector<2048x512xf32>
    %mul3A_76 = arith.mulf %mul3A_75, %slice3A_73 : vector<2048x512xf32>
    %add3A_77 = vector.broadcast %neg3A_72 : vector<2048x1xf32> to vector<2048x512xf32>
    %add3A_78 = arith.addf %add3A_77, %mul3A_76 : vector<2048x512xf32>
    %slice3A_79 = vector.extract_strided_slice %broadcast_in_dim3A {offsets = [0, 1024], sizes = [1, 512], strides = [1, 1]} : vector<1x4096xf32> to vector<1x512xf32>
    %sub3A_80 = vector.broadcast %slice3A_79 : vector<1x512xf32> to vector<2048x512xf32>
    %sub3A_81 = arith.subf %add3A_78, %sub3A_80 : vector<2048x512xf32>
    %reduce_sum3A_82 = arith.constant dense<0.000000e+00> : vector<512xf32>
    %reduce_sum3A_83 = vector.multi_reduction <add>, %sub3A_81, %reduce_sum3A_82 [0] : vector<2048x512xf32> to vector<512xf32>
    %broadcast_in_dim3A_84 = vector.shape_cast %reduce_sum3A_83 : vector<512xf32> to vector<1x512xf32>
    %add3A_85 = arith.addf %add3A_60, %broadcast_in_dim3A_84 : vector<1x512xf32>
    %mul3A_86 = arith.mulf %sub3A_81, %sub3A_81 : vector<2048x512xf32>
    %reduce_sum3A_87 = arith.constant dense<0.000000e+00> : vector<512xf32>
    %reduce_sum3A_88 = vector.multi_reduction <add>, %mul3A_86, %reduce_sum3A_87 [0] : vector<2048x512xf32> to vector<512xf32>
    %broadcast_in_dim3A_89 = vector.shape_cast %reduce_sum3A_88 : vector<512xf32> to vector<1x512xf32>
    %add3A_90 = arith.addf %add3A_65, %broadcast_in_dim3A_89 : vector<1x512xf32>
    %slice3A_91 = vector.extract_strided_slice %mul3A_15 {offsets = [0, 24], sizes = [2048, 8], strides = [1, 1]} : vector<2048x64xf32> to vector<2048x8xf32>
    %reduce_sum3A_92 = arith.constant dense<0.000000e+00> : vector<2048xf32>
    %reduce_sum3A_93 = vector.multi_reduction <add>, %slice3A_91, %reduce_sum3A_92 [1] : vector<2048x8xf32> to vector<2048xf32>
    %broadcast_in_dim3A_94 = vector.shape_cast %reduce_sum3A_93 : vector<2048xf32> to vector<2048x1xf32>
    %neg3A_95 = arith.constant 0.000000e+00 : f32
    %neg3A_96 = vector.broadcast %neg3A_95 : f32 to vector<2048x1xf32>
    %neg3A_97 = arith.subf %neg3A_96, %broadcast_in_dim3A_94 : vector<2048x1xf32>
    %slice3A_98 = vector.extract_strided_slice %dot_general3A_7 {offsets = [0, 1536], sizes = [2048, 512], strides = [1, 1]} : vector<2048x4096xf32> to vector<2048x512xf32>
    %mul3A_99 = arith.constant 2.000000e+00 : f32
    %mul3A_100 = vector.broadcast %mul3A_99 : f32 to vector<2048x512xf32>
    %mul3A_101 = arith.mulf %mul3A_100, %slice3A_98 : vector<2048x512xf32>
    %add3A_102 = vector.broadcast %neg3A_97 : vector<2048x1xf32> to vector<2048x512xf32>
    %add3A_103 = arith.addf %add3A_102, %mul3A_101 : vector<2048x512xf32>
    %slice3A_104 = vector.extract_strided_slice %broadcast_in_dim3A {offsets = [0, 1536], sizes = [1, 512], strides = [1, 1]} : vector<1x4096xf32> to vector<1x512xf32>
    %sub3A_105 = vector.broadcast %slice3A_104 : vector<1x512xf32> to vector<2048x512xf32>
    %sub3A_106 = arith.subf %add3A_103, %sub3A_105 : vector<2048x512xf32>
    %reduce_sum3A_107 = arith.constant dense<0.000000e+00> : vector<512xf32>
    %reduce_sum3A_108 = vector.multi_reduction <add>, %sub3A_106, %reduce_sum3A_107 [0] : vector<2048x512xf32> to vector<512xf32>
    %broadcast_in_dim3A_109 = vector.shape_cast %reduce_sum3A_108 : vector<512xf32> to vector<1x512xf32>
    %add3A_110 = arith.addf %add3A_85, %broadcast_in_dim3A_109 : vector<1x512xf32>
    %mul3A_111 = arith.mulf %sub3A_106, %sub3A_106 : vector<2048x512xf32>
    %reduce_sum3A_112 = arith.constant dense<0.000000e+00> : vector<512xf32>
    %reduce_sum3A_113 = vector.multi_reduction <add>, %mul3A_111, %reduce_sum3A_112 [0] : vector<2048x512xf32> to vector<512xf32>
    %broadcast_in_dim3A_114 = vector.shape_cast %reduce_sum3A_113 : vector<512xf32> to vector<1x512xf32>
    %add3A_115 = arith.addf %add3A_90, %broadcast_in_dim3A_114 : vector<1x512xf32>
    %slice3A_116 = vector.extract_strided_slice %mul3A_15 {offsets = [0, 32], sizes = [2048, 8], strides = [1, 1]} : vector<2048x64xf32> to vector<2048x8xf32>
    %reduce_sum3A_117 = arith.constant dense<0.000000e+00> : vector<2048xf32>
    %reduce_sum3A_118 = vector.multi_reduction <add>, %slice3A_116, %reduce_sum3A_117 [1] : vector<2048x8xf32> to vector<2048xf32>
    %broadcast_in_dim3A_119 = vector.shape_cast %reduce_sum3A_118 : vector<2048xf32> to vector<2048x1xf32>
    %neg3A_120 = arith.constant 0.000000e+00 : f32
    %neg3A_121 = vector.broadcast %neg3A_120 : f32 to vector<2048x1xf32>
    %neg3A_122 = arith.subf %neg3A_121, %broadcast_in_dim3A_119 : vector<2048x1xf32>
    %slice3A_123 = vector.extract_strided_slice %dot_general3A_7 {offsets = [0, 2048], sizes = [2048, 512], strides = [1, 1]} : vector<2048x4096xf32> to vector<2048x512xf32>
    %mul3A_124 = arith.constant 2.000000e+00 : f32
    %mul3A_125 = vector.broadcast %mul3A_124 : f32 to vector<2048x512xf32>
    %mul3A_126 = arith.mulf %mul3A_125, %slice3A_123 : vector<2048x512xf32>
    %add3A_127 = vector.broadcast %neg3A_122 : vector<2048x1xf32> to vector<2048x512xf32>
    %add3A_128 = arith.addf %add3A_127, %mul3A_126 : vector<2048x512xf32>
    %slice3A_129 = vector.extract_strided_slice %broadcast_in_dim3A {offsets = [0, 2048], sizes = [1, 512], strides = [1, 1]} : vector<1x4096xf32> to vector<1x512xf32>
    %sub3A_130 = vector.broadcast %slice3A_129 : vector<1x512xf32> to vector<2048x512xf32>
    %sub3A_131 = arith.subf %add3A_128, %sub3A_130 : vector<2048x512xf32>
    %reduce_sum3A_132 = arith.constant dense<0.000000e+00> : vector<512xf32>
    %reduce_sum3A_133 = vector.multi_reduction <add>, %sub3A_131, %reduce_sum3A_132 [0] : vector<2048x512xf32> to vector<512xf32>
    %broadcast_in_dim3A_134 = vector.shape_cast %reduce_sum3A_133 : vector<512xf32> to vector<1x512xf32>
    %add3A_135 = arith.addf %add3A_110, %broadcast_in_dim3A_134 : vector<1x512xf32>
    %mul3A_136 = arith.mulf %sub3A_131, %sub3A_131 : vector<2048x512xf32>
    %reduce_sum3A_137 = arith.constant dense<0.000000e+00> : vector<512xf32>
    %reduce_sum3A_138 = vector.multi_reduction <add>, %mul3A_136, %reduce_sum3A_137 [0] : vector<2048x512xf32> to vector<512xf32>
    %broadcast_in_dim3A_139 = vector.shape_cast %reduce_sum3A_138 : vector<512xf32> to vector<1x512xf32>
    %add3A_140 = arith.addf %add3A_115, %broadcast_in_dim3A_139 : vector<1x512xf32>
    %slice3A_141 = vector.extract_strided_slice %mul3A_15 {offsets = [0, 40], sizes = [2048, 8], strides = [1, 1]} : vector<2048x64xf32> to vector<2048x8xf32>
    %reduce_sum3A_142 = arith.constant dense<0.000000e+00> : vector<2048xf32>
    %reduce_sum3A_143 = vector.multi_reduction <add>, %slice3A_141, %reduce_sum3A_142 [1] : vector<2048x8xf32> to vector<2048xf32>
    %broadcast_in_dim3A_144 = vector.shape_cast %reduce_sum3A_143 : vector<2048xf32> to vector<2048x1xf32>
    %neg3A_145 = arith.constant 0.000000e+00 : f32
    %neg3A_146 = vector.broadcast %neg3A_145 : f32 to vector<2048x1xf32>
    %neg3A_147 = arith.subf %neg3A_146, %broadcast_in_dim3A_144 : vector<2048x1xf32>
    %slice3A_148 = vector.extract_strided_slice %dot_general3A_7 {offsets = [0, 2560], sizes = [2048, 512], strides = [1, 1]} : vector<2048x4096xf32> to vector<2048x512xf32>
    %mul3A_149 = arith.constant 2.000000e+00 : f32
    %mul3A_150 = vector.broadcast %mul3A_149 : f32 to vector<2048x512xf32>
    %mul3A_151 = arith.mulf %mul3A_150, %slice3A_148 : vector<2048x512xf32>
    %add3A_152 = vector.broadcast %neg3A_147 : vector<2048x1xf32> to vector<2048x512xf32>
    %add3A_153 = arith.addf %add3A_152, %mul3A_151 : vector<2048x512xf32>
    %slice3A_154 = vector.extract_strided_slice %broadcast_in_dim3A {offsets = [0, 2560], sizes = [1, 512], strides = [1, 1]} : vector<1x4096xf32> to vector<1x512xf32>
    %sub3A_155 = vector.broadcast %slice3A_154 : vector<1x512xf32> to vector<2048x512xf32>
    %sub3A_156 = arith.subf %add3A_153, %sub3A_155 : vector<2048x512xf32>
    %reduce_sum3A_157 = arith.constant dense<0.000000e+00> : vector<512xf32>
    %reduce_sum3A_158 = vector.multi_reduction <add>, %sub3A_156, %reduce_sum3A_157 [0] : vector<2048x512xf32> to vector<512xf32>
    %broadcast_in_dim3A_159 = vector.shape_cast %reduce_sum3A_158 : vector<512xf32> to vector<1x512xf32>
    %add3A_160 = arith.addf %add3A_135, %broadcast_in_dim3A_159 : vector<1x512xf32>
    %mul3A_161 = arith.mulf %sub3A_156, %sub3A_156 : vector<2048x512xf32>
    %reduce_sum3A_162 = arith.constant dense<0.000000e+00> : vector<512xf32>
    %reduce_sum3A_163 = vector.multi_reduction <add>, %mul3A_161, %reduce_sum3A_162 [0] : vector<2048x512xf32> to vector<512xf32>
    %broadcast_in_dim3A_164 = vector.shape_cast %reduce_sum3A_163 : vector<512xf32> to vector<1x512xf32>
    %add3A_165 = arith.addf %add3A_140, %broadcast_in_dim3A_164 : vector<1x512xf32>
    %slice3A_166 = vector.extract_strided_slice %mul3A_15 {offsets = [0, 48], sizes = [2048, 8], strides = [1, 1]} : vector<2048x64xf32> to vector<2048x8xf32>
    %reduce_sum3A_167 = arith.constant dense<0.000000e+00> : vector<2048xf32>
    %reduce_sum3A_168 = vector.multi_reduction <add>, %slice3A_166, %reduce_sum3A_167 [1] : vector<2048x8xf32> to vector<2048xf32>
    %broadcast_in_dim3A_169 = vector.shape_cast %reduce_sum3A_168 : vector<2048xf32> to vector<2048x1xf32>
    %neg3A_170 = arith.constant 0.000000e+00 : f32
    %neg3A_171 = vector.broadcast %neg3A_170 : f32 to vector<2048x1xf32>
    %neg3A_172 = arith.subf %neg3A_171, %broadcast_in_dim3A_169 : vector<2048x1xf32>
    %slice3A_173 = vector.extract_strided_slice %dot_general3A_7 {offsets = [0, 3072], sizes = [2048, 512], strides = [1, 1]} : vector<2048x4096xf32> to vector<2048x512xf32>
    %mul3A_174 = arith.constant 2.000000e+00 : f32
    %mul3A_175 = vector.broadcast %mul3A_174 : f32 to vector<2048x512xf32>
    %mul3A_176 = arith.mulf %mul3A_175, %slice3A_173 : vector<2048x512xf32>
    %add3A_177 = vector.broadcast %neg3A_172 : vector<2048x1xf32> to vector<2048x512xf32>
    %add3A_178 = arith.addf %add3A_177, %mul3A_176 : vector<2048x512xf32>
    %slice3A_179 = vector.extract_strided_slice %broadcast_in_dim3A {offsets = [0, 3072], sizes = [1, 512], strides = [1, 1]} : vector<1x4096xf32> to vector<1x512xf32>
    %sub3A_180 = vector.broadcast %slice3A_179 : vector<1x512xf32> to vector<2048x512xf32>
    %sub3A_181 = arith.subf %add3A_178, %sub3A_180 : vector<2048x512xf32>
    %reduce_sum3A_182 = arith.constant dense<0.000000e+00> : vector<512xf32>
    %reduce_sum3A_183 = vector.multi_reduction <add>, %sub3A_181, %reduce_sum3A_182 [0] : vector<2048x512xf32> to vector<512xf32>
    %broadcast_in_dim3A_184 = vector.shape_cast %reduce_sum3A_183 : vector<512xf32> to vector<1x512xf32>
    %add3A_185 = arith.addf %add3A_160, %broadcast_in_dim3A_184 : vector<1x512xf32>
    %mul3A_186 = arith.mulf %sub3A_181, %sub3A_181 : vector<2048x512xf32>
    %reduce_sum3A_187 = arith.constant dense<0.000000e+00> : vector<512xf32>
    %reduce_sum3A_188 = vector.multi_reduction <add>, %mul3A_186, %reduce_sum3A_187 [0] : vector<2048x512xf32> to vector<512xf32>
    %broadcast_in_dim3A_189 = vector.shape_cast %reduce_sum3A_188 : vector<512xf32> to vector<1x512xf32>
    %add3A_190 = arith.addf %add3A_165, %broadcast_in_dim3A_189 : vector<1x512xf32>
    %slice3A_191 = vector.extract_strided_slice %mul3A_15 {offsets = [0, 56], sizes = [2048, 8], strides = [1, 1]} : vector<2048x64xf32> to vector<2048x8xf32>
    %reduce_sum3A_192 = arith.constant dense<0.000000e+00> : vector<2048xf32>
    %reduce_sum3A_193 = vector.multi_reduction <add>, %slice3A_191, %reduce_sum3A_192 [1] : vector<2048x8xf32> to vector<2048xf32>
    %broadcast_in_dim3A_194 = vector.shape_cast %reduce_sum3A_193 : vector<2048xf32> to vector<2048x1xf32>
    %neg3A_195 = arith.constant 0.000000e+00 : f32
    %neg3A_196 = vector.broadcast %neg3A_195 : f32 to vector<2048x1xf32>
    %neg3A_197 = arith.subf %neg3A_196, %broadcast_in_dim3A_194 : vector<2048x1xf32>
    %slice3A_198 = vector.extract_strided_slice %dot_general3A_7 {offsets = [0, 3584], sizes = [2048, 512], strides = [1, 1]} : vector<2048x4096xf32> to vector<2048x512xf32>
    %mul3A_199 = arith.constant 2.000000e+00 : f32
    %mul3A_200 = vector.broadcast %mul3A_199 : f32 to vector<2048x512xf32>
    %mul3A_201 = arith.mulf %mul3A_200, %slice3A_198 : vector<2048x512xf32>
    %add3A_202 = vector.broadcast %neg3A_197 : vector<2048x1xf32> to vector<2048x512xf32>
    %add3A_203 = arith.addf %add3A_202, %mul3A_201 : vector<2048x512xf32>
    %slice3A_204 = vector.extract_strided_slice %broadcast_in_dim3A {offsets = [0, 3584], sizes = [1, 512], strides = [1, 1]} : vector<1x4096xf32> to vector<1x512xf32>
    %sub3A_205 = vector.broadcast %slice3A_204 : vector<1x512xf32> to vector<2048x512xf32>
    %sub3A_206 = arith.subf %add3A_203, %sub3A_205 : vector<2048x512xf32>
    %reduce_sum3A_207 = arith.constant dense<0.000000e+00> : vector<512xf32>
    %reduce_sum3A_208 = vector.multi_reduction <add>, %sub3A_206, %reduce_sum3A_207 [0] : vector<2048x512xf32> to vector<512xf32>
    %broadcast_in_dim3A_209 = vector.shape_cast %reduce_sum3A_208 : vector<512xf32> to vector<1x512xf32>
    %add3A_210 = arith.addf %add3A_185, %broadcast_in_dim3A_209 : vector<1x512xf32>
    %mul3A_211 = arith.mulf %sub3A_206, %sub3A_206 : vector<2048x512xf32>
    %reduce_sum3A_212 = arith.constant dense<0.000000e+00> : vector<512xf32>
    %reduce_sum3A_213 = vector.multi_reduction <add>, %mul3A_211, %reduce_sum3A_212 [0] : vector<2048x512xf32> to vector<512xf32>
    %broadcast_in_dim3A_214 = vector.shape_cast %reduce_sum3A_213 : vector<512xf32> to vector<1x512xf32>
    %add3A_215 = arith.addf %add3A_190, %broadcast_in_dim3A_214 : vector<1x512xf32>
    %get3A_216 = arith.constant 0 : index
    %get3A_217 = arith.constant 0 : index
    %get3A_218 = vector.load %arg3[%get3A_216, %get3A_217] : memref<1x512xf32, #tpu.memory_space<vmem>>, vector<1x512xf32>
    %add3A_219 = arith.addf %get3A_218, %add3A_210 : vector<1x512xf32>
    %swap3A = arith.constant 0 : index
    %swap3A_220 = arith.constant 0 : index
    %swap3A_221 = vector.load %arg3[%swap3A, %swap3A_220] : memref<1x512xf32, #tpu.memory_space<vmem>>, vector<1x512xf32>
    tpu.vector_store %arg3[%swap3A, %swap3A_220], %add3A_219 {strides = array<i32>} : memref<1x512xf32, #tpu.memory_space<vmem>>, vector<1x512xf32>,
    %get3A_222 = arith.constant 0 : index
    %get3A_223 = arith.constant 0 : index
    %get3A_224 = vector.load %arg4[%get3A_222, %get3A_223] : memref<1x512xf32, #tpu.memory_space<vmem>>, vector<1x512xf32>
    %add3A_225 = arith.addf %get3A_224, %add3A_215 : vector<1x512xf32>
    %swap3A_226 = arith.constant 0 : index
    %swap3A_227 = arith.constant 0 : index
    %swap3A_228 = vector.load %arg4[%swap3A_226, %swap3A_227] : memref<1x512xf32, #tpu.memory_space<vmem>>, vector<1x512xf32>
    tpu.vector_store %arg4[%swap3A_226, %swap3A_227], %add3A_225 {strides = array<i32>} : memref<1x512xf32, #tpu.memory_space<vmem>>, vector<1x512xf32>,
    return
  }
  func.func @transform_0(%arg0: i32) -> (i32, i32) {
    %c0_i32 = arith.constant 0 : i32
    %c0_i32_0 = arith.constant 0 : i32
    return %arg0, %c0_i32 : i32, i32
  }
  func.func @transform_1(%arg0: i32) -> (i32, i32) {
    %c0_i32 = arith.constant 0 : i32
    %c0_i32_0 = arith.constant 0 : i32
    %c0_i32_1 = arith.constant 0 : i32
    return %c0_i32, %c0_i32_0 : i32, i32
  }
  func.func @transform_2(%arg0: i32) -> (i32, i32) {
    %c0_i32 = arith.constant 0 : i32
    %c0_i32_0 = arith.constant 0 : i32
    %c0_i32_1 = arith.constant 0 : i32
    return %c0_i32, %c0_i32_0 : i32, i32
  }
  func.func @transform_3(%arg0: i32) -> (i32, i32) {
    %c0_i32 = arith.constant 0 : i32
    %c0_i32_0 = arith.constant 0 : i32
    %c0_i32_1 = arith.constant 0 : i32
    return %c0_i32, %c0_i32_0 : i32, i32
  }
}

module attributes {stable_mosaic.version = 14 : i64} {
  func.func @_argmax_kernel(%arg0: i32, %arg1: memref<2048x64xf32, #tpu.memory_space<vmem>>, %arg2: memref<64x4096xf32, #tpu.memory_space<vmem>>, %arg3: memref<1x512xf32, #tpu.memory_space<vmem>>, %arg4: memref<1x512xf32, #tpu.memory_space<vmem>>, %arg5: memref<2048x8xi32, #tpu.memory_space<vmem>>) attributes {dimension_semantics = [#tpu.dimension_semantics<arbitrary>], iteration_bounds = array<i64: 40>, scalar_prefetch = 0 : i64, scratch_operands = 0 : i64, tpu.core_type = #tpu.core_type<tc>, window_params = [{transform_indices = @transform_0, window_bounds = array<i64: 2048, 64>}, {pipeline_mode = #tpu.pipeline_mode<synchronous>, transform_indices = @transform_1, window_bounds = array<i64: 64, 4096>}, {pipeline_mode = #tpu.pipeline_mode<synchronous>, transform_indices = @transform_2, window_bounds = array<i64: 1, 512>}, {pipeline_mode = #tpu.pipeline_mode<synchronous>, transform_indices = @transform_3, window_bounds = array<i64: 1, 512>}, {transform_indices = @transform_4, window_bounds = array<i64: 2048, 8>}]} {
    %get3A = arith.constant 0 : index
    %get3A_0 = arith.constant 0 : index
    %get3A_1 = vector.load %arg3[%get3A, %get3A_0] : memref<1x512xf32, #tpu.memory_space<vmem>>, vector<1x512xf32>
    %div3A = arith.constant 6.553600e+05 : f32
    %div3A_2 = vector.broadcast %div3A : f32 to vector<1x512xf32>
    %div3A_3 = arith.divf %get3A_1, %div3A_2 : vector<1x512xf32>
    %get3A_4 = arith.constant 0 : index
    %get3A_5 = arith.constant 0 : index
    %get3A_6 = vector.load %arg4[%get3A_4, %get3A_5] : memref<1x512xf32, #tpu.memory_space<vmem>>, vector<1x512xf32>
    %div3A_7 = arith.constant 6.553600e+05 : f32
    %div3A_8 = vector.broadcast %div3A_7 : f32 to vector<1x512xf32>
    %div3A_9 = arith.divf %get3A_6, %div3A_8 : vector<1x512xf32>
    %get3A_10 = arith.constant 0 : index
    %get3A_11 = arith.constant 0 : index
    %get3A_12 = vector.load %arg3[%get3A_10, %get3A_11] : memref<1x512xf32, #tpu.memory_space<vmem>>, vector<1x512xf32>
    %div3A_13 = arith.constant 6.553600e+05 : f32
    %div3A_14 = vector.broadcast %div3A_13 : f32 to vector<1x512xf32>
    %div3A_15 = arith.divf %get3A_12, %div3A_14 : vector<1x512xf32>
    %get3A_16 = arith.constant 0 : index
    %get3A_17 = arith.constant 0 : index
    %get3A_18 = vector.load %arg3[%get3A_16, %get3A_17] : memref<1x512xf32, #tpu.memory_space<vmem>>, vector<1x512xf32>
    %div3A_19 = arith.constant 6.553600e+05 : f32
    %div3A_20 = vector.broadcast %div3A_19 : f32 to vector<1x512xf32>
    %div3A_21 = arith.divf %get3A_18, %div3A_20 : vector<1x512xf32>
    %mul3A = arith.mulf %div3A_15, %div3A_21 : vector<1x512xf32>
    %sub3A = arith.subf %div3A_9, %mul3A : vector<1x512xf32>
    %add3A = arith.constant 1.000000e-03 : f32
    %add3A_22 = vector.broadcast %add3A : f32 to vector<1x512xf32>
    %add3A_23 = arith.addf %sub3A, %add3A_22 : vector<1x512xf32>
    %sqrt3A = math.sqrt %add3A_23 : vector<1x512xf32>
    %div3A_24 = arith.constant 1.000000e+00 : f32
    %div3A_25 = vector.broadcast %div3A_24 : f32 to vector<1x512xf32>
    %div3A_26 = arith.divf %div3A_25, %sqrt3A : vector<1x512xf32>
    %get3A_27 = arith.constant 0 : index
    %get3A_28 = arith.constant 0 : index
    %get3A_29 = vector.load %arg1[%get3A_27, %get3A_28] : memref<2048x64xf32, #tpu.memory_space<vmem>>, vector<2048x64xf32>
    %get3A_30 = arith.constant 0 : index
    %get3A_31 = arith.constant 0 : index
    %get3A_32 = vector.load %arg2[%get3A_30, %get3A_31] : memref<64x4096xf32, #tpu.memory_space<vmem>>, vector<64x4096xf32>
    %dot_general3A = arith.constant dense<0.000000e+00> : vector<2048x4096xf32>
    %dot_general3A_33 = tpu.matmul %get3A_29, %get3A_32, %dot_general3A {dimension_numbers = #tpu.dot_dimension_numbers<[1], [0], [0], [1], [0, 0, 1, 1], [], []>, transpose_lhs_hint = false} : vector<2048x64xf32>, vector<64x4096xf32>, vector<2048x4096xf32> -> vector<2048x4096xf32>
    %get3A_34 = arith.constant 0 : index
    %get3A_35 = arith.constant 0 : index
    %get3A_36 = vector.load %arg2[%get3A_34, %get3A_35] : memref<64x4096xf32, #tpu.memory_space<vmem>>, vector<64x4096xf32>
    %get3A_37 = arith.constant 0 : index
    %get3A_38 = arith.constant 0 : index
    %get3A_39 = vector.load %arg2[%get3A_37, %get3A_38] : memref<64x4096xf32, #tpu.memory_space<vmem>>, vector<64x4096xf32>
    %mul3A_40 = arith.mulf %get3A_36, %get3A_39 : vector<64x4096xf32>
    %reduce_sum3A = arith.constant dense<0.000000e+00> : vector<4096xf32>
    %reduce_sum3A_41 = vector.multi_reduction <add>, %mul3A_40, %reduce_sum3A [0] : vector<64x4096xf32> to vector<4096xf32>
    %broadcast_in_dim3A = vector.shape_cast %reduce_sum3A_41 : vector<4096xf32> to vector<1x4096xf32>
    %mul3A_42 = arith.mulf %get3A_29, %get3A_29 : vector<2048x64xf32>
    %iota3A = tpu.iota {dimensions = array<i32: 1>} : vector<2048x512xi32>
    %slice3A = vector.extract_strided_slice %mul3A_42 {offsets = [0, 0], sizes = [2048, 8], strides = [1, 1]} : vector<2048x64xf32> to vector<2048x8xf32>
    %reduce_sum3A_43 = arith.constant dense<0.000000e+00> : vector<2048xf32>
    %reduce_sum3A_44 = vector.multi_reduction <add>, %slice3A, %reduce_sum3A_43 [1] : vector<2048x8xf32> to vector<2048xf32>
    %broadcast_in_dim3A_45 = vector.shape_cast %reduce_sum3A_44 : vector<2048xf32> to vector<2048x1xf32>
    %slice3A_46 = vector.extract_strided_slice %broadcast_in_dim3A {offsets = [0, 0], sizes = [1, 512], strides = [1, 1]} : vector<1x4096xf32> to vector<1x512xf32>
    %add3A_47 = arith.addf %slice3A_46, %div3A_3 : vector<1x512xf32>
    %slice3A_48 = vector.extract_strided_slice %dot_general3A_33 {offsets = [0, 0], sizes = [2048, 512], strides = [1, 1]} : vector<2048x4096xf32> to vector<2048x512xf32>
    %mul3A_49 = arith.constant 2.000000e+00 : f32
    %mul3A_50 = vector.broadcast %mul3A_49 : f32 to vector<2048x512xf32>
    %mul3A_51 = arith.mulf %mul3A_50, %slice3A_48 : vector<2048x512xf32>
    %sub3A_52 = vector.broadcast %broadcast_in_dim3A_45 : vector<2048x1xf32> to vector<2048x512xf32>
    %sub3A_53 = arith.subf %mul3A_51, %sub3A_52 : vector<2048x512xf32>
    %sub3A_54 = vector.broadcast %add3A_47 : vector<1x512xf32> to vector<2048x512xf32>
    %sub3A_55 = arith.subf %sub3A_53, %sub3A_54 : vector<2048x512xf32>
    %mul3A_56 = vector.broadcast %div3A_26 : vector<1x512xf32> to vector<2048x512xf32>
    %mul3A_57 = arith.mulf %sub3A_55, %mul3A_56 : vector<2048x512xf32>
    %reduce_max3A = arith.constant dense<0xFF800000> : vector<2048xf32>
    %reduce_max3A_58 = vector.multi_reduction <maximumf>, %mul3A_57, %reduce_max3A [1] : vector<2048x512xf32> to vector<2048xf32>
    %broadcast_in_dim3A_59 = vector.shape_cast %reduce_max3A_58 : vector<2048xf32> to vector<2048x1xf32>
    %eq3A = vector.broadcast %broadcast_in_dim3A_59 : vector<2048x1xf32> to vector<2048x512xf32>
    %eq3A_60 = arith.cmpf oeq, %mul3A_57, %eq3A : vector<2048x512xf32>
    %jit3A = arith.constant 512 : i32
    %broadcast_in_dim3A_61 = vector.broadcast %jit3A : i32 to vector<2048x512xi32>
    %select_n3A = arith.select %eq3A_60, %iota3A, %broadcast_in_dim3A_61 : vector<2048x512xi1>, vector<2048x512xi32>
    %reduce_min3A = arith.constant dense<2147483647> : vector<2048xi32>
    %reduce_min3A_62 = vector.multi_reduction <minsi>, %select_n3A, %reduce_min3A [1] : vector<2048x512xi32> to vector<2048xi32>
    %broadcast_in_dim3A_63 = vector.shape_cast %reduce_min3A_62 : vector<2048xi32> to vector<2048x1xi32>
    %add3A_64 = arith.constant 0 : i32
    %add3A_65 = vector.broadcast %add3A_64 : i32 to vector<2048x1xi32>
    %add3A_66 = arith.addi %broadcast_in_dim3A_63, %add3A_65 : vector<2048x1xi32>
    %slice3A_67 = vector.extract_strided_slice %mul3A_42 {offsets = [0, 8], sizes = [2048, 8], strides = [1, 1]} : vector<2048x64xf32> to vector<2048x8xf32>
    %reduce_sum3A_68 = arith.constant dense<0.000000e+00> : vector<2048xf32>
    %reduce_sum3A_69 = vector.multi_reduction <add>, %slice3A_67, %reduce_sum3A_68 [1] : vector<2048x8xf32> to vector<2048xf32>
    %broadcast_in_dim3A_70 = vector.shape_cast %reduce_sum3A_69 : vector<2048xf32> to vector<2048x1xf32>
    %slice3A_71 = vector.extract_strided_slice %broadcast_in_dim3A {offsets = [0, 512], sizes = [1, 512], strides = [1, 1]} : vector<1x4096xf32> to vector<1x512xf32>
    %add3A_72 = arith.addf %slice3A_71, %div3A_3 : vector<1x512xf32>
    %slice3A_73 = vector.extract_strided_slice %dot_general3A_33 {offsets = [0, 512], sizes = [2048, 512], strides = [1, 1]} : vector<2048x4096xf32> to vector<2048x512xf32>
    %mul3A_74 = arith.constant 2.000000e+00 : f32
    %mul3A_75 = vector.broadcast %mul3A_74 : f32 to vector<2048x512xf32>
    %mul3A_76 = arith.mulf %mul3A_75, %slice3A_73 : vector<2048x512xf32>
    %sub3A_77 = vector.broadcast %broadcast_in_dim3A_70 : vector<2048x1xf32> to vector<2048x512xf32>
    %sub3A_78 = arith.subf %mul3A_76, %sub3A_77 : vector<2048x512xf32>
    %sub3A_79 = vector.broadcast %add3A_72 : vector<1x512xf32> to vector<2048x512xf32>
    %sub3A_80 = arith.subf %sub3A_78, %sub3A_79 : vector<2048x512xf32>
    %mul3A_81 = vector.broadcast %div3A_26 : vector<1x512xf32> to vector<2048x512xf32>
    %mul3A_82 = arith.mulf %sub3A_80, %mul3A_81 : vector<2048x512xf32>
    %reduce_max3A_83 = arith.constant dense<0xFF800000> : vector<2048xf32>
    %reduce_max3A_84 = vector.multi_reduction <maximumf>, %mul3A_82, %reduce_max3A_83 [1] : vector<2048x512xf32> to vector<2048xf32>
    %broadcast_in_dim3A_85 = vector.shape_cast %reduce_max3A_84 : vector<2048xf32> to vector<2048x1xf32>
    %eq3A_86 = vector.broadcast %broadcast_in_dim3A_85 : vector<2048x1xf32> to vector<2048x512xf32>
    %eq3A_87 = arith.cmpf oeq, %mul3A_82, %eq3A_86 : vector<2048x512xf32>
    %jit3A_88 = arith.constant 512 : i32
    %broadcast_in_dim3A_89 = vector.broadcast %jit3A_88 : i32 to vector<2048x512xi32>
    %select_n3A_90 = arith.select %eq3A_87, %iota3A, %broadcast_in_dim3A_89 : vector<2048x512xi1>, vector<2048x512xi32>
    %reduce_min3A_91 = arith.constant dense<2147483647> : vector<2048xi32>
    %reduce_min3A_92 = vector.multi_reduction <minsi>, %select_n3A_90, %reduce_min3A_91 [1] : vector<2048x512xi32> to vector<2048xi32>
    %broadcast_in_dim3A_93 = vector.shape_cast %reduce_min3A_92 : vector<2048xi32> to vector<2048x1xi32>
    %add3A_94 = arith.constant 512 : i32
    %add3A_95 = vector.broadcast %add3A_94 : i32 to vector<2048x1xi32>
    %add3A_96 = arith.addi %broadcast_in_dim3A_93, %add3A_95 : vector<2048x1xi32>
    %slice3A_97 = vector.extract_strided_slice %mul3A_42 {offsets = [0, 16], sizes = [2048, 8], strides = [1, 1]} : vector<2048x64xf32> to vector<2048x8xf32>
    %reduce_sum3A_98 = arith.constant dense<0.000000e+00> : vector<2048xf32>
    %reduce_sum3A_99 = vector.multi_reduction <add>, %slice3A_97, %reduce_sum3A_98 [1] : vector<2048x8xf32> to vector<2048xf32>
    %broadcast_in_dim3A_100 = vector.shape_cast %reduce_sum3A_99 : vector<2048xf32> to vector<2048x1xf32>
    %slice3A_101 = vector.extract_strided_slice %broadcast_in_dim3A {offsets = [0, 1024], sizes = [1, 512], strides = [1, 1]} : vector<1x4096xf32> to vector<1x512xf32>
    %add3A_102 = arith.addf %slice3A_101, %div3A_3 : vector<1x512xf32>
    %slice3A_103 = vector.extract_strided_slice %dot_general3A_33 {offsets = [0, 1024], sizes = [2048, 512], strides = [1, 1]} : vector<2048x4096xf32> to vector<2048x512xf32>
    %mul3A_104 = arith.constant 2.000000e+00 : f32
    %mul3A_105 = vector.broadcast %mul3A_104 : f32 to vector<2048x512xf32>
    %mul3A_106 = arith.mulf %mul3A_105, %slice3A_103 : vector<2048x512xf32>
    %sub3A_107 = vector.broadcast %broadcast_in_dim3A_100 : vector<2048x1xf32> to vector<2048x512xf32>
    %sub3A_108 = arith.subf %mul3A_106, %sub3A_107 : vector<2048x512xf32>
    %sub3A_109 = vector.broadcast %add3A_102 : vector<1x512xf32> to vector<2048x512xf32>
    %sub3A_110 = arith.subf %sub3A_108, %sub3A_109 : vector<2048x512xf32>
    %mul3A_111 = vector.broadcast %div3A_26 : vector<1x512xf32> to vector<2048x512xf32>
    %mul3A_112 = arith.mulf %sub3A_110, %mul3A_111 : vector<2048x512xf32>
    %reduce_max3A_113 = arith.constant dense<0xFF800000> : vector<2048xf32>
    %reduce_max3A_114 = vector.multi_reduction <maximumf>, %mul3A_112, %reduce_max3A_113 [1] : vector<2048x512xf32> to vector<2048xf32>
    %broadcast_in_dim3A_115 = vector.shape_cast %reduce_max3A_114 : vector<2048xf32> to vector<2048x1xf32>
    %eq3A_116 = vector.broadcast %broadcast_in_dim3A_115 : vector<2048x1xf32> to vector<2048x512xf32>
    %eq3A_117 = arith.cmpf oeq, %mul3A_112, %eq3A_116 : vector<2048x512xf32>
    %jit3A_118 = arith.constant 512 : i32
    %broadcast_in_dim3A_119 = vector.broadcast %jit3A_118 : i32 to vector<2048x512xi32>
    %select_n3A_120 = arith.select %eq3A_117, %iota3A, %broadcast_in_dim3A_119 : vector<2048x512xi1>, vector<2048x512xi32>
    %reduce_min3A_121 = arith.constant dense<2147483647> : vector<2048xi32>
    %reduce_min3A_122 = vector.multi_reduction <minsi>, %select_n3A_120, %reduce_min3A_121 [1] : vector<2048x512xi32> to vector<2048xi32>
    %broadcast_in_dim3A_123 = vector.shape_cast %reduce_min3A_122 : vector<2048xi32> to vector<2048x1xi32>
    %add3A_124 = arith.constant 1024 : i32
    %add3A_125 = vector.broadcast %add3A_124 : i32 to vector<2048x1xi32>
    %add3A_126 = arith.addi %broadcast_in_dim3A_123, %add3A_125 : vector<2048x1xi32>
    %slice3A_127 = vector.extract_strided_slice %mul3A_42 {offsets = [0, 24], sizes = [2048, 8], strides = [1, 1]} : vector<2048x64xf32> to vector<2048x8xf32>
    %reduce_sum3A_128 = arith.constant dense<0.000000e+00> : vector<2048xf32>
    %reduce_sum3A_129 = vector.multi_reduction <add>, %slice3A_127, %reduce_sum3A_128 [1] : vector<2048x8xf32> to vector<2048xf32>
    %broadcast_in_dim3A_130 = vector.shape_cast %reduce_sum3A_129 : vector<2048xf32> to vector<2048x1xf32>
    %slice3A_131 = vector.extract_strided_slice %broadcast_in_dim3A {offsets = [0, 1536], sizes = [1, 512], strides = [1, 1]} : vector<1x4096xf32> to vector<1x512xf32>
    %add3A_132 = arith.addf %slice3A_131, %div3A_3 : vector<1x512xf32>
    %slice3A_133 = vector.extract_strided_slice %dot_general3A_33 {offsets = [0, 1536], sizes = [2048, 512], strides = [1, 1]} : vector<2048x4096xf32> to vector<2048x512xf32>
    %mul3A_134 = arith.constant 2.000000e+00 : f32
    %mul3A_135 = vector.broadcast %mul3A_134 : f32 to vector<2048x512xf32>
    %mul3A_136 = arith.mulf %mul3A_135, %slice3A_133 : vector<2048x512xf32>
    %sub3A_137 = vector.broadcast %broadcast_in_dim3A_130 : vector<2048x1xf32> to vector<2048x512xf32>
    %sub3A_138 = arith.subf %mul3A_136, %sub3A_137 : vector<2048x512xf32>
    %sub3A_139 = vector.broadcast %add3A_132 : vector<1x512xf32> to vector<2048x512xf32>
    %sub3A_140 = arith.subf %sub3A_138, %sub3A_139 : vector<2048x512xf32>
    %mul3A_141 = vector.broadcast %div3A_26 : vector<1x512xf32> to vector<2048x512xf32>
    %mul3A_142 = arith.mulf %sub3A_140, %mul3A_141 : vector<2048x512xf32>
    %reduce_max3A_143 = arith.constant dense<0xFF800000> : vector<2048xf32>
    %reduce_max3A_144 = vector.multi_reduction <maximumf>, %mul3A_142, %reduce_max3A_143 [1] : vector<2048x512xf32> to vector<2048xf32>
    %broadcast_in_dim3A_145 = vector.shape_cast %reduce_max3A_144 : vector<2048xf32> to vector<2048x1xf32>
    %eq3A_146 = vector.broadcast %broadcast_in_dim3A_145 : vector<2048x1xf32> to vector<2048x512xf32>
    %eq3A_147 = arith.cmpf oeq, %mul3A_142, %eq3A_146 : vector<2048x512xf32>
    %jit3A_148 = arith.constant 512 : i32
    %broadcast_in_dim3A_149 = vector.broadcast %jit3A_148 : i32 to vector<2048x512xi32>
    %select_n3A_150 = arith.select %eq3A_147, %iota3A, %broadcast_in_dim3A_149 : vector<2048x512xi1>, vector<2048x512xi32>
    %reduce_min3A_151 = arith.constant dense<2147483647> : vector<2048xi32>
    %reduce_min3A_152 = vector.multi_reduction <minsi>, %select_n3A_150, %reduce_min3A_151 [1] : vector<2048x512xi32> to vector<2048xi32>
    %broadcast_in_dim3A_153 = vector.shape_cast %reduce_min3A_152 : vector<2048xi32> to vector<2048x1xi32>
    %add3A_154 = arith.constant 1536 : i32
    %add3A_155 = vector.broadcast %add3A_154 : i32 to vector<2048x1xi32>
    %add3A_156 = arith.addi %broadcast_in_dim3A_153, %add3A_155 : vector<2048x1xi32>
    %slice3A_157 = vector.extract_strided_slice %mul3A_42 {offsets = [0, 32], sizes = [2048, 8], strides = [1, 1]} : vector<2048x64xf32> to vector<2048x8xf32>
    %reduce_sum3A_158 = arith.constant dense<0.000000e+00> : vector<2048xf32>
    %reduce_sum3A_159 = vector.multi_reduction <add>, %slice3A_157, %reduce_sum3A_158 [1] : vector<2048x8xf32> to vector<2048xf32>
    %broadcast_in_dim3A_160 = vector.shape_cast %reduce_sum3A_159 : vector<2048xf32> to vector<2048x1xf32>
    %slice3A_161 = vector.extract_strided_slice %broadcast_in_dim3A {offsets = [0, 2048], sizes = [1, 512], strides = [1, 1]} : vector<1x4096xf32> to vector<1x512xf32>
    %add3A_162 = arith.addf %slice3A_161, %div3A_3 : vector<1x512xf32>
    %slice3A_163 = vector.extract_strided_slice %dot_general3A_33 {offsets = [0, 2048], sizes = [2048, 512], strides = [1, 1]} : vector<2048x4096xf32> to vector<2048x512xf32>
    %mul3A_164 = arith.constant 2.000000e+00 : f32
    %mul3A_165 = vector.broadcast %mul3A_164 : f32 to vector<2048x512xf32>
    %mul3A_166 = arith.mulf %mul3A_165, %slice3A_163 : vector<2048x512xf32>
    %sub3A_167 = vector.broadcast %broadcast_in_dim3A_160 : vector<2048x1xf32> to vector<2048x512xf32>
    %sub3A_168 = arith.subf %mul3A_166, %sub3A_167 : vector<2048x512xf32>
    %sub3A_169 = vector.broadcast %add3A_162 : vector<1x512xf32> to vector<2048x512xf32>
    %sub3A_170 = arith.subf %sub3A_168, %sub3A_169 : vector<2048x512xf32>
    %mul3A_171 = vector.broadcast %div3A_26 : vector<1x512xf32> to vector<2048x512xf32>
    %mul3A_172 = arith.mulf %sub3A_170, %mul3A_171 : vector<2048x512xf32>
    %reduce_max3A_173 = arith.constant dense<0xFF800000> : vector<2048xf32>
    %reduce_max3A_174 = vector.multi_reduction <maximumf>, %mul3A_172, %reduce_max3A_173 [1] : vector<2048x512xf32> to vector<2048xf32>
    %broadcast_in_dim3A_175 = vector.shape_cast %reduce_max3A_174 : vector<2048xf32> to vector<2048x1xf32>
    %eq3A_176 = vector.broadcast %broadcast_in_dim3A_175 : vector<2048x1xf32> to vector<2048x512xf32>
    %eq3A_177 = arith.cmpf oeq, %mul3A_172, %eq3A_176 : vector<2048x512xf32>
    %jit3A_178 = arith.constant 512 : i32
    %broadcast_in_dim3A_179 = vector.broadcast %jit3A_178 : i32 to vector<2048x512xi32>
    %select_n3A_180 = arith.select %eq3A_177, %iota3A, %broadcast_in_dim3A_179 : vector<2048x512xi1>, vector<2048x512xi32>
    %reduce_min3A_181 = arith.constant dense<2147483647> : vector<2048xi32>
    %reduce_min3A_182 = vector.multi_reduction <minsi>, %select_n3A_180, %reduce_min3A_181 [1] : vector<2048x512xi32> to vector<2048xi32>
    %broadcast_in_dim3A_183 = vector.shape_cast %reduce_min3A_182 : vector<2048xi32> to vector<2048x1xi32>
    %add3A_184 = arith.constant 2048 : i32
    %add3A_185 = vector.broadcast %add3A_184 : i32 to vector<2048x1xi32>
    %add3A_186 = arith.addi %broadcast_in_dim3A_183, %add3A_185 : vector<2048x1xi32>
    %slice3A_187 = vector.extract_strided_slice %mul3A_42 {offsets = [0, 40], sizes = [2048, 8], strides = [1, 1]} : vector<2048x64xf32> to vector<2048x8xf32>
    %reduce_sum3A_188 = arith.constant dense<0.000000e+00> : vector<2048xf32>
    %reduce_sum3A_189 = vector.multi_reduction <add>, %slice3A_187, %reduce_sum3A_188 [1] : vector<2048x8xf32> to vector<2048xf32>
    %broadcast_in_dim3A_190 = vector.shape_cast %reduce_sum3A_189 : vector<2048xf32> to vector<2048x1xf32>
    %slice3A_191 = vector.extract_strided_slice %broadcast_in_dim3A {offsets = [0, 2560], sizes = [1, 512], strides = [1, 1]} : vector<1x4096xf32> to vector<1x512xf32>
    %add3A_192 = arith.addf %slice3A_191, %div3A_3 : vector<1x512xf32>
    %slice3A_193 = vector.extract_strided_slice %dot_general3A_33 {offsets = [0, 2560], sizes = [2048, 512], strides = [1, 1]} : vector<2048x4096xf32> to vector<2048x512xf32>
    %mul3A_194 = arith.constant 2.000000e+00 : f32
    %mul3A_195 = vector.broadcast %mul3A_194 : f32 to vector<2048x512xf32>
    %mul3A_196 = arith.mulf %mul3A_195, %slice3A_193 : vector<2048x512xf32>
    %sub3A_197 = vector.broadcast %broadcast_in_dim3A_190 : vector<2048x1xf32> to vector<2048x512xf32>
    %sub3A_198 = arith.subf %mul3A_196, %sub3A_197 : vector<2048x512xf32>
    %sub3A_199 = vector.broadcast %add3A_192 : vector<1x512xf32> to vector<2048x512xf32>
    %sub3A_200 = arith.subf %sub3A_198, %sub3A_199 : vector<2048x512xf32>
    %mul3A_201 = vector.broadcast %div3A_26 : vector<1x512xf32> to vector<2048x512xf32>
    %mul3A_202 = arith.mulf %sub3A_200, %mul3A_201 : vector<2048x512xf32>
    %reduce_max3A_203 = arith.constant dense<0xFF800000> : vector<2048xf32>
    %reduce_max3A_204 = vector.multi_reduction <maximumf>, %mul3A_202, %reduce_max3A_203 [1] : vector<2048x512xf32> to vector<2048xf32>
    %broadcast_in_dim3A_205 = vector.shape_cast %reduce_max3A_204 : vector<2048xf32> to vector<2048x1xf32>
    %eq3A_206 = vector.broadcast %broadcast_in_dim3A_205 : vector<2048x1xf32> to vector<2048x512xf32>
    %eq3A_207 = arith.cmpf oeq, %mul3A_202, %eq3A_206 : vector<2048x512xf32>
    %jit3A_208 = arith.constant 512 : i32
    %broadcast_in_dim3A_209 = vector.broadcast %jit3A_208 : i32 to vector<2048x512xi32>
    %select_n3A_210 = arith.select %eq3A_207, %iota3A, %broadcast_in_dim3A_209 : vector<2048x512xi1>, vector<2048x512xi32>
    %reduce_min3A_211 = arith.constant dense<2147483647> : vector<2048xi32>
    %reduce_min3A_212 = vector.multi_reduction <minsi>, %select_n3A_210, %reduce_min3A_211 [1] : vector<2048x512xi32> to vector<2048xi32>
    %broadcast_in_dim3A_213 = vector.shape_cast %reduce_min3A_212 : vector<2048xi32> to vector<2048x1xi32>
    %add3A_214 = arith.constant 2560 : i32
    %add3A_215 = vector.broadcast %add3A_214 : i32 to vector<2048x1xi32>
    %add3A_216 = arith.addi %broadcast_in_dim3A_213, %add3A_215 : vector<2048x1xi32>
    %slice3A_217 = vector.extract_strided_slice %mul3A_42 {offsets = [0, 48], sizes = [2048, 8], strides = [1, 1]} : vector<2048x64xf32> to vector<2048x8xf32>
    %reduce_sum3A_218 = arith.constant dense<0.000000e+00> : vector<2048xf32>
    %reduce_sum3A_219 = vector.multi_reduction <add>, %slice3A_217, %reduce_sum3A_218 [1] : vector<2048x8xf32> to vector<2048xf32>
    %broadcast_in_dim3A_220 = vector.shape_cast %reduce_sum3A_219 : vector<2048xf32> to vector<2048x1xf32>
    %slice3A_221 = vector.extract_strided_slice %broadcast_in_dim3A {offsets = [0, 3072], sizes = [1, 512], strides = [1, 1]} : vector<1x4096xf32> to vector<1x512xf32>
    %add3A_222 = arith.addf %slice3A_221, %div3A_3 : vector<1x512xf32>
    %slice3A_223 = vector.extract_strided_slice %dot_general3A_33 {offsets = [0, 3072], sizes = [2048, 512], strides = [1, 1]} : vector<2048x4096xf32> to vector<2048x512xf32>
    %mul3A_224 = arith.constant 2.000000e+00 : f32
    %mul3A_225 = vector.broadcast %mul3A_224 : f32 to vector<2048x512xf32>
    %mul3A_226 = arith.mulf %mul3A_225, %slice3A_223 : vector<2048x512xf32>
    %sub3A_227 = vector.broadcast %broadcast_in_dim3A_220 : vector<2048x1xf32> to vector<2048x512xf32>
    %sub3A_228 = arith.subf %mul3A_226, %sub3A_227 : vector<2048x512xf32>
    %sub3A_229 = vector.broadcast %add3A_222 : vector<1x512xf32> to vector<2048x512xf32>
    %sub3A_230 = arith.subf %sub3A_228, %sub3A_229 : vector<2048x512xf32>
    %mul3A_231 = vector.broadcast %div3A_26 : vector<1x512xf32> to vector<2048x512xf32>
    %mul3A_232 = arith.mulf %sub3A_230, %mul3A_231 : vector<2048x512xf32>
    %reduce_max3A_233 = arith.constant dense<0xFF800000> : vector<2048xf32>
    %reduce_max3A_234 = vector.multi_reduction <maximumf>, %mul3A_232, %reduce_max3A_233 [1] : vector<2048x512xf32> to vector<2048xf32>
    %broadcast_in_dim3A_235 = vector.shape_cast %reduce_max3A_234 : vector<2048xf32> to vector<2048x1xf32>
    %eq3A_236 = vector.broadcast %broadcast_in_dim3A_235 : vector<2048x1xf32> to vector<2048x512xf32>
    %eq3A_237 = arith.cmpf oeq, %mul3A_232, %eq3A_236 : vector<2048x512xf32>
    %jit3A_238 = arith.constant 512 : i32
    %broadcast_in_dim3A_239 = vector.broadcast %jit3A_238 : i32 to vector<2048x512xi32>
    %select_n3A_240 = arith.select %eq3A_237, %iota3A, %broadcast_in_dim3A_239 : vector<2048x512xi1>, vector<2048x512xi32>
    %reduce_min3A_241 = arith.constant dense<2147483647> : vector<2048xi32>
    %reduce_min3A_242 = vector.multi_reduction <minsi>, %select_n3A_240, %reduce_min3A_241 [1] : vector<2048x512xi32> to vector<2048xi32>
    %broadcast_in_dim3A_243 = vector.shape_cast %reduce_min3A_242 : vector<2048xi32> to vector<2048x1xi32>
    %add3A_244 = arith.constant 3072 : i32
    %add3A_245 = vector.broadcast %add3A_244 : i32 to vector<2048x1xi32>
    %add3A_246 = arith.addi %broadcast_in_dim3A_243, %add3A_245 : vector<2048x1xi32>
    %slice3A_247 = vector.extract_strided_slice %mul3A_42 {offsets = [0, 56], sizes = [2048, 8], strides = [1, 1]} : vector<2048x64xf32> to vector<2048x8xf32>
    %reduce_sum3A_248 = arith.constant dense<0.000000e+00> : vector<2048xf32>
    %reduce_sum3A_249 = vector.multi_reduction <add>, %slice3A_247, %reduce_sum3A_248 [1] : vector<2048x8xf32> to vector<2048xf32>
    %broadcast_in_dim3A_250 = vector.shape_cast %reduce_sum3A_249 : vector<2048xf32> to vector<2048x1xf32>
    %slice3A_251 = vector.extract_strided_slice %broadcast_in_dim3A {offsets = [0, 3584], sizes = [1, 512], strides = [1, 1]} : vector<1x4096xf32> to vector<1x512xf32>
    %add3A_252 = arith.addf %slice3A_251, %div3A_3 : vector<1x512xf32>
    %slice3A_253 = vector.extract_strided_slice %dot_general3A_33 {offsets = [0, 3584], sizes = [2048, 512], strides = [1, 1]} : vector<2048x4096xf32> to vector<2048x512xf32>
    %mul3A_254 = arith.constant 2.000000e+00 : f32
    %mul3A_255 = vector.broadcast %mul3A_254 : f32 to vector<2048x512xf32>
    %mul3A_256 = arith.mulf %mul3A_255, %slice3A_253 : vector<2048x512xf32>
    %sub3A_257 = vector.broadcast %broadcast_in_dim3A_250 : vector<2048x1xf32> to vector<2048x512xf32>
    %sub3A_258 = arith.subf %mul3A_256, %sub3A_257 : vector<2048x512xf32>
    %sub3A_259 = vector.broadcast %add3A_252 : vector<1x512xf32> to vector<2048x512xf32>
    %sub3A_260 = arith.subf %sub3A_258, %sub3A_259 : vector<2048x512xf32>
    %mul3A_261 = vector.broadcast %div3A_26 : vector<1x512xf32> to vector<2048x512xf32>
    %mul3A_262 = arith.mulf %sub3A_260, %mul3A_261 : vector<2048x512xf32>
    %reduce_max3A_263 = arith.constant dense<0xFF800000> : vector<2048xf32>
    %reduce_max3A_264 = vector.multi_reduction <maximumf>, %mul3A_262, %reduce_max3A_263 [1] : vector<2048x512xf32> to vector<2048xf32>
    %broadcast_in_dim3A_265 = vector.shape_cast %reduce_max3A_264 : vector<2048xf32> to vector<2048x1xf32>
    %eq3A_266 = vector.broadcast %broadcast_in_dim3A_265 : vector<2048x1xf32> to vector<2048x512xf32>
    %eq3A_267 = arith.cmpf oeq, %mul3A_262, %eq3A_266 : vector<2048x512xf32>
    %jit3A_268 = arith.constant 512 : i32
    %broadcast_in_dim3A_269 = vector.broadcast %jit3A_268 : i32 to vector<2048x512xi32>
    %select_n3A_270 = arith.select %eq3A_267, %iota3A, %broadcast_in_dim3A_269 : vector<2048x512xi1>, vector<2048x512xi32>
    %reduce_min3A_271 = arith.constant dense<2147483647> : vector<2048xi32>
    %reduce_min3A_272 = vector.multi_reduction <minsi>, %select_n3A_270, %reduce_min3A_271 [1] : vector<2048x512xi32> to vector<2048xi32>
    %broadcast_in_dim3A_273 = vector.shape_cast %reduce_min3A_272 : vector<2048xi32> to vector<2048x1xi32>
    %add3A_274 = arith.constant 3584 : i32
    %add3A_275 = vector.broadcast %add3A_274 : i32 to vector<2048x1xi32>
    %add3A_276 = arith.addi %broadcast_in_dim3A_273, %add3A_275 : vector<2048x1xi32>
    %concatenate3A = tpu.concatenate %add3A_66, %add3A_96, %add3A_126, %add3A_156, %add3A_186, %add3A_216, %add3A_246, %add3A_276 in 1 : vector<2048x1xi32>, vector<2048x1xi32>, vector<2048x1xi32>, vector<2048x1xi32>, vector<2048x1xi32>, vector<2048x1xi32>, vector<2048x1xi32>, vector<2048x1xi32> -> vector<2048x8xi32>
    %swap3A = arith.constant 0 : index
    %swap3A_277 = arith.constant 0 : index
    %swap3A_278 = vector.load %arg5[%swap3A, %swap3A_277] : memref<2048x8xi32, #tpu.memory_space<vmem>>, vector<2048x8xi32>
    tpu.vector_store %arg5[%swap3A, %swap3A_277], %concatenate3A {strides = array<i32>} : memref<2048x8xi32, #tpu.memory_space<vmem>>, vector<2048x8xi32>,
    return
  }
  func.func @transform_0(%arg0: i32) -> (i32, i32) {
    %c0_i32 = arith.constant 0 : i32
    %c0_i32_0 = arith.constant 0 : i32
    return %arg0, %c0_i32 : i32, i32
  }
  func.func @transform_1(%arg0: i32) -> (i32, i32) {
    %c0_i32 = arith.constant 0 : i32
    %c0_i32_0 = arith.constant 0 : i32
    %c0_i32_1 = arith.constant 0 : i32
    return %c0_i32, %c0_i32_0 : i32, i32
  }
  func.func @transform_2(%arg0: i32) -> (i32, i32) {
    %c0_i32 = arith.constant 0 : i32
    %c0_i32_0 = arith.constant 0 : i32
    %c0_i32_1 = arith.constant 0 : i32
    return %c0_i32, %c0_i32_0 : i32, i32
  }
  func.func @transform_3(%arg0: i32) -> (i32, i32) {
    %c0_i32 = arith.constant 0 : i32
    %c0_i32_0 = arith.constant 0 : i32
    %c0_i32_1 = arith.constant 0 : i32
    return %c0_i32, %c0_i32_0 : i32, i32
  }
  func.func @transform_4(%arg0: i32) -> (i32, i32) {
    %c0_i32 = arith.constant 0 : i32
    %c0_i32_0 = arith.constant 0 : i32
    return %arg0, %c0_i32 : i32, i32
  }
}

</mosaic_0001>

<sc_bundles>
// kernel: kernel.6.cloned.1.call-start
scs
__scs_entry_jumppad:
0x0: {  	(pc) =	sbr.rel $0x88, $3  }
0x1: {  	(tag) =	ssettag $0x0;
	lr =	simm.s32 $0x1  }
0x2: {  	[smem:$0x3F9E] =	sst lr;
	_ =	strace $0xD0000000  }
0x3: {  	_ = 	snop  }
0x4: {  	_ = 	snop  }
0x5: {  	_ = 	snop  }
0x6: {  	_ = 	snop  }
0x7: {  	_ = 	snop  }
__scs_overlays_trampoline_lowered:
0x8: {  	[smem:$0x3FAD] =	sst s0  }
0x9: {  	[smem:$0x3FAE] =	sst s1  }
0xa: {  	[smem:$0x3FAF] =	sst s2  }
0xb: {  	[smem:$0x3FB0] =	sst s3  }
0xc: {  	[smem:$0x3FB1] =	sst s4  }
0xd: {  	[smem:$0x3FB2] =	sst s5  }
0xe: {  	[smem:$0x3FB3] =	sst s6  }
0xf: {  	[smem:$0x3FB4] =	sst s7  }
0x10: {  	[smem:$0x3FB5] =	sst s8  }
0x11: {  	[smem:$0x3FB6] =	sst s9;
	s0 =	simm.s32 @!p0 $0x0  }
0x12: {  	s1 =	sld [smem:$0x3F9C];
	s0 =	simm.s32 @p0 $0x1  }
0x13: {  	[smem:$0x3FB7] =	sst s0;
	s0 =	simm.s32 @!p1 $0x0  }
0x14: {  	s2 =	sld [smem:$0x3F9B];
	s0 =	simm.s32 @p1 $0x1  }
0x15: {  	[smem:$0x3FB8] =	sst s0;
	s0 =	simm.s32 @!p2 $0x0  }
0x16: {  	s3 =	sld [smem:$0x3FDB];
	s0 =	simm.s32 @p2 $0x1  }
0x17: {  	s4 =	simm.s32 $0x1BF5;
	[smem:$0x3FBA] =	sst s0  }
0x18: {  	s0 =	sld [smem:$0x3F9D];
	_ =	swait.ge [sflag:s4], $0x0  }
0x19: {  	s7 =	sld [smem:$0x3F9E]  }
0x1a: {  	s8 =	sadd.s32 $0xFFFFE003, lr  }
0x1b: {  	s9 =	sadd.s32 $0xFFFFFEF7, lr;
	s5 =	simm.s32 $0xFFFFFFFF;
	p2 =	slt.u32 s8, $0xFFFFF086  }
0x1c: {  	p1 =	slt.u32 s9, $0xF7A;
	s5 =	simm.s32 @!p2 $0x0  }
0x1d: {  	s5 =	simm.s32 @p1 $0x1;
	p0 =	seq.s32 s7, s2  }
0x1e: {  	s7 =	smul.u32 @!p0 $0xF7A, s2;
	p2 =	seq.s32 @!p0 s5, $0x0  }
0x1f: {  	s9 =	smul.u32 $0xF7A, s1;
	s8 =	simm.s32 @!p0 $0x1BF5;
	p2 =	por !p2, p0  }
0x20: {  	[sflag:s8] =	ssyncset.s32 @!p0 $0xFFFFF086;
	s6 =	sadd.s32 @!p0 s3, s7;
	s7 =	simm.s32 @!p0 $0x108  }
0x21: {  	s3 =	sadd.s32 s3, s9;
	s6 =	sadd.s32 @!p0 $0x88, s6;
	s7 =	simm.s32 @p2 $0x1082  }
0x22: {  	[simem:s7], [sflag:s8] =	dma.local @!p0 [hbm:s6], $0xF7A  }
0x23: {  	s9 =	sor.u32 $0xD0000000, s2;
	s6 =	simm.s32 $0x108;
	_ =	swait.ge @!p0 [sflag:s8], $0x0  }
0x24: {  	s3 =	sadd.s32 $0x88, s3;
	s6 =	simm.s32 @!p1 $0x1082;
	[sflag:s4] =	ssyncset.s32 $0xFFFFF086  }
0x25: {  	[simem:s6], [sflag:s4] =	dma.local [hbm:s3], $0xF7A  }
0x26: {  	[smem:$0x3F9E] =	sst s1;
	(tag) =	ssettag s2;
	_ =	strace s9  }
0x27: {  	s1 =	sld [smem:$0x3FAE]  }
0x28: {  	s2 =	sld [smem:$0x3FAF]  }
0x29: {  	s4 =	sld [smem:$0x3FB1]  }
0x2a: {  	p0 =	seq.s32 s5, $0x0;
	s5 =	sld [smem:$0x3FB2]  }
0x2b: {  	s6 =	sld [smem:$0x3FB3]  }
0x2c: {  	s7 =	sld [smem:$0x3FB4]  }
0x2d: {  	s3 =	simm.s32 $0x108;
	s8 =	sld [smem:$0x3FB5]  }
0x2e: {  	s3 =	simm.s32 @!p0 $0x1082;
	s9 =	sld [smem:$0x3FB6]  }
0x2f: {  	lr =	sadd.s32 s0, s3;
	s0 =	sld [smem:$0x3FAD]  }
0x30: {  	s3 =	sld [smem:$0x3FB0]  }
0x31: {  	[smem:$0x3FB9] =	sst s10  }
0x32: {  	s10 =	sld [smem:$0x3FB7];
	_ =	sdelay $0x3  }
0x33: {  	p0 =	seq.s32 s10, $0x1;
	s10 =	sld [smem:$0x3FB9];
	_ =	sdelay $0x3  }
0x34: {  	[smem:$0x3FB9] =	sst s10  }
0x35: {  	s10 =	sld [smem:$0x3FB8];
	_ =	sdelay $0x3  }
0x36: {  	p1 =	seq.s32 s10, $0x1;
	s10 =	sld [smem:$0x3FB9];
	_ =	sdelay $0x3  }
0x37: {  	[smem:$0x3FB9] =	sst s10  }
0x38: {  	s10 =	sld [smem:$0x3FBA]  }
0x39: {  	_ = 	snop;
	(pc) =	sbr.ind lr, $3  }
0x3a: {  	_ = 	snop  }
0x3b: {  	_ = 	snop  }
0x3c: {  	p2 =	seq.s32 s10, $0x1;
	s10 =	sld [smem:$0x3FB9]  }
0x3d: {  	_ =	shalt  }
0x3e: {  	_ =	shalt  }
0x3f: {  	_ =	shalt  }
0x40: {  	_ =	shalt  }
0x41: {  	_ =	shalt  }
0x42: {  	_ =	shalt  }
0x43: {  	_ =	shalt  }
0x44: {  	_ =	shalt  }
0x45: {  	_ =	shalt  }
0x46: {  	_ =	shalt  }
0x47: {  	_ =	shalt  }
0x48: {  	_ =	shalt  }
0x49: {  	_ =	shalt  }
0x4a: {  	_ =	shalt  }
0x4b: {  	_ =	shalt  }
0x4c: {  	_ =	shalt  }
0x4d: {  	_ =	shalt  }
0x4e: {  	_ =	shalt  }
0x4f: {  	_ =	shalt  }
0x50: {  	_ =	shalt  }
0x51: {  	_ =	shalt  }
0x52: {  	_ =	shalt  }
0x53: {  	_ =	shalt  }
0x54: {  	_ =	shalt  }
0x55: {  	_ =	shalt  }
0x56: {  	_ =	shalt  }
0x57: {  	_ =	shalt  }
0x58: {  	_ =	shalt  }
0x59: {  	_ =	shalt  }
0x5a: {  	_ =	shalt  }
0x5b: {  	_ =	shalt  }
0x5c: {  	_ =	shalt  }
0x5d: {  	_ =	shalt  }
0x5e: {  	_ =	shalt  }
0x5f: {  	_ =	shalt  }
0x60: {  	_ =	shalt  }
0x61: {  	_ =	shalt  }
0x62: {  	_ =	shalt  }
0x63: {  	_ =	shalt  }
0x64: {  	_ =	shalt  }
0x65: {  	_ =	shalt  }
0x66: {  	_ =	shalt  }
0x67: {  	_ =	shalt  }
0x68: {  	_ =	shalt  }
0x69: {  	_ =	shalt  }
0x6a: {  	_ =	shalt  }
0x6b: {  	_ =	shalt  }
0x6c: {  	_ =	shalt  }
0x6d: {  	_ =	shalt  }
0x6e: {  	_ =	shalt  }
0x6f: {  	_ =	shalt  }
0x70: {  	_ =	shalt  }
0x71: {  	_ =	shalt  }
0x72: {  	_ =	shalt  }
0x73: {  	_ =	shalt  }
0x74: {  	_ =	shalt  }
0x75: {  	_ =	shalt  }
0x76: {  	_ =	shalt  }
0x77: {  	_ =	shalt  }
0x78: {  	_ =	shalt  }
0x79: {  	_ =	shalt  }
0x7a: {  	_ =	shalt  }
0x7b: {  	_ =	shalt  }
0x7c: {  	_ =	shalt  }
0x7d: {  	_ =	shalt  }
0x7e: {  	_ =	shalt  }
0x7f: {  	_ =	shalt  }
0x80: {  	_ =	shalt  }
0x81: {  	_ =	shalt  }
0x82: {  	_ =	shalt  }
0x83: {  	_ =	shalt  }
0x84: {  	_ =	shalt  }
0x85: {  	_ =	shalt  }
0x86: {  	_ =	shalt  }
0x87: {  	_ =	shalt  }
.Lfunc_end0:
.L_simem_size_0:
called_computation_lowered:
.L_overlay_start_0:
0x88: {  	s2 =	sld [smem:$0x3FD9]  }
0x89: {  	s3 =	sld [smem:$0x3FFE];
	_ =	sdelay $0x1  }
0x8a: {  	s1 =	srdreg.scid  }
0x8b: {  	s0 =	sand.u32 $0x1, s1  }
0x8c: {  	s17 =	sshll.u32 s0, $0xA;
	s2 =	sadd.s32 s3, s2  }
0x8d: {  	s2 =	sadd.s32 s2, s17  }
0x8e: {  	[smem:$0x3FC5] =	sst s2  }
0x8f: {  	_ = 	snop  }
0x90: {  	s2 =	sld [smem:$0x3FD0];
	(tm) =	ssettm $0x1  }
0x91: {  	s18 =	sld [smem:$0x3FFB];
	_ =	sdelay $0x3  }
0x92: {  	_ =	strace s18  }
0x93: {  	s3 =	sld [smem:$0x3FFC];
	_ =	sdelay $0x3  }
0x94: {  	_ =	strace s3  }
0x95: {  	s3 =	sld [smem:$0x3FFD];
	_ =	sdelay $0x3  }
0x96: {  	_ =	strace s3  }
0x97: {  	_ =	strace $0x8FFFFFFF  }
0x98: {  	s19 =	sld [smem:$0x3FDB];
	_ =	sdelay $0x1  }
0x99: {  	s4 =	simm.s32 $_scs_section_size  }
0x9a: {  	s5 =	simm.s32 $_size__tile_overlayer_lowered;
	s6 =	simm.s32 $_tile_overlayer_lowered  }
0x9b: {  	s22 =	simm.s32 $0x1BFF;
	s21 =	sshll.u32 s6, $0x1;
	s3 =	sadd.s32 s4, s19  }
0x9c: {  	s7 =	simm.s32 $0x0;
	s20 =	sshll.u32 s5, $0x1;
	s5 =	sadd.s32 s21, s3  }
0x9d: {  	[timem:s7], [sflag:s22] =	dma.local [hbm:s5], s20  }
0x9e: {  	_ =	swait.ge [sflag:s22], s20  }
0x9f: {  	s4 =	ssub.s32 $0x0, s20;
	[sflag:s22] =	ssyncset.done $0x0  }
0xa0: {  	[sflag:s22] =	ssyncadd.s32 s4;
	_ =	sdelay $0x1  }
0xa1: {  	s23 =	simm.s32 $0x1B8B  }
0xa2: {  	_ =	swait.ge [sflag:s23], $0x1  }
0xa3: {  	[sflag:s23] =	ssyncset.done $0x0  }
0xa4: {  	s25 =	simm.s32 $0x1B8E;
	s24 =	sld [smem:$0x3FFE];
	[sflag:s23] =	ssyncadd.s32 $0xFFFFFFFF  }
0xa5: {  	s26 =	simm.s32 $execute0_lowered;
	[smem:$0x3FD2] =	sst s25  }
0xa6: {  	s5 =	sshll.u32 s26, $0x1;
	_ =	strace $0x80000046;
	[dreg:$0x1] =	wrdreg $0xFFFFFFFF  }
0xa7: {  	s28 =	simm.s32 $_size_execute0_lowered;
	s3 =	sadd.s32 s3, s5;
	[dreg:$0x0] =	wrdreg $0x0  }
0xa8: {  	s5 =	sshll.u32 s28, $0x1;
	[dreg:$0x2] =	wrdreg s3  }
0xa9: {  	[dreg:$0x3] =	wrdreg s5  }
0xaa: {  	[dreg:$0x4] =	wrdreg $0xC0  }
0xab: {  	_ =	task [dreg:s7], $0x5FFFF  }
0xac: {  	[dreg:$0x1] =	wrdreg $0xFFFFFFFF  }
0xad: {  	[dreg:$0x0] =	wrdreg $0x60  }
0xae: {  	[dreg:$0x2] =	wrdreg s24  }
0xaf: {  	[dreg:$0x3] =	wrdreg s2  }
0xb0: {  	[dreg:$0x4] =	wrdreg $0x9  }
0xb1: {  	_ =	task.clear_ibuf [dreg:s7], $0x5FFFF;
	_ =	strace $0x90000046  }
0xb2: {  	s29 =	simm.s32 $0x9;
	_ =	strace $0x80000048  }
0xb3: {  	_ =	swait.ge [sflag:s29], $0x1  }
0xb4: {  	[sflag:s29] =	ssyncadd.s32 $0xFFFFFFFF  }
0xb5: {  	_ =	strace $0x90000048  }
0xb6: {  	_ =	sfence  }
0xb7: {  	s30 =	sld [smem:$0x0];
	_ =	sdelay $0x2  }
0xb8: {  	s31 =	sshll.u32 s1, $0xD;
	s1 =	sshrl.u32 s1, $0x2  }
0xb9: {  	s3 =	sand.u32 $0x4000, s31;
	s1 =	sadd.s32 s1, s30  }
0xba: {  	s0 =	sor.u32 s3, s0;
	s1 =	sshll.u32 s1, $0x11  }
0xbb: {  	s0 =	sor.u32 s1, s0  }
0xbc: {  	s0 =	sadd.s32 $0x8F2B, s0  }
0xbd: {  	[sflag:s0] =	ssyncadd.remote.s32 $0x1  }
0xbe: {  	_ =	sfence.sel $0xFFFF  }
0xbf: {  	[dreg:$0x0] =	wrdreg $0xFFFFFFFF;
	(pc) =	sbr.abs _section_cstart, $3  }
0xc0: {  	[dreg:$0x1] =	wrdreg $0xFFFFFFFF  }
0xc1: {  	_ =	task.clear_ibuf [dreg:s7], $0x2FFFF;
	_ =	strace $0x9FFFFFFF  }
0xc2: {  	(tm) =	ssettm $0x7FFFFFFF  }
0xc3: {  	_ =	shalt  }
tec
execute0_lowered:
.L_overlay_start_1:
0x0: {  	(tag) =	ssettag $0x1  }
0x1: {  	s0 =	srdreg.scid;
	s2 =	stileid.u32  }
0x2: {  	s1 =	rddreg [dreg:$0x0];
	s0 =	sand.u32 $0x1, s0;
	s2 =	sshll.u32 s2, $0x1  }
0x3: {  	s3 =	rddreg [dreg:$0x1];
	s31 =	simm.s32 $0x100;
	s4 =	sor.u32 s0, s2  }
0x4: {  	s8 =	simm.s32 $0x2;
	s30 =	simm.s32 $0x180;
	s5 =	smul.u32 $0x140, s4  }
0x5: {  	s29 =	simm.s32 $0x200;
	s2 =	simm.s32 $0x0;
	s6 =	smul.u32 $0x5000, s4  }
0x6: {  	s28 =	simm.s32 $0x280;
	[smem:$0x7FF] =	sst s2;
	s5 =	sadd.s32 s5, s1  }
0x7: {  	s4 =	smul.u32 $0x28000, s4;
	s23 =	sadd.s32 s3, s6;
	s5 =	sadd.s32 $0xC00, s5  }
0x8: {  	_ =	strace $0x80000047;
	s9 =	sadd.s32 $0x400, s23;
	[dreg:$0x3] =	wrdreg s5  }
0x9: {  	s4 =	sshrl.u32 s4, $0x3;
	s10 =	sadd.s32 $0x800, s23;
	[dreg:$0x4] =	wrdreg s9  }
0xa: {  	s11 =	sadd.s32 $0xC00, s23;
	s4 =	sadd.s32 s3, s4;
	[dreg:$0x5] =	wrdreg s10  }
0xb: {  	p0 =	por $0x0, $0x0;
	[dreg:$0x6] =	wrdreg s11;
	s3 =	sadd.s32 $0x1000, s4  }
0xc: {  	s0 =	ssub.s32 $0x2, s0;
	s12 =	sadd.s32 $0x1400, s4;
	[dreg:$0x7] =	wrdreg s3  }
0xd: {  	s25 =	sshrl.u32 s0, $0x1;
	s13 =	sadd.s32 $0x1800, s4;
	[dreg:$0x8] =	wrdreg s12  }
0xe: {  	s0 =	ssub.s32 s0, s25;
	s14 =	sadd.s32 $0x1C00, s4;
	[dreg:$0x9] =	wrdreg s13  }
0xf: {  	s25 =	simm.s32 $0x380;
	s15 =	sadd.s32 $0x2000, s4;
	[dreg:$0xa] =	wrdreg s14  }
0x10: {  	s0 =	smax.u32 s0, $0x1;
	s16 =	sadd.s32 $0x2400, s4;
	[dreg:$0xb] =	wrdreg s15  }
0x11: {  	s6 =	simm.s32 $0x2A00;
	s17 =	sadd.s32 $0x2800, s4;
	[dreg:$0xc] =	wrdreg s16  }
0x12: {  	p1 =	sne.s32 s0, $0x1;
	s18 =	sadd.s32 $0x2C00, s4;
	[dreg:$0xd] =	wrdreg s17  }
0x13: {  	s19 =	sadd.s32 $0x3000, s4;
	s20 =	sadd.s32 $0x3400, s4;
	[dreg:$0xe] =	wrdreg s18  }
0x14: {  	s21 =	sadd.s32 $0x3800, s4;
	s22 =	sadd.s32 $0x3C00, s4;
	[dreg:$0xf] =	wrdreg s19  }
0x15: {  	s24 =	sadd.s32 $0x4000, s4;
	s26 =	sadd.s32 $0x4400, s4;
	[dreg:$0x10] =	wrdreg s20  }
0x16: {  	s7 =	sadd.s32 $0x4800, s4;
	s5 =	sadd.s32 $0x4C00, s4;
	[dreg:$0x11] =	wrdreg s21  }
0x17: {  	s4 =	simm.s32 $0x3;
	s10 =	simm.s32 $0x80;
	[dreg:$0x12] =	wrdreg s22  }
0x18: {  	s9 =	simm.s32 $0xA00;
	s11 =	simm.s32 $0x1;
	[dreg:$0x13] =	wrdreg s24  }
0x19: {  	s3 =	sadd.s32 $0xF43000, s1;
	[dreg:$0x14] =	wrdreg s26;
	s26 =	simm.s32 $0x300  }
.Ltmp0:
0x1a: {  	s24 =	simm.s32 $0x400;
	s22 =	simm.s32 $0x480;
	(pc) =	sbr.rel @!p1 .LBB2_3-.Ltmp0, $4  }
0x1b: {  	s21 =	simm.s32 $0x500;
	s20 =	simm.s32 $0x580;
	s19 =	simm.s32 $0x600  }
0x1c: {  	s18 =	simm.s32 $0x680;
	s1 =	sadd.s32 $0xFFFFFFFF, s0;
	s17 =	simm.s32 $0x700  }
0x1d: {  	s16 =	simm.s32 $0x780;
	s15 =	simm.s32 $0x800;
	s14 =	simm.s32 $0x880  }
0x1e: {  	s13 =	simm.s32 $0x900;
	s12 =	simm.s32 $0x980;
	s0 =	rddreg [dreg:$0x3]  }
0x1f: {  	[tilespmem:s2], [sflag:$0x3] =	stream.linear.gather [hbm4b:s0+s2], $0xA00, $0x38;
	[tilespmem:$0x4A00] =	vst v63  }
0x20: {  	_ =	swait.ge [sflag:s4], $0xA00  }
0x21: {  	[sflag:s4] =	ssyncset.done $0x0  }
0x22: {  	[sflag:s4] =	ssyncadd.s32 $0xFFFFF600  }
0x23: {  	[tilespmem:s9], [sflag:$0x1] =	stream.indirect.gather [hbm4b:s3+s10], $0x40, s2, s10, $0xb8;
	[tilespmem:$0x4A00] =	vst v63  }
0x24: {  	_ = 	snop  }
0x25: {  	[tilespmem:s6], [sflag:$0x2] =	stream.indirect.gather [hbm4b:s3+s10], $0x40, s10, s10, $0xb8;
	[tilespmem:$0x4A00] =	vst v63  }
0x26: {  	_ =	swait.ge [sflag:s11], $0x2000  }
0x27: {  	[sflag:s11] =	ssyncset.done $0x0  }
0x28: {  	[sflag:s11] =	ssyncadd.s32 $0xFFFFE000  }
0x29: {  	[hbm4b:s23+s2] =	stream.linear.scatter [tilespmem:s9], [sflag:$0x3], $0x2000, $0x38;
	[tilespmem:$0x4A00] =	vst v63  }
0x2a: {  	_ =	swait.ge [sflag:s4], $0x2000  }
0x2b: {  	[sflag:s4] =	ssyncset.done $0x0  }
0x2c: {  	[sflag:s4] =	ssyncadd.s32 $0xFFFFE000  }
0x2d: {  	[tilespmem:s9], [sflag:$0x1] =	stream.indirect.gather [hbm4b:s3+s10], $0x40, s31, s10, $0xb8;
	[tilespmem:$0x4A00] =	vst v63  }
0x2e: {  	_ =	swait.ge [sflag:s8], $0x2000  }
0x2f: {  	[sflag:s8] =	ssyncset.done $0x0  }
0x30: {  	s0 =	rddreg [dreg:$0x4];
	[sflag:s8] =	ssyncadd.s32 $0xFFFFE000  }
0x31: {  	[hbm4b:s0+s2] =	stream.linear.scatter [tilespmem:s6], [sflag:$0x3], $0x2000, $0x38;
	[tilespmem:$0x4A00] =	vst v63  }
0x32: {  	_ =	swait.ge [sflag:s4], $0x2000  }
0x33: {  	[sflag:s4] =	ssyncset.done $0x0  }
0x34: {  	[sflag:s4] =	ssyncadd.s32 $0xFFFFE000  }
0x35: {  	[tilespmem:s6], [sflag:$0x2] =	stream.indirect.gather [hbm4b:s3+s10], $0x40, s30, s10, $0xb8;
	[tilespmem:$0x4A00] =	vst v63  }
0x36: {  	_ =	swait.ge [sflag:s11], $0x2000  }
0x37: {  	[sflag:s11] =	ssyncset.done $0x0  }
0x38: {  	s0 =	rddreg [dreg:$0x5];
	[sflag:s11] =	ssyncadd.s32 $0xFFFFE000  }
0x39: {  	[hbm4b:s0+s2] =	stream.linear.scatter [tilespmem:s9], [sflag:$0x3], $0x2000, $0x38;
	[tilespmem:$0x4A00] =	vst v63  }
0x3a: {  	_ =	swait.ge [sflag:s4], $0x2000  }
0x3b: {  	[sflag:s4] =	ssyncset.done $0x0  }
0x3c: {  	[sflag:s4] =	ssyncadd.s32 $0xFFFFE000  }
0x3d: {  	[tilespmem:s9], [sflag:$0x1] =	stream.indirect.gather [hbm4b:s3+s10], $0x40, s29, s10, $0xb8;
	[tilespmem:$0x4A00] =	vst v63  }
0x3e: {  	_ =	swait.ge [sflag:s8], $0x2000  }
0x3f: {  	[sflag:s8] =	ssyncset.done $0x0  }
0x40: {  	s0 =	rddreg [dreg:$0x6];
	[sflag:s8] =	ssyncadd.s32 $0xFFFFE000  }
0x41: {  	[hbm4b:s0+s2] =	stream.linear.scatter [tilespmem:s6], [sflag:$0x3], $0x2000, $0x38;
	[tilespmem:$0x4A00] =	vst v63  }
0x42: {  	_ =	swait.ge [sflag:s4], $0x2000  }
0x43: {  	[sflag:s4] =	ssyncset.done $0x0  }
0x44: {  	[sflag:s4] =	ssyncadd.s32 $0xFFFFE000  }
0x45: {  	[tilespmem:s6], [sflag:$0x2] =	stream.indirect.gather [hbm4b:s3+s10], $0x40, s28, s10, $0xb8;
	[tilespmem:$0x4A00] =	vst v63  }
0x46: {  	_ =	swait.ge [sflag:s11], $0x2000  }
0x47: {  	[sflag:s11] =	ssyncset.done $0x0  }
0x48: {  	s0 =	rddreg [dreg:$0x7];
	[sflag:s11] =	ssyncadd.s32 $0xFFFFE000  }
0x49: {  	[hbm4b:s0+s2] =	stream.linear.scatter [tilespmem:s9], [sflag:$0x3], $0x2000, $0x38;
	[tilespmem:$0x4A00] =	vst v63  }
0x4a: {  	_ =	swait.ge [sflag:s4], $0x2000  }
0x4b: {  	[sflag:s4] =	ssyncset.done $0x0  }
0x4c: {  	[sflag:s4] =	ssyncadd.s32 $0xFFFFE000  }
0x4d: {  	[tilespmem:s9], [sflag:$0x1] =	stream.indirect.gather [hbm4b:s3+s10], $0x40, s26, s10, $0xb8;
	[tilespmem:$0x4A00] =	vst v63  }
0x4e: {  	_ =	swait.ge [sflag:s8], $0x2000  }
0x4f: {  	[sflag:s8] =	ssyncset.done $0x0  }
0x50: {  	s0 =	rddreg [dreg:$0x8];
	[sflag:s8] =	ssyncadd.s32 $0xFFFFE000  }
0x51: {  	[hbm4b:s0+s2] =	stream.linear.scatter [tilespmem:s6], [sflag:$0x3], $0x2000, $0x38;
	[tilespmem:$0x4A00] =	vst v63  }
0x52: {  	_ =	swait.ge [sflag:s4], $0x2000  }
0x53: {  	[sflag:s4] =	ssyncset.done $0x0  }
0x54: {  	[sflag:s4] =	ssyncadd.s32 $0xFFFFE000  }
0x55: {  	[tilespmem:s6], [sflag:$0x2] =	stream.indirect.gather [hbm4b:s3+s10], $0x40, s25, s10, $0xb8;
	[tilespmem:$0x4A00] =	vst v63  }
0x56: {  	_ =	swait.ge [sflag:s11], $0x2000  }
0x57: {  	[sflag:s11] =	ssyncset.done $0x0  }
0x58: {  	s0 =	rddreg [dreg:$0x9];
	[sflag:s11] =	ssyncadd.s32 $0xFFFFE000  }
0x59: {  	[hbm4b:s0+s2] =	stream.linear.scatter [tilespmem:s9], [sflag:$0x3], $0x2000, $0x38;
	[tilespmem:$0x4A00] =	vst v63  }
0x5a: {  	_ =	swait.ge [sflag:s4], $0x2000  }
0x5b: {  	[sflag:s4] =	ssyncset.done $0x0  }
0x5c: {  	[sflag:s4] =	ssyncadd.s32 $0xFFFFE000  }
0x5d: {  	[tilespmem:s9], [sflag:$0x1] =	stream.indirect.gather [hbm4b:s3+s10], $0x40, s24, s10, $0xb8;
	[tilespmem:$0x4A00] =	vst v63  }
0x5e: {  	_ =	swait.ge [sflag:s8], $0x2000  }
0x5f: {  	[sflag:s8] =	ssyncset.done $0x0  }
0x60: {  	s0 =	rddreg [dreg:$0xa];
	[sflag:s8] =	ssyncadd.s32 $0xFFFFE000  }
0x61: {  	[hbm4b:s0+s2] =	stream.linear.scatter [tilespmem:s6], [sflag:$0x3], $0x2000, $0x38;
	[tilespmem:$0x4A00] =	vst v63  }
0x62: {  	_ =	swait.ge [sflag:s4], $0x2000  }
0x63: {  	[sflag:s4] =	ssyncset.done $0x0  }
0x64: {  	[sflag:s4] =	ssyncadd.s32 $0xFFFFE000  }
0x65: {  	[tilespmem:s6], [sflag:$0x2] =	stream.indirect.gather [hbm4b:s3+s10], $0x40, s22, s10, $0xb8;
	[tilespmem:$0x4A00] =	vst v63  }
0x66: {  	_ =	swait.ge [sflag:s11], $0x2000  }
0x67: {  	[sflag:s11] =	ssyncset.done $0x0  }
0x68: {  	s0 =	rddreg [dreg:$0xb];
	[sflag:s11] =	ssyncadd.s32 $0xFFFFE000  }
0x69: {  	[hbm4b:s0+s2] =	stream.linear.scatter [tilespmem:s9], [sflag:$0x3], $0x2000, $0x38;
	[tilespmem:$0x4A00] =	vst v63  }
0x6a: {  	_ =	swait.ge [sflag:s4], $0x2000  }
0x6b: {  	[sflag:s4] =	ssyncset.done $0x0  }
0x6c: {  	[sflag:s4] =	ssyncadd.s32 $0xFFFFE000  }
0x6d: {  	[tilespmem:s9], [sflag:$0x1] =	stream.indirect.gather [hbm4b:s3+s10], $0x40, s21, s10, $0xb8;
	[tilespmem:$0x4A00] =	vst v63  }
0x6e: {  	_ =	swait.ge [sflag:s8], $0x2000  }
0x6f: {  	[sflag:s8] =	ssyncset.done $0x0  }
0x70: {  	s0 =	rddreg [dreg:$0xc];
	[sflag:s8] =	ssyncadd.s32 $0xFFFFE000  }
0x71: {  	[hbm4b:s0+s2] =	stream.linear.scatter [tilespmem:s6], [sflag:$0x3], $0x2000, $0x38;
	[tilespmem:$0x4A00] =	vst v63  }
0x72: {  	_ =	swait.ge [sflag:s4], $0x2000  }
0x73: {  	[sflag:s4] =	ssyncset.done $0x0  }
0x74: {  	[sflag:s4] =	ssyncadd.s32 $0xFFFFE000  }
0x75: {  	[tilespmem:s6], [sflag:$0x2] =	stream.indirect.gather [hbm4b:s3+s10], $0x40, s20, s10, $0xb8;
	[tilespmem:$0x4A00] =	vst v63  }
0x76: {  	_ =	swait.ge [sflag:s11], $0x2000  }
0x77: {  	[sflag:s11] =	ssyncset.done $0x0  }
0x78: {  	s0 =	rddreg [dreg:$0xd];
	[sflag:s11] =	ssyncadd.s32 $0xFFFFE000  }
0x79: {  	[hbm4b:s0+s2] =	stream.linear.scatter [tilespmem:s9], [sflag:$0x3], $0x2000, $0x38;
	[tilespmem:$0x4A00] =	vst v63  }
0x7a: {  	_ =	swait.ge [sflag:s4], $0x2000  }
0x7b: {  	[sflag:s4] =	ssyncset.done $0x0  }
0x7c: {  	[sflag:s4] =	ssyncadd.s32 $0xFFFFE000  }
0x7d: {  	[tilespmem:s9], [sflag:$0x1] =	stream.indirect.gather [hbm4b:s3+s10], $0x40, s19, s10, $0xb8;
	[tilespmem:$0x4A00] =	vst v63  }
0x7e: {  	_ =	swait.ge [sflag:s8], $0x2000  }
0x7f: {  	[sflag:s8] =	ssyncset.done $0x0  }
0x80: {  	s0 =	rddreg [dreg:$0xe];
	[sflag:s8] =	ssyncadd.s32 $0xFFFFE000  }
0x81: {  	[hbm4b:s0+s2] =	stream.linear.scatter [tilespmem:s6], [sflag:$0x3], $0x2000, $0x38;
	[tilespmem:$0x4A00] =	vst v63  }
0x82: {  	_ =	swait.ge [sflag:s4], $0x2000  }
0x83: {  	[sflag:s4] =	ssyncset.done $0x0  }
0x84: {  	[sflag:s4] =	ssyncadd.s32 $0xFFFFE000  }
0x85: {  	[tilespmem:s6], [sflag:$0x2] =	stream.indirect.gather [hbm4b:s3+s10], $0x40, s18, s10, $0xb8;
	[tilespmem:$0x4A00] =	vst v63  }
0x86: {  	_ =	swait.ge [sflag:s11], $0x2000  }
0x87: {  	[sflag:s11] =	ssyncset.done $0x0  }
0x88: {  	s0 =	rddreg [dreg:$0xf];
	[sflag:s11] =	ssyncadd.s32 $0xFFFFE000  }
0x89: {  	[hbm4b:s0+s2] =	stream.linear.scatter [tilespmem:s9], [sflag:$0x3], $0x2000, $0x38;
	[tilespmem:$0x4A00] =	vst v63  }
0x8a: {  	_ =	swait.ge [sflag:s4], $0x2000  }
0x8b: {  	[sflag:s4] =	ssyncset.done $0x0  }
0x8c: {  	[sflag:s4] =	ssyncadd.s32 $0xFFFFE000  }
0x8d: {  	[tilespmem:s9], [sflag:$0x1] =	stream.indirect.gather [hbm4b:s3+s10], $0x40, s17, s10, $0xb8;
	[tilespmem:$0x4A00] =	vst v63  }
0x8e: {  	_ =	swait.ge [sflag:s8], $0x2000  }
0x8f: {  	[sflag:s8] =	ssyncset.done $0x0  }
0x90: {  	s0 =	rddreg [dreg:$0x10];
	[sflag:s8] =	ssyncadd.s32 $0xFFFFE000  }
0x91: {  	[hbm4b:s0+s2] =	stream.linear.scatter [tilespmem:s6], [sflag:$0x3], $0x2000, $0x38;
	[tilespmem:$0x4A00] =	vst v63  }
0x92: {  	_ =	swait.ge [sflag:s4], $0x2000  }
0x93: {  	[sflag:s4] =	ssyncset.done $0x0  }
0x94: {  	[sflag:s4] =	ssyncadd.s32 $0xFFFFE000  }
0x95: {  	[tilespmem:s6], [sflag:$0x2] =	stream.indirect.gather [hbm4b:s3+s10], $0x40, s16, s10, $0xb8;
	[tilespmem:$0x4A00] =	vst v63  }
0x96: {  	_ =	swait.ge [sflag:s11], $0x2000  }
0x97: {  	[sflag:s11] =	ssyncset.done $0x0  }
0x98: {  	s0 =	rddreg [dreg:$0x11];
	[sflag:s11] =	ssyncadd.s32 $0xFFFFE000  }
0x99: {  	[hbm4b:s0+s2] =	stream.linear.scatter [tilespmem:s9], [sflag:$0x3], $0x2000, $0x38;
	[tilespmem:$0x4A00] =	vst v63  }
0x9a: {  	_ =	swait.ge [sflag:s4], $0x2000  }
0x9b: {  	[sflag:s4] =	ssyncset.done $0x0  }
0x9c: {  	[sflag:s4] =	ssyncadd.s32 $0xFFFFE000  }
0x9d: {  	[tilespmem:s9], [sflag:$0x1] =	stream.indirect.gather [hbm4b:s3+s10], $0x40, s15, s10, $0xb8;
	[tilespmem:$0x4A00] =	vst v63  }
0x9e: {  	_ =	swait.ge [sflag:s8], $0x2000  }
0x9f: {  	[sflag:s8] =	ssyncset.done $0x0  }
0xa0: {  	s0 =	rddreg [dreg:$0x12];
	[sflag:s8] =	ssyncadd.s32 $0xFFFFE000  }
0xa1: {  	[hbm4b:s0+s2] =	stream.linear.scatter [tilespmem:s6], [sflag:$0x3], $0x2000, $0x38;
	[tilespmem:$0x4A00] =	vst v63  }
0xa2: {  	_ =	swait.ge [sflag:s4], $0x2000  }
0xa3: {  	[sflag:s4] =	ssyncset.done $0x0  }
0xa4: {  	[sflag:s4] =	ssyncadd.s32 $0xFFFFE000  }
0xa5: {  	[tilespmem:s6], [sflag:$0x2] =	stream.indirect.gather [hbm4b:s3+s10], $0x40, s14, s10, $0xb8;
	[tilespmem:$0x4A00] =	vst v63  }
0xa6: {  	_ =	swait.ge [sflag:s11], $0x2000  }
0xa7: {  	[sflag:s11] =	ssyncset.done $0x0  }
0xa8: {  	s0 =	rddreg [dreg:$0x13];
	[sflag:s11] =	ssyncadd.s32 $0xFFFFE000  }
0xa9: {  	[hbm4b:s0+s2] =	stream.linear.scatter [tilespmem:s9], [sflag:$0x3], $0x2000, $0x38;
	[tilespmem:$0x4A00] =	vst v63  }
0xaa: {  	_ =	swait.ge [sflag:s4], $0x2000  }
0xab: {  	[sflag:s4] =	ssyncset.done $0x0  }
0xac: {  	[sflag:s4] =	ssyncadd.s32 $0xFFFFE000  }
0xad: {  	[tilespmem:s9], [sflag:$0x1] =	stream.indirect.gather [hbm4b:s3+s10], $0x40, s13, s10, $0xb8;
	[tilespmem:$0x4A00] =	vst v63  }
0xae: {  	_ =	swait.ge [sflag:s8], $0x2000  }
0xaf: {  	[sflag:s8] =	ssyncset.done $0x0  }
0xb0: {  	s0 =	rddreg [dreg:$0x14];
	[sflag:s8] =	ssyncadd.s32 $0xFFFFE000  }
0xb1: {  	[hbm4b:s0+s2] =	stream.linear.scatter [tilespmem:s6], [sflag:$0x3], $0x2000, $0x38;
	[tilespmem:$0x4A00] =	vst v63  }
0xb2: {  	_ =	swait.ge [sflag:s4], $0x2000  }
0xb3: {  	[sflag:s4] =	ssyncset.done $0x0  }
0xb4: {  	[sflag:s4] =	ssyncadd.s32 $0xFFFFE000  }
0xb5: {  	[tilespmem:s6], [sflag:$0x2] =	stream.indirect.gather [hbm4b:s3+s10], $0x40, s12, s10, $0xb8;
	[tilespmem:$0x4A00] =	vst v63  }
0xb6: {  	_ =	swait.ge [sflag:s11], $0x2000  }
0xb7: {  	[sflag:s11] =	ssyncset.done $0x0  }
0xb8: {  	[sflag:s11] =	ssyncadd.s32 $0xFFFFE000  }
0xb9: {  	[hbm4b:s7+s2] =	stream.linear.scatter [tilespmem:s9], [sflag:$0x3], $0x2000, $0x38;
	[tilespmem:$0x4A00] =	vst v63  }
0xba: {  	_ =	swait.ge [sflag:s4], $0x2000  }
0xbb: {  	[sflag:s4] =	ssyncset.done $0x0  }
0xbc: {  	[sflag:s4] =	ssyncadd.s32 $0xFFFFE000  }
0xbd: {  	p1 =	sne.s32 s1, $0x1;
	_ =	swait.ge [sflag:s8], $0x2000  }
.Ltmp1:
0xbe: {  	[sflag:s8] =	ssyncset.done $0x0;
	(pc) =	sbr.rel @!p1 .LBB2_3-.Ltmp1, $4  }
0xbf: {  	[sflag:s8] =	ssyncadd.s32 $0xFFFFE000  }
0xc0: {  	[hbm4b:s5+s2] =	stream.linear.scatter [tilespmem:s6], [sflag:$0x3], $0x2000, $0x38;
	[tilespmem:$0x4A00] =	vst v63  }
0xc1: {  	s1 =	sadd.s32 $0xFFFFFFFF, s1;
	_ =	swait.ge [sflag:s4], $0x2000  }
0xc2: {  	p0 =	por $0x1, $0x1;
	s0 =	rddreg [dreg:$0x3];
	[sflag:s4] =	ssyncset.done $0x0  }
.LBB2_2:
0xc3: {  	[sflag:s4] =	ssyncadd.s32 $0xFFFFE000  }
0xc4: {  	[tilespmem:s2], [sflag:$0x3] =	stream.linear.gather [hbm4b:s0+s2], $0xA00, $0x38;
	[tilespmem:$0x4A00] =	vst v63  }
0xc5: {  	_ =	swait.ge [sflag:s4], $0xA00  }
0xc6: {  	[sflag:s4] =	ssyncset.done $0x0  }
0xc7: {  	[sflag:s4] =	ssyncadd.s32 $0xFFFFF600  }
0xc8: {  	[tilespmem:s9], [sflag:$0x1] =	stream.indirect.gather [hbm4b:s3+s10], $0x40, s2, s10, $0xb8;
	[tilespmem:$0x4A00] =	vst v63  }
0xc9: {  	_ = 	snop  }
0xca: {  	[tilespmem:s6], [sflag:$0x2] =	stream.indirect.gather [hbm4b:s3+s10], $0x40, s10, s10, $0xb8;
	[tilespmem:$0x4A00] =	vst v63  }
0xcb: {  	_ =	swait.ge [sflag:s11], $0x2000  }
0xcc: {  	[sflag:s11] =	ssyncset.done $0x0  }
0xcd: {  	[sflag:s11] =	ssyncadd.s32 $0xFFFFE000  }
0xce: {  	[hbm4b:s23+s2] =	stream.linear.scatter [tilespmem:s9], [sflag:$0x3], $0x2000, $0x38;
	[tilespmem:$0x4A00] =	vst v63  }
0xcf: {  	_ =	swait.ge [sflag:s4], $0x2000  }
0xd0: {  	[sflag:s4] =	ssyncset.done $0x0  }
0xd1: {  	[sflag:s4] =	ssyncadd.s32 $0xFFFFE000  }
0xd2: {  	[tilespmem:s9], [sflag:$0x1] =	stream.indirect.gather [hbm4b:s3+s10], $0x40, s31, s10, $0xb8;
	[tilespmem:$0x4A00] =	vst v63  }
0xd3: {  	_ =	swait.ge [sflag:s8], $0x2000  }
0xd4: {  	[sflag:s8] =	ssyncset.done $0x0  }
0xd5: {  	s0 =	rddreg [dreg:$0x4];
	[sflag:s8] =	ssyncadd.s32 $0xFFFFE000  }
0xd6: {  	[hbm4b:s0+s2] =	stream.linear.scatter [tilespmem:s6], [sflag:$0x3], $0x2000, $0x38;
	[tilespmem:$0x4A00] =	vst v63  }
0xd7: {  	_ =	swait.ge [sflag:s4], $0x2000  }
0xd8: {  	[sflag:s4] =	ssyncset.done $0x0  }
0xd9: {  	[sflag:s4] =	ssyncadd.s32 $0xFFFFE000  }
0xda: {  	[tilespmem:s6], [sflag:$0x2] =	stream.indirect.gather [hbm4b:s3+s10], $0x40, s30, s10, $0xb8;
	[tilespmem:$0x4A00] =	vst v63  }
0xdb: {  	_ =	swait.ge [sflag:s11], $0x2000  }
0xdc: {  	[sflag:s11] =	ssyncset.done $0x0  }
0xdd: {  	s0 =	rddreg [dreg:$0x5];
	[sflag:s11] =	ssyncadd.s32 $0xFFFFE000  }
0xde: {  	[hbm4b:s0+s2] =	stream.linear.scatter [tilespmem:s9], [sflag:$0x3], $0x2000, $0x38;
	[tilespmem:$0x4A00] =	vst v63  }
0xdf: {  	_ =	swait.ge [sflag:s4], $0x2000  }
0xe0: {  	[sflag:s4] =	ssyncset.done $0x0  }
0xe1: {  	[sflag:s4] =	ssyncadd.s32 $0xFFFFE000  }
0xe2: {  	[tilespmem:s9], [sflag:$0x1] =	stream.indirect.gather [hbm4b:s3+s10], $0x40, s29, s10, $0xb8;
	[tilespmem:$0x4A00] =	vst v63  }
0xe3: {  	_ =	swait.ge [sflag:s8], $0x2000  }
0xe4: {  	[sflag:s8] =	ssyncset.done $0x0  }
0xe5: {  	s0 =	rddreg [dreg:$0x6];
	[sflag:s8] =	ssyncadd.s32 $0xFFFFE000  }
0xe6: {  	[hbm4b:s0+s2] =	stream.linear.scatter [tilespmem:s6], [sflag:$0x3], $0x2000, $0x38;
	[tilespmem:$0x4A00] =	vst v63  }
0xe7: {  	_ =	swait.ge [sflag:s4], $0x2000  }
0xe8: {  	[sflag:s4] =	ssyncset.done $0x0  }
0xe9: {  	[sflag:s4] =	ssyncadd.s32 $0xFFFFE000  }
0xea: {  	[tilespmem:s6], [sflag:$0x2] =	stream.indirect.gather [hbm4b:s3+s10], $0x40, s28, s10, $0xb8;
	[tilespmem:$0x4A00] =	vst v63  }
0xeb: {  	_ =	swait.ge [sflag:s11], $0x2000  }
0xec: {  	[sflag:s11] =	ssyncset.done $0x0  }
0xed: {  	s0 =	rddreg [dreg:$0x7];
	[sflag:s11] =	ssyncadd.s32 $0xFFFFE000  }
0xee: {  	[hbm4b:s0+s2] =	stream.linear.scatter [tilespmem:s9], [sflag:$0x3], $0x2000, $0x38;
	[tilespmem:$0x4A00] =	vst v63  }
0xef: {  	_ =	swait.ge [sflag:s4], $0x2000  }
0xf0: {  	[sflag:s4] =	ssyncset.done $0x0  }
0xf1: {  	[sflag:s4] =	ssyncadd.s32 $0xFFFFE000  }
0xf2: {  	[tilespmem:s9], [sflag:$0x1] =	stream.indirect.gather [hbm4b:s3+s10], $0x40, s26, s10, $0xb8;
	[tilespmem:$0x4A00] =	vst v63  }
0xf3: {  	_ =	swait.ge [sflag:s8], $0x2000  }
0xf4: {  	[sflag:s8] =	ssyncset.done $0x0  }
0xf5: {  	s0 =	rddreg [dreg:$0x8];
	[sflag:s8] =	ssyncadd.s32 $0xFFFFE000  }
0xf6: {  	[hbm4b:s0+s2] =	stream.linear.scatter [tilespmem:s6], [sflag:$0x3], $0x2000, $0x38;
	[tilespmem:$0x4A00] =	vst v63  }
0xf7: {  	_ =	swait.ge [sflag:s4], $0x2000  }
0xf8: {  	[sflag:s4] =	ssyncset.done $0x0  }
0xf9: {  	[sflag:s4] =	ssyncadd.s32 $0xFFFFE000  }
0xfa: {  	[tilespmem:s6], [sflag:$0x2] =	stream.indirect.gather [hbm4b:s3+s10], $0x40, s25, s10, $0xb8;
	[tilespmem:$0x4A00] =	vst v63  }
0xfb: {  	_ =	swait.ge [sflag:s11], $0x2000  }
0xfc: {  	[sflag:s11] =	ssyncset.done $0x0  }
0xfd: {  	s0 =	rddreg [dreg:$0x9];
	[sflag:s11] =	ssyncadd.s32 $0xFFFFE000  }
0xfe: {  	[hbm4b:s0+s2] =	stream.linear.scatter [tilespmem:s9], [sflag:$0x3], $0x2000, $0x38;
	[tilespmem:$0x4A00] =	vst v63  }
0xff: {  	_ =	swait.ge [sflag:s4], $0x2000  }
0x100: {  	[sflag:s4] =	ssyncset.done $0x0  }
0x101: {  	[sflag:s4] =	ssyncadd.s32 $0xFFFFE000  }
0x102: {  	[tilespmem:s9], [sflag:$0x1] =	stream.indirect.gather [hbm4b:s3+s10], $0x40, s24, s10, $0xb8;
	[tilespmem:$0x4A00] =	vst v63  }
0x103: {  	_ =	swait.ge [sflag:s8], $0x2000  }
0x104: {  	[sflag:s8] =	ssyncset.done $0x0  }
0x105: {  	s0 =	rddreg [dreg:$0xa];
	[sflag:s8] =	ssyncadd.s32 $0xFFFFE000  }
0x106: {  	[hbm4b:s0+s2] =	stream.linear.scatter [tilespmem:s6], [sflag:$0x3], $0x2000, $0x38;
	[tilespmem:$0x4A00] =	vst v63  }
0x107: {  	_ =	swait.ge [sflag:s4], $0x2000  }
0x108: {  	[sflag:s4] =	ssyncset.done $0x0  }
0x109: {  	[sflag:s4] =	ssyncadd.s32 $0xFFFFE000  }
0x10a: {  	[tilespmem:s6], [sflag:$0x2] =	stream.indirect.gather [hbm4b:s3+s10], $0x40, s22, s10, $0xb8;
	[tilespmem:$0x4A00] =	vst v63  }
0x10b: {  	_ =	swait.ge [sflag:s11], $0x2000  }
0x10c: {  	[sflag:s11] =	ssyncset.done $0x0  }
0x10d: {  	s0 =	rddreg [dreg:$0xb];
	[sflag:s11] =	ssyncadd.s32 $0xFFFFE000  }
0x10e: {  	[hbm4b:s0+s2] =	stream.linear.scatter [tilespmem:s9], [sflag:$0x3], $0x2000, $0x38;
	[tilespmem:$0x4A00] =	vst v63  }
0x10f: {  	_ =	swait.ge [sflag:s4], $0x2000  }
0x110: {  	[sflag:s4] =	ssyncset.done $0x0  }
0x111: {  	[sflag:s4] =	ssyncadd.s32 $0xFFFFE000  }
0x112: {  	[tilespmem:s9], [sflag:$0x1] =	stream.indirect.gather [hbm4b:s3+s10], $0x40, s21, s10, $0xb8;
	[tilespmem:$0x4A00] =	vst v63  }
0x113: {  	_ =	swait.ge [sflag:s8], $0x2000  }
0x114: {  	[sflag:s8] =	ssyncset.done $0x0  }
0x115: {  	s0 =	rddreg [dreg:$0xc];
	[sflag:s8] =	ssyncadd.s32 $0xFFFFE000  }
0x116: {  	[hbm4b:s0+s2] =	stream.linear.scatter [tilespmem:s6], [sflag:$0x3], $0x2000, $0x38;
	[tilespmem:$0x4A00] =	vst v63  }
0x117: {  	_ =	swait.ge [sflag:s4], $0x2000  }
0x118: {  	[sflag:s4] =	ssyncset.done $0x0  }
0x119: {  	[sflag:s4] =	ssyncadd.s32 $0xFFFFE000  }
0x11a: {  	[tilespmem:s6], [sflag:$0x2] =	stream.indirect.gather [hbm4b:s3+s10], $0x40, s20, s10, $0xb8;
	[tilespmem:$0x4A00] =	vst v63  }
0x11b: {  	_ =	swait.ge [sflag:s11], $0x2000  }
0x11c: {  	[sflag:s11] =	ssyncset.done $0x0  }
0x11d: {  	s0 =	rddreg [dreg:$0xd];
	[sflag:s11] =	ssyncadd.s32 $0xFFFFE000  }
0x11e: {  	[hbm4b:s0+s2] =	stream.linear.scatter [tilespmem:s9], [sflag:$0x3], $0x2000, $0x38;
	[tilespmem:$0x4A00] =	vst v63  }
0x11f: {  	_ =	swait.ge [sflag:s4], $0x2000  }
0x120: {  	[sflag:s4] =	ssyncset.done $0x0  }
0x121: {  	[sflag:s4] =	ssyncadd.s32 $0xFFFFE000  }
0x122: {  	[tilespmem:s9], [sflag:$0x1] =	stream.indirect.gather [hbm4b:s3+s10], $0x40, s19, s10, $0xb8;
	[tilespmem:$0x4A00] =	vst v63  }
0x123: {  	_ =	swait.ge [sflag:s8], $0x2000  }
0x124: {  	[sflag:s8] =	ssyncset.done $0x0  }
0x125: {  	s0 =	rddreg [dreg:$0xe];
	[sflag:s8] =	ssyncadd.s32 $0xFFFFE000  }
0x126: {  	[hbm4b:s0+s2] =	stream.linear.scatter [tilespmem:s6], [sflag:$0x3], $0x2000, $0x38;
	[tilespmem:$0x4A00] =	vst v63  }
0x127: {  	_ =	swait.ge [sflag:s4], $0x2000  }
0x128: {  	[sflag:s4] =	ssyncset.done $0x0  }
0x129: {  	[sflag:s4] =	ssyncadd.s32 $0xFFFFE000  }
0x12a: {  	[tilespmem:s6], [sflag:$0x2] =	stream.indirect.gather [hbm4b:s3+s10], $0x40, s18, s10, $0xb8;
	[tilespmem:$0x4A00] =	vst v63  }
0x12b: {  	_ =	swait.ge [sflag:s11], $0x2000  }
0x12c: {  	[sflag:s11] =	ssyncset.done $0x0  }
0x12d: {  	s0 =	rddreg [dreg:$0xf];
	[sflag:s11] =	ssyncadd.s32 $0xFFFFE000  }
0x12e: {  	[hbm4b:s0+s2] =	stream.linear.scatter [tilespmem:s9], [sflag:$0x3], $0x2000, $0x38;
	[tilespmem:$0x4A00] =	vst v63  }
0x12f: {  	_ =	swait.ge [sflag:s4], $0x2000  }
0x130: {  	[sflag:s4] =	ssyncset.done $0x0  }
0x131: {  	[sflag:s4] =	ssyncadd.s32 $0xFFFFE000  }
0x132: {  	[tilespmem:s9], [sflag:$0x1] =	stream.indirect.gather [hbm4b:s3+s10], $0x40, s17, s10, $0xb8;
	[tilespmem:$0x4A00] =	vst v63  }
0x133: {  	_ =	swait.ge [sflag:s8], $0x2000  }
0x134: {  	[sflag:s8] =	ssyncset.done $0x0  }
0x135: {  	s0 =	rddreg [dreg:$0x10];
	[sflag:s8] =	ssyncadd.s32 $0xFFFFE000  }
0x136: {  	[hbm4b:s0+s2] =	stream.linear.scatter [tilespmem:s6], [sflag:$0x3], $0x2000, $0x38;
	[tilespmem:$0x4A00] =	vst v63  }
0x137: {  	_ =	swait.ge [sflag:s4], $0x2000  }
0x138: {  	[sflag:s4] =	ssyncset.done $0x0  }
0x139: {  	[sflag:s4] =	ssyncadd.s32 $0xFFFFE000  }
0x13a: {  	[tilespmem:s6], [sflag:$0x2] =	stream.indirect.gather [hbm4b:s3+s10], $0x40, s16, s10, $0xb8;
	[tilespmem:$0x4A00] =	vst v63  }
0x13b: {  	_ =	swait.ge [sflag:s11], $0x2000  }
0x13c: {  	[sflag:s11] =	ssyncset.done $0x0  }
0x13d: {  	s0 =	rddreg [dreg:$0x11];
	[sflag:s11] =	ssyncadd.s32 $0xFFFFE000  }
0x13e: {  	[hbm4b:s0+s2] =	stream.linear.scatter [tilespmem:s9], [sflag:$0x3], $0x2000, $0x38;
	[tilespmem:$0x4A00] =	vst v63  }
0x13f: {  	_ =	swait.ge [sflag:s4], $0x2000  }
0x140: {  	[sflag:s4] =	ssyncset.done $0x0  }
0x141: {  	[sflag:s4] =	ssyncadd.s32 $0xFFFFE000  }
0x142: {  	[tilespmem:s9], [sflag:$0x1] =	stream.indirect.gather [hbm4b:s3+s10], $0x40, s15, s10, $0xb8;
	[tilespmem:$0x4A00] =	vst v63  }
0x143: {  	_ =	swait.ge [sflag:s8], $0x2000  }
0x144: {  	[sflag:s8] =	ssyncset.done $0x0  }
0x145: {  	s0 =	rddreg [dreg:$0x12];
	[sflag:s8] =	ssyncadd.s32 $0xFFFFE000  }
0x146: {  	[hbm4b:s0+s2] =	stream.linear.scatter [tilespmem:s6], [sflag:$0x3], $0x2000, $0x38;
	[tilespmem:$0x4A00] =	vst v63  }
0x147: {  	_ =	swait.ge [sflag:s4], $0x2000  }
0x148: {  	[sflag:s4] =	ssyncset.done $0x0  }
0x149: {  	[sflag:s4] =	ssyncadd.s32 $0xFFFFE000  }
0x14a: {  	[tilespmem:s6], [sflag:$0x2] =	stream.indirect.gather [hbm4b:s3+s10], $0x40, s14, s10, $0xb8;
	[tilespmem:$0x4A00] =	vst v63  }
0x14b: {  	_ =	swait.ge [sflag:s11], $0x2000  }
0x14c: {  	[sflag:s11] =	ssyncset.done $0x0  }
0x14d: {  	s0 =	rddreg [dreg:$0x13];
	[sflag:s11] =	ssyncadd.s32 $0xFFFFE000  }
0x14e: {  	[hbm4b:s0+s2] =	stream.linear.scatter [tilespmem:s9], [sflag:$0x3], $0x2000, $0x38;
	[tilespmem:$0x4A00] =	vst v63  }
0x14f: {  	_ =	swait.ge [sflag:s4], $0x2000  }
0x150: {  	[sflag:s4] =	ssyncset.done $0x0  }
0x151: {  	[sflag:s4] =	ssyncadd.s32 $0xFFFFE000  }
0x152: {  	[tilespmem:s9], [sflag:$0x1] =	stream.indirect.gather [hbm4b:s3+s10], $0x40, s13, s10, $0xb8;
	[tilespmem:$0x4A00] =	vst v63  }
0x153: {  	_ =	swait.ge [sflag:s8], $0x2000  }
0x154: {  	[sflag:s8] =	ssyncset.done $0x0  }
0x155: {  	s0 =	rddreg [dreg:$0x14];
	[sflag:s8] =	ssyncadd.s32 $0xFFFFE000  }
0x156: {  	[hbm4b:s0+s2] =	stream.linear.scatter [tilespmem:s6], [sflag:$0x3], $0x2000, $0x38;
	[tilespmem:$0x4A00] =	vst v63  }
0x157: {  	_ =	swait.ge [sflag:s4], $0x2000  }
0x158: {  	[sflag:s4] =	ssyncset.done $0x0  }
0x159: {  	[sflag:s4] =	ssyncadd.s32 $0xFFFFE000  }
0x15a: {  	[tilespmem:s6], [sflag:$0x2] =	stream.indirect.gather [hbm4b:s3+s10], $0x40, s12, s10, $0xb8;
	[tilespmem:$0x4A00] =	vst v63  }
0x15b: {  	_ =	swait.ge [sflag:s11], $0x2000  }
0x15c: {  	[sflag:s11] =	ssyncset.done $0x0  }
0x15d: {  	[sflag:s11] =	ssyncadd.s32 $0xFFFFE000  }
0x15e: {  	[hbm4b:s7+s2] =	stream.linear.scatter [tilespmem:s9], [sflag:$0x3], $0x2000, $0x38;
	[tilespmem:$0x4A00] =	vst v63  }
0x15f: {  	_ =	swait.ge [sflag:s4], $0x2000  }
0x160: {  	[sflag:s4] =	ssyncset.done $0x0  }
0x161: {  	[sflag:s4] =	ssyncadd.s32 $0xFFFFE000  }
0x162: {  	p1 =	sne.s32 s1, $0x1;
	_ =	swait.ge [sflag:s8], $0x2000  }
.Ltmp2:
0x163: {  	[sflag:s8] =	ssyncset.done $0x0;
	(pc) =	sbr.rel @p1 .LBB2_2-.Ltmp2, $4  }
0x164: {  	[sflag:s8] =	ssyncadd.s32 $0xFFFFE000  }
0x165: {  	[hbm4b:s5+s2] =	stream.linear.scatter [tilespmem:s6], [sflag:$0x3], $0x2000, $0x38;
	[tilespmem:$0x4A00] =	vst v63  }
0x166: {  	_ =	swait.ge [sflag:s4], $0x2000  }
0x167: {  	s1 =	sadd.s32 $0xFFFFFFFF, s1;
	s0 =	rddreg [dreg:$0x3];
	[sflag:s4] =	ssyncset.done $0x0  }
.LBB2_3:
0x168: {  	[sflag:s4] =	ssyncadd.s32 @p0 $0xFFFFE000  }
0x169: {  	[tilespmem:s2], [sflag:$0x3] =	stream.linear.gather [hbm4b:s0+s2], $0xA00, $0x38;
	[tilespmem:$0x4A00] =	vst v63  }
0x16a: {  	_ =	swait.ge [sflag:s4], $0xA00  }
0x16b: {  	[sflag:s4] =	ssyncset.done $0x0  }
0x16c: {  	[sflag:s4] =	ssyncadd.s32 $0xFFFFF600  }
0x16d: {  	[tilespmem:s9], [sflag:$0x1] =	stream.indirect.gather [hbm4b:s3+s10], $0x40, s2, s10, $0xb8;
	[tilespmem:$0x4A00] =	vst v63  }
0x16e: {  	_ = 	snop  }
0x16f: {  	[tilespmem:s6], [sflag:$0x2] =	stream.indirect.gather [hbm4b:s3+s10], $0x40, s10, s10, $0xb8;
	[tilespmem:$0x4A00] =	vst v63  }
0x170: {  	_ =	swait.ge [sflag:s11], $0x2000  }
0x171: {  	[sflag:s11] =	ssyncset.done $0x0  }
0x172: {  	[sflag:s11] =	ssyncadd.s32 $0xFFFFE000  }
0x173: {  	[hbm4b:s23+s2] =	stream.linear.scatter [tilespmem:s9], [sflag:$0x3], $0x2000, $0x38;
	[tilespmem:$0x4A00] =	vst v63  }
0x174: {  	_ =	swait.ge [sflag:s4], $0x2000  }
0x175: {  	[sflag:s4] =	ssyncset.done $0x0  }
0x176: {  	[sflag:s4] =	ssyncadd.s32 $0xFFFFE000  }
0x177: {  	[tilespmem:s9], [sflag:$0x1] =	stream.indirect.gather [hbm4b:s3+s10], $0x40, s31, s10, $0xb8;
	[tilespmem:$0x4A00] =	vst v63  }
0x178: {  	_ =	swait.ge [sflag:s8], $0x2000  }
0x179: {  	[sflag:s8] =	ssyncset.done $0x0  }
0x17a: {  	s31 =	rddreg [dreg:$0x4];
	[sflag:s8] =	ssyncadd.s32 $0xFFFFE000  }
0x17b: {  	[hbm4b:s31+s2] =	stream.linear.scatter [tilespmem:s6], [sflag:$0x3], $0x2000, $0x38;
	[tilespmem:$0x4A00] =	vst v63  }
0x17c: {  	_ =	swait.ge [sflag:s4], $0x2000  }
0x17d: {  	[sflag:s4] =	ssyncset.done $0x0  }
0x17e: {  	[sflag:s4] =	ssyncadd.s32 $0xFFFFE000  }
0x17f: {  	[tilespmem:s6], [sflag:$0x2] =	stream.indirect.gather [hbm4b:s3+s10], $0x40, s30, s10, $0xb8;
	[tilespmem:$0x4A00] =	vst v63  }
0x180: {  	_ =	swait.ge [sflag:s11], $0x2000  }
0x181: {  	[sflag:s11] =	ssyncset.done $0x0  }
0x182: {  	s1 =	rddreg [dreg:$0x5];
	[sflag:s11] =	ssyncadd.s32 $0xFFFFE000  }
0x183: {  	[hbm4b:s1+s2] =	stream.linear.scatter [tilespmem:s9], [sflag:$0x3], $0x2000, $0x38;
	[tilespmem:$0x4A00] =	vst v63  }
0x184: {  	_ =	swait.ge [sflag:s4], $0x2000  }
0x185: {  	[sflag:s4] =	ssyncset.done $0x0  }
0x186: {  	[sflag:s4] =	ssyncadd.s32 $0xFFFFE000  }
0x187: {  	[tilespmem:s9], [sflag:$0x1] =	stream.indirect.gather [hbm4b:s3+s10], $0x40, s29, s10, $0xb8;
	[tilespmem:$0x4A00] =	vst v63  }
0x188: {  	_ =	swait.ge [sflag:s8], $0x2000  }
0x189: {  	[sflag:s8] =	ssyncset.done $0x0  }
0x18a: {  	s23 =	rddreg [dreg:$0x6];
	[sflag:s8] =	ssyncadd.s32 $0xFFFFE000  }
0x18b: {  	[hbm4b:s23+s2] =	stream.linear.scatter [tilespmem:s6], [sflag:$0x3], $0x2000, $0x38;
	[tilespmem:$0x4A00] =	vst v63  }
0x18c: {  	_ =	swait.ge [sflag:s4], $0x2000  }
0x18d: {  	[sflag:s4] =	ssyncset.done $0x0  }
0x18e: {  	[sflag:s4] =	ssyncadd.s32 $0xFFFFE000  }
0x18f: {  	[tilespmem:s6], [sflag:$0x2] =	stream.indirect.gather [hbm4b:s3+s10], $0x40, s28, s10, $0xb8;
	[tilespmem:$0x4A00] =	vst v63  }
0x190: {  	_ =	swait.ge [sflag:s11], $0x2000  }
0x191: {  	[sflag:s11] =	ssyncset.done $0x0  }
0x192: {  	s28 =	rddreg [dreg:$0x7];
	[sflag:s11] =	ssyncadd.s32 $0xFFFFE000  }
0x193: {  	[hbm4b:s28+s2] =	stream.linear.scatter [tilespmem:s9], [sflag:$0x3], $0x2000, $0x38;
	[tilespmem:$0x4A00] =	vst v63  }
0x194: {  	_ =	swait.ge [sflag:s4], $0x2000  }
0x195: {  	[sflag:s4] =	ssyncset.done $0x0  }
0x196: {  	[sflag:s4] =	ssyncadd.s32 $0xFFFFE000  }
0x197: {  	[tilespmem:s9], [sflag:$0x1] =	stream.indirect.gather [hbm4b:s3+s10], $0x40, s26, s10, $0xb8;
	[tilespmem:$0x4A00] =	vst v63  }
0x198: {  	_ =	swait.ge [sflag:s8], $0x2000  }
0x199: {  	[sflag:s8] =	ssyncset.done $0x0  }
0x19a: {  	s29 =	rddreg [dreg:$0x8];
	[sflag:s8] =	ssyncadd.s32 $0xFFFFE000  }
0x19b: {  	[hbm4b:s29+s2] =	stream.linear.scatter [tilespmem:s6], [sflag:$0x3], $0x2000, $0x38;
	[tilespmem:$0x4A00] =	vst v63  }
0x19c: {  	_ =	swait.ge [sflag:s4], $0x2000  }
0x19d: {  	[sflag:s4] =	ssyncset.done $0x0  }
0x19e: {  	[sflag:s4] =	ssyncadd.s32 $0xFFFFE000  }
0x19f: {  	[tilespmem:s6], [sflag:$0x2] =	stream.indirect.gather [hbm4b:s3+s10], $0x40, s25, s10, $0xb8;
	[tilespmem:$0x4A00] =	vst v63  }
0x1a0: {  	_ =	swait.ge [sflag:s11], $0x2000  }
0x1a1: {  	[sflag:s11] =	ssyncset.done $0x0  }
0x1a2: {  	s30 =	rddreg [dreg:$0x9];
	[sflag:s11] =	ssyncadd.s32 $0xFFFFE000  }
0x1a3: {  	[hbm4b:s30+s2] =	stream.linear.scatter [tilespmem:s9], [sflag:$0x3], $0x2000, $0x38;
	[tilespmem:$0x4A00] =	vst v63  }
0x1a4: {  	_ =	swait.ge [sflag:s4], $0x2000  }
0x1a5: {  	[sflag:s4] =	ssyncset.done $0x0  }
0x1a6: {  	[sflag:s4] =	ssyncadd.s32 $0xFFFFE000  }
0x1a7: {  	[tilespmem:s9], [sflag:$0x1] =	stream.indirect.gather [hbm4b:s3+s10], $0x40, s24, s10, $0xb8;
	[tilespmem:$0x4A00] =	vst v63  }
0x1a8: {  	_ =	swait.ge [sflag:s8], $0x2000  }
0x1a9: {  	[sflag:s8] =	ssyncset.done $0x0  }
0x1aa: {  	s31 =	rddreg [dreg:$0xa];
	[sflag:s8] =	ssyncadd.s32 $0xFFFFE000  }
0x1ab: {  	[hbm4b:s31+s2] =	stream.linear.scatter [tilespmem:s6], [sflag:$0x3], $0x2000, $0x38;
	[tilespmem:$0x4A00] =	vst v63  }
0x1ac: {  	_ =	swait.ge [sflag:s4], $0x2000  }
0x1ad: {  	[sflag:s4] =	ssyncset.done $0x0  }
0x1ae: {  	[sflag:s4] =	ssyncadd.s32 $0xFFFFE000  }
0x1af: {  	[tilespmem:s6], [sflag:$0x2] =	stream.indirect.gather [hbm4b:s3+s10], $0x40, s22, s10, $0xb8;
	[tilespmem:$0x4A00] =	vst v63  }
0x1b0: {  	_ =	swait.ge [sflag:s11], $0x2000  }
0x1b1: {  	[sflag:s11] =	ssyncset.done $0x0  }
0x1b2: {  	s1 =	rddreg [dreg:$0xb];
	[sflag:s11] =	ssyncadd.s32 $0xFFFFE000  }
0x1b3: {  	[hbm4b:s1+s2] =	stream.linear.scatter [tilespmem:s9], [sflag:$0x3], $0x2000, $0x38;
	[tilespmem:$0x4A00] =	vst v63  }
0x1b4: {  	_ =	swait.ge [sflag:s4], $0x2000  }
0x1b5: {  	[sflag:s4] =	ssyncset.done $0x0  }
0x1b6: {  	[sflag:s4] =	ssyncadd.s32 $0xFFFFE000  }
0x1b7: {  	[tilespmem:s9], [sflag:$0x1] =	stream.indirect.gather [hbm4b:s3+s10], $0x40, s21, s10, $0xb8;
	[tilespmem:$0x4A00] =	vst v63  }
0x1b8: {  	_ =	swait.ge [sflag:s8], $0x2000  }
0x1b9: {  	[sflag:s8] =	ssyncset.done $0x0  }
0x1ba: {  	s21 =	rddreg [dreg:$0xc];
	[sflag:s8] =	ssyncadd.s32 $0xFFFFE000  }
0x1bb: {  	[hbm4b:s21+s2] =	stream.linear.scatter [tilespmem:s6], [sflag:$0x3], $0x2000, $0x38;
	[tilespmem:$0x4A00] =	vst v63  }
0x1bc: {  	_ =	swait.ge [sflag:s4], $0x2000  }
0x1bd: {  	[sflag:s4] =	ssyncset.done $0x0  }
0x1be: {  	[sflag:s4] =	ssyncadd.s32 $0xFFFFE000  }
0x1bf: {  	[tilespmem:s6], [sflag:$0x2] =	stream.indirect.gather [hbm4b:s3+s10], $0x40, s20, s10, $0xb8;
	[tilespmem:$0x4A00] =	vst v63  }
0x1c0: {  	_ =	swait.ge [sflag:s11], $0x2000  }
0x1c1: {  	[sflag:s11] =	ssyncset.done $0x0  }
0x1c2: {  	s22 =	rddreg [dreg:$0xd];
	[sflag:s11] =	ssyncadd.s32 $0xFFFFE000  }
0x1c3: {  	[hbm4b:s22+s2] =	stream.linear.scatter [tilespmem:s9], [sflag:$0x3], $0x2000, $0x38;
	[tilespmem:$0x4A00] =	vst v63  }
0x1c4: {  	_ =	swait.ge [sflag:s4], $0x2000  }
0x1c5: {  	[sflag:s4] =	ssyncset.done $0x0  }
0x1c6: {  	[sflag:s4] =	ssyncadd.s32 $0xFFFFE000  }
0x1c7: {  	[tilespmem:s9], [sflag:$0x1] =	stream.indirect.gather [hbm4b:s3+s10], $0x40, s19, s10, $0xb8;
	[tilespmem:$0x4A00] =	vst v63  }
0x1c8: {  	_ =	swait.ge [sflag:s8], $0x2000  }
0x1c9: {  	[sflag:s8] =	ssyncset.done $0x0  }
0x1ca: {  	s23 =	rddreg [dreg:$0xe];
	[sflag:s8] =	ssyncadd.s32 $0xFFFFE000  }
0x1cb: {  	[hbm4b:s23+s2] =	stream.linear.scatter [tilespmem:s6], [sflag:$0x3], $0x2000, $0x38;
	[tilespmem:$0x4A00] =	vst v63  }
0x1cc: {  	_ =	swait.ge [sflag:s4], $0x2000  }
0x1cd: {  	[sflag:s4] =	ssyncset.done $0x0  }
0x1ce: {  	[sflag:s4] =	ssyncadd.s32 $0xFFFFE000  }
0x1cf: {  	[tilespmem:s6], [sflag:$0x2] =	stream.indirect.gather [hbm4b:s3+s10], $0x40, s18, s10, $0xb8;
	[tilespmem:$0x4A00] =	vst v63  }
0x1d0: {  	_ =	swait.ge [sflag:s11], $0x2000  }
0x1d1: {  	[sflag:s11] =	ssyncset.done $0x0  }
0x1d2: {  	s24 =	rddreg [dreg:$0xf];
	[sflag:s11] =	ssyncadd.s32 $0xFFFFE000  }
0x1d3: {  	[hbm4b:s24+s2] =	stream.linear.scatter [tilespmem:s9], [sflag:$0x3], $0x2000, $0x38;
	[tilespmem:$0x4A00] =	vst v63  }
0x1d4: {  	_ =	swait.ge [sflag:s4], $0x2000  }
0x1d5: {  	[sflag:s4] =	ssyncset.done $0x0  }
0x1d6: {  	[sflag:s4] =	ssyncadd.s32 $0xFFFFE000  }
0x1d7: {  	[tilespmem:s9], [sflag:$0x1] =	stream.indirect.gather [hbm4b:s3+s10], $0x40, s17, s10, $0xb8;
	[tilespmem:$0x4A00] =	vst v63  }
0x1d8: {  	_ =	swait.ge [sflag:s8], $0x2000  }
0x1d9: {  	[sflag:s8] =	ssyncset.done $0x0  }
0x1da: {  	s25 =	rddreg [dreg:$0x10];
	[sflag:s8] =	ssyncadd.s32 $0xFFFFE000  }
0x1db: {  	[hbm4b:s25+s2] =	stream.linear.scatter [tilespmem:s6], [sflag:$0x3], $0x2000, $0x38;
	[tilespmem:$0x4A00] =	vst v63  }
0x1dc: {  	_ =	swait.ge [sflag:s4], $0x2000  }
0x1dd: {  	[sflag:s4] =	ssyncset.done $0x0  }
0x1de: {  	[sflag:s4] =	ssyncadd.s32 $0xFFFFE000  }
0x1df: {  	[tilespmem:s6], [sflag:$0x2] =	stream.indirect.gather [hbm4b:s3+s10], $0x40, s16, s10, $0xb8;
	[tilespmem:$0x4A00] =	vst v63  }
0x1e0: {  	_ =	swait.ge [sflag:s11], $0x2000  }
0x1e1: {  	[sflag:s11] =	ssyncset.done $0x0  }
0x1e2: {  	s26 =	rddreg [dreg:$0x11];
	[sflag:s11] =	ssyncadd.s32 $0xFFFFE000  }
0x1e3: {  	[hbm4b:s26+s2] =	stream.linear.scatter [tilespmem:s9], [sflag:$0x3], $0x2000, $0x38;
	[tilespmem:$0x4A00] =	vst v63  }
0x1e4: {  	_ =	swait.ge [sflag:s4], $0x2000  }
0x1e5: {  	[sflag:s4] =	ssyncset.done $0x0  }
0x1e6: {  	[sflag:s4] =	ssyncadd.s32 $0xFFFFE000  }
0x1e7: {  	[tilespmem:s9], [sflag:$0x1] =	stream.indirect.gather [hbm4b:s3+s10], $0x40, s15, s10, $0xb8;
	[tilespmem:$0x4A00] =	vst v63  }
0x1e8: {  	_ =	swait.ge [sflag:s8], $0x2000  }
0x1e9: {  	[sflag:s8] =	ssyncset.done $0x0  }
0x1ea: {  	s28 =	rddreg [dreg:$0x12];
	[sflag:s8] =	ssyncadd.s32 $0xFFFFE000  }
0x1eb: {  	[hbm4b:s28+s2] =	stream.linear.scatter [tilespmem:s6], [sflag:$0x3], $0x2000, $0x38;
	[tilespmem:$0x4A00] =	vst v63  }
0x1ec: {  	_ =	swait.ge [sflag:s4], $0x2000  }
0x1ed: {  	[sflag:s4] =	ssyncset.done $0x0  }
0x1ee: {  	[sflag:s4] =	ssyncadd.s32 $0xFFFFE000  }
0x1ef: {  	[tilespmem:s6], [sflag:$0x2] =	stream.indirect.gather [hbm4b:s3+s10], $0x40, s14, s10, $0xb8;
	[tilespmem:$0x4A00] =	vst v63  }
0x1f0: {  	_ =	swait.ge [sflag:s11], $0x2000  }
0x1f1: {  	[sflag:s11] =	ssyncset.done $0x0  }
0x1f2: {  	s29 =	rddreg [dreg:$0x13];
	[sflag:s11] =	ssyncadd.s32 $0xFFFFE000  }
0x1f3: {  	[hbm4b:s29+s2] =	stream.linear.scatter [tilespmem:s9], [sflag:$0x3], $0x2000, $0x38;
	[tilespmem:$0x4A00] =	vst v63  }
0x1f4: {  	_ =	swait.ge [sflag:s4], $0x2000  }
0x1f5: {  	[sflag:s4] =	ssyncset.done $0x0  }
0x1f6: {  	[sflag:s4] =	ssyncadd.s32 $0xFFFFE000  }
0x1f7: {  	[tilespmem:s9], [sflag:$0x1] =	stream.indirect.gather [hbm4b:s3+s10], $0x40, s13, s10, $0xb8;
	[tilespmem:$0x4A00] =	vst v63  }
0x1f8: {  	_ =	swait.ge [sflag:s8], $0x2000  }
0x1f9: {  	[sflag:s8] =	ssyncset.done $0x0  }
0x1fa: {  	s30 =	rddreg [dreg:$0x14];
	[sflag:s8] =	ssyncadd.s32 $0xFFFFE000  }
0x1fb: {  	[hbm4b:s30+s2] =	stream.linear.scatter [tilespmem:s6], [sflag:$0x3], $0x2000, $0x38;
	[tilespmem:$0x4A00] =	vst v63  }
0x1fc: {  	_ =	swait.ge [sflag:s4], $0x2000  }
0x1fd: {  	[sflag:s4] =	ssyncset.done $0x0  }
0x1fe: {  	[sflag:s4] =	ssyncadd.s32 $0xFFFFE000  }
0x1ff: {  	[tilespmem:s6], [sflag:$0x2] =	stream.indirect.gather [hbm4b:s3+s10], $0x40, s12, s10, $0xb8;
	[tilespmem:$0x4A00] =	vst v63  }
0x200: {  	_ =	swait.ge [sflag:s11], $0x2000  }
0x201: {  	[sflag:s11] =	ssyncset.done $0x0  }
0x202: {  	[sflag:s11] =	ssyncadd.s32 $0xFFFFE000  }
0x203: {  	[hbm4b:s7+s2] =	stream.linear.scatter [tilespmem:s9], [sflag:$0x3], $0x2000, $0x38;
	[tilespmem:$0x4A00] =	vst v63  }
0x204: {  	_ =	swait.ge [sflag:s4], $0x2000  }
0x205: {  	[sflag:s4] =	ssyncset.done $0x0  }
0x206: {  	[sflag:s4] =	ssyncadd.s32 $0xFFFFE000  }
0x207: {  	_ =	swait.ge [sflag:s8], $0x2000  }
0x208: {  	[sflag:s8] =	ssyncset.done $0x0  }
0x209: {  	[sflag:s8] =	ssyncadd.s32 $0xFFFFE000  }
0x20a: {  	[hbm4b:s5+s2] =	stream.linear.scatter [tilespmem:s6], [sflag:$0x3], $0x2000, $0x38;
	[tilespmem:$0x4A00] =	vst v63  }
0x20b: {  	_ =	swait.ge [sflag:s4], $0x2000  }
0x20c: {  	[sflag:s4] =	ssyncset.done $0x0  }
0x20d: {  	[sflag:s4] =	ssyncadd.s32 $0xFFFFE000  }
0x20e: {  	_ =	sfence.sel $0x180000  }
0x20f: {  	[bflag:$0x0] =	sbarrier.arrive $0xFFFF  }
0x210: {  	_ =	strace $0x90000047  }
0x211: {  	s31 =	stileid.u32;
	[bflag:$0x2] =	sbarrier.arrive $0xFFFF  }
0x212: {  	p0 =	sne.s32 s31, $0x0;
	s0 =	rddreg [dreg:$0x2]  }
0x213: {  	s0 =	sadd.s32 @!p0 $0x100000, s0  }
0x214: {  	[sflag:s0] =	ssyncadd.tile.s32 @!p0 $0x1;
	_ =	shalt  }
.Lfunc_end2:
_tile_overlayer_lowered:
.L_overlay_start_2:
0x215: {  	(tag) =	ssettag $0x2  }
0x216: {  	s0 =	rddreg [dreg:$0x0];
	s2 =	stileid.u32  }
0x217: {  	s1 =	rddreg [dreg:$0x1];
	p0 =	sne.s32 s2, $0x0  }
0x218: {  	s3 =	rddreg [dreg:$0x2];
	[bflag:$0x3] =	sbarrier.arrive $0xFFFF;
	s2 =	simm.s32 @!p0 $0x1C03  }
0x219: {  	[timem:s3], [sflag:s2] =	dma.local @!p0 [hbm:s0], s1  }
0x21a: {  	s0 =	simm.s32 @!p0 $0x3  }
0x21b: {  	_ =	swait.ge @!p0 [sflag:s0], s1  }
0x21c: {  	s1 =	ssub.s32 @!p0 $0x0, s1;
	[sflag:s0] =	ssyncset.done @!p0 $0x0  }
0x21d: {  	[sflag:s0] =	ssyncadd.s32 @!p0 s1  }
0x21e: {  	[bflag:$0x3] =	sbarrier.arrive $0xFFFF  }
0x21f: {  	_ =	shalt  }

// kernel: kernel.9.cloned.1.call-start
scs
__scs_entry_jumppad:
0x0: {  	(pc) =	sbr.rel $0x88, $3  }
0x1: {  	(tag) =	ssettag $0x0;
	lr =	simm.s32 $0x1  }
0x2: {  	[smem:$0x3F9E] =	sst lr;
	_ =	strace $0xD0000000  }
0x3: {  	_ = 	snop  }
0x4: {  	_ = 	snop  }
0x5: {  	_ = 	snop  }
0x6: {  	_ = 	snop  }
0x7: {  	_ = 	snop  }
__scs_overlays_trampoline_lowered:
0x8: {  	[smem:$0x3FAD] =	sst s0  }
0x9: {  	[smem:$0x3FAE] =	sst s1  }
0xa: {  	[smem:$0x3FAF] =	sst s2  }
0xb: {  	[smem:$0x3FB0] =	sst s3  }
0xc: {  	[smem:$0x3FB1] =	sst s4  }
0xd: {  	[smem:$0x3FB2] =	sst s5  }
0xe: {  	[smem:$0x3FB3] =	sst s6  }
0xf: {  	[smem:$0x3FB4] =	sst s7  }
0x10: {  	[smem:$0x3FB5] =	sst s8  }
0x11: {  	[smem:$0x3FB6] =	sst s9;
	s0 =	simm.s32 @!p0 $0x0  }
0x12: {  	s1 =	sld [smem:$0x3F9C];
	s0 =	simm.s32 @p0 $0x1  }
0x13: {  	[smem:$0x3FB7] =	sst s0;
	s0 =	simm.s32 @!p1 $0x0  }
0x14: {  	s2 =	sld [smem:$0x3F9B];
	s0 =	simm.s32 @p1 $0x1  }
0x15: {  	[smem:$0x3FB8] =	sst s0;
	s0 =	simm.s32 @!p2 $0x0  }
0x16: {  	s3 =	sld [smem:$0x3FDB];
	s0 =	simm.s32 @p2 $0x1  }
0x17: {  	s4 =	simm.s32 $0x1BF5;
	[smem:$0x3FBA] =	sst s0  }
0x18: {  	s0 =	sld [smem:$0x3F9D];
	_ =	swait.ge [sflag:s4], $0x0  }
0x19: {  	s7 =	sld [smem:$0x3F9E]  }
0x1a: {  	s8 =	sadd.s32 $0xFFFFE003, lr  }
0x1b: {  	s9 =	sadd.s32 $0xFFFFFEF7, lr;
	s5 =	simm.s32 $0xFFFFFFFF;
	p2 =	slt.u32 s8, $0xFFFFF086  }
0x1c: {  	p1 =	slt.u32 s9, $0xF7A;
	s5 =	simm.s32 @!p2 $0x0  }
0x1d: {  	s5 =	simm.s32 @p1 $0x1;
	p0 =	seq.s32 s7, s2  }
0x1e: {  	s7 =	smul.u32 @!p0 $0xF7A, s2;
	p2 =	seq.s32 @!p0 s5, $0x0  }
0x1f: {  	s9 =	smul.u32 $0xF7A, s1;
	s8 =	simm.s32 @!p0 $0x1BF5;
	p2 =	por !p2, p0  }
0x20: {  	[sflag:s8] =	ssyncset.s32 @!p0 $0xFFFFF086;
	s6 =	sadd.s32 @!p0 s3, s7;
	s7 =	simm.s32 @!p0 $0x108  }
0x21: {  	s3 =	sadd.s32 s3, s9;
	s6 =	sadd.s32 @!p0 $0x88, s6;
	s7 =	simm.s32 @p2 $0x1082  }
0x22: {  	[simem:s7], [sflag:s8] =	dma.local @!p0 [hbm:s6], $0xF7A  }
0x23: {  	s9 =	sor.u32 $0xD0000000, s2;
	s6 =	simm.s32 $0x108;
	_ =	swait.ge @!p0 [sflag:s8], $0x0  }
0x24: {  	s3 =	sadd.s32 $0x88, s3;
	s6 =	simm.s32 @!p1 $0x1082;
	[sflag:s4] =	ssyncset.s32 $0xFFFFF086  }
0x25: {  	[simem:s6], [sflag:s4] =	dma.local [hbm:s3], $0xF7A  }
0x26: {  	[smem:$0x3F9E] =	sst s1;
	(tag) =	ssettag s2;
	_ =	strace s9  }
0x27: {  	s1 =	sld [smem:$0x3FAE]  }
0x28: {  	s2 =	sld [smem:$0x3FAF]  }
0x29: {  	s4 =	sld [smem:$0x3FB1]  }
0x2a: {  	p0 =	seq.s32 s5, $0x0;
	s5 =	sld [smem:$0x3FB2]  }
0x2b: {  	s6 =	sld [smem:$0x3FB3]  }
0x2c: {  	s7 =	sld [smem:$0x3FB4]  }
0x2d: {  	s3 =	simm.s32 $0x108;
	s8 =	sld [smem:$0x3FB5]  }
0x2e: {  	s3 =	simm.s32 @!p0 $0x1082;
	s9 =	sld [smem:$0x3FB6]  }
0x2f: {  	lr =	sadd.s32 s0, s3;
	s0 =	sld [smem:$0x3FAD]  }
0x30: {  	s3 =	sld [smem:$0x3FB0]  }
0x31: {  	[smem:$0x3FB9] =	sst s10  }
0x32: {  	s10 =	sld [smem:$0x3FB7];
	_ =	sdelay $0x3  }
0x33: {  	p0 =	seq.s32 s10, $0x1;
	s10 =	sld [smem:$0x3FB9];
	_ =	sdelay $0x3  }
0x34: {  	[smem:$0x3FB9] =	sst s10  }
0x35: {  	s10 =	sld [smem:$0x3FB8];
	_ =	sdelay $0x3  }
0x36: {  	p1 =	seq.s32 s10, $0x1;
	s10 =	sld [smem:$0x3FB9];
	_ =	sdelay $0x3  }
0x37: {  	[smem:$0x3FB9] =	sst s10  }
0x38: {  	s10 =	sld [smem:$0x3FBA]  }
0x39: {  	_ = 	snop;
	(pc) =	sbr.ind lr, $3  }
0x3a: {  	_ = 	snop  }
0x3b: {  	_ = 	snop  }
0x3c: {  	p2 =	seq.s32 s10, $0x1;
	s10 =	sld [smem:$0x3FB9]  }
0x3d: {  	_ =	shalt  }
0x3e: {  	_ =	shalt  }
0x3f: {  	_ =	shalt  }
0x40: {  	_ =	shalt  }
0x41: {  	_ =	shalt  }
0x42: {  	_ =	shalt  }
0x43: {  	_ =	shalt  }
0x44: {  	_ =	shalt  }
0x45: {  	_ =	shalt  }
0x46: {  	_ =	shalt  }
0x47: {  	_ =	shalt  }
0x48: {  	_ =	shalt  }
0x49: {  	_ =	shalt  }
0x4a: {  	_ =	shalt  }
0x4b: {  	_ =	shalt  }
0x4c: {  	_ =	shalt  }
0x4d: {  	_ =	shalt  }
0x4e: {  	_ =	shalt  }
0x4f: {  	_ =	shalt  }
0x50: {  	_ =	shalt  }
0x51: {  	_ =	shalt  }
0x52: {  	_ =	shalt  }
0x53: {  	_ =	shalt  }
0x54: {  	_ =	shalt  }
0x55: {  	_ =	shalt  }
0x56: {  	_ =	shalt  }
0x57: {  	_ =	shalt  }
0x58: {  	_ =	shalt  }
0x59: {  	_ =	shalt  }
0x5a: {  	_ =	shalt  }
0x5b: {  	_ =	shalt  }
0x5c: {  	_ =	shalt  }
0x5d: {  	_ =	shalt  }
0x5e: {  	_ =	shalt  }
0x5f: {  	_ =	shalt  }
0x60: {  	_ =	shalt  }
0x61: {  	_ =	shalt  }
0x62: {  	_ =	shalt  }
0x63: {  	_ =	shalt  }
0x64: {  	_ =	shalt  }
0x65: {  	_ =	shalt  }
0x66: {  	_ =	shalt  }
0x67: {  	_ =	shalt  }
0x68: {  	_ =	shalt  }
0x69: {  	_ =	shalt  }
0x6a: {  	_ =	shalt  }
0x6b: {  	_ =	shalt  }
0x6c: {  	_ =	shalt  }
0x6d: {  	_ =	shalt  }
0x6e: {  	_ =	shalt  }
0x6f: {  	_ =	shalt  }
0x70: {  	_ =	shalt  }
0x71: {  	_ =	shalt  }
0x72: {  	_ =	shalt  }
0x73: {  	_ =	shalt  }
0x74: {  	_ =	shalt  }
0x75: {  	_ =	shalt  }
0x76: {  	_ =	shalt  }
0x77: {  	_ =	shalt  }
0x78: {  	_ =	shalt  }
0x79: {  	_ =	shalt  }
0x7a: {  	_ =	shalt  }
0x7b: {  	_ =	shalt  }
0x7c: {  	_ =	shalt  }
0x7d: {  	_ =	shalt  }
0x7e: {  	_ =	shalt  }
0x7f: {  	_ =	shalt  }
0x80: {  	_ =	shalt  }
0x81: {  	_ =	shalt  }
0x82: {  	_ =	shalt  }
0x83: {  	_ =	shalt  }
0x84: {  	_ =	shalt  }
0x85: {  	_ =	shalt  }
0x86: {  	_ =	shalt  }
0x87: {  	_ =	shalt  }
.Lfunc_end0:
.L_simem_size_0:
called_computation.1_lowered:
.L_overlay_start_0:
0x88: {  	s2 =	sld [smem:$0x3FD9]  }
0x89: {  	s3 =	sld [smem:$0x3FFE];
	_ =	sdelay $0x1  }
0x8a: {  	s1 =	srdreg.scid  }
0x8b: {  	s0 =	sand.u32 $0x1, s1  }
0x8c: {  	s17 =	sshll.u32 s0, $0xA;
	s2 =	sadd.s32 s3, s2  }
0x8d: {  	s2 =	sadd.s32 s2, s17  }
0x8e: {  	[smem:$0x3FC5] =	sst s2  }
0x8f: {  	_ = 	snop  }
0x90: {  	s2 =	sld [smem:$0x3FD0];
	(tm) =	ssettm $0x1  }
0x91: {  	s18 =	sld [smem:$0x3FFB];
	_ =	sdelay $0x3  }
0x92: {  	_ =	strace s18  }
0x93: {  	s3 =	sld [smem:$0x3FFC];
	_ =	sdelay $0x3  }
0x94: {  	_ =	strace s3  }
0x95: {  	s3 =	sld [smem:$0x3FFD];
	_ =	sdelay $0x3  }
0x96: {  	_ =	strace s3  }
0x97: {  	_ =	strace $0x8FFFFFFF  }
0x98: {  	s19 =	sld [smem:$0x3FDB];
	_ =	sdelay $0x1  }
0x99: {  	s4 =	simm.s32 $_scs_section_size  }
0x9a: {  	s5 =	simm.s32 $_size__tile_overlayer_lowered;
	s6 =	simm.s32 $_tile_overlayer_lowered  }
0x9b: {  	s22 =	simm.s32 $0x1BFF;
	s21 =	sshll.u32 s6, $0x1;
	s3 =	sadd.s32 s4, s19  }
0x9c: {  	s7 =	simm.s32 $0x0;
	s20 =	sshll.u32 s5, $0x1;
	s5 =	sadd.s32 s21, s3  }
0x9d: {  	[timem:s7], [sflag:s22] =	dma.local [hbm:s5], s20  }
0x9e: {  	_ =	swait.ge [sflag:s22], s20  }
0x9f: {  	s4 =	ssub.s32 $0x0, s20;
	[sflag:s22] =	ssyncset.done $0x0  }
0xa0: {  	[sflag:s22] =	ssyncadd.s32 s4;
	_ =	sdelay $0x1  }
0xa1: {  	s23 =	simm.s32 $0x1B8B  }
0xa2: {  	_ =	swait.ge [sflag:s23], $0x1  }
0xa3: {  	[sflag:s23] =	ssyncset.done $0x0  }
0xa4: {  	s25 =	simm.s32 $0x1B8E;
	s24 =	sld [smem:$0x3FFE];
	[sflag:s23] =	ssyncadd.s32 $0xFFFFFFFF  }
0xa5: {  	s26 =	simm.s32 $execute0_lowered;
	[smem:$0x3FD2] =	sst s25  }
0xa6: {  	s5 =	sshll.u32 s26, $0x1;
	_ =	strace $0x80000049;
	[dreg:$0x1] =	wrdreg $0xFFFFFFFF  }
0xa7: {  	s28 =	simm.s32 $_size_execute0_lowered;
	s3 =	sadd.s32 s3, s5;
	[dreg:$0x0] =	wrdreg $0x0  }
0xa8: {  	s5 =	sshll.u32 s28, $0x1;
	[dreg:$0x2] =	wrdreg s3  }
0xa9: {  	[dreg:$0x3] =	wrdreg s5  }
0xaa: {  	[dreg:$0x4] =	wrdreg $0xC0  }
0xab: {  	_ =	task [dreg:s7], $0x5FFFF  }
0xac: {  	[dreg:$0x1] =	wrdreg $0xFFFFFFFF  }
0xad: {  	[dreg:$0x0] =	wrdreg $0x60  }
0xae: {  	[dreg:$0x2] =	wrdreg s24  }
0xaf: {  	[dreg:$0x3] =	wrdreg s2  }
0xb0: {  	[dreg:$0x4] =	wrdreg $0x9  }
0xb1: {  	_ =	task.clear_ibuf [dreg:s7], $0x5FFFF;
	_ =	strace $0x90000049  }
0xb2: {  	s29 =	simm.s32 $0x9;
	_ =	strace $0x8000004B  }
0xb3: {  	_ =	swait.ge [sflag:s29], $0x1  }
0xb4: {  	[sflag:s29] =	ssyncadd.s32 $0xFFFFFFFF  }
0xb5: {  	_ =	strace $0x9000004B  }
0xb6: {  	_ =	sfence  }
0xb7: {  	s30 =	sld [smem:$0x0];
	_ =	sdelay $0x2  }
0xb8: {  	s31 =	sshll.u32 s1, $0xD;
	s1 =	sshrl.u32 s1, $0x2  }
0xb9: {  	s3 =	sand.u32 $0x4000, s31;
	s1 =	sadd.s32 s1, s30  }
0xba: {  	s0 =	sor.u32 s3, s0;
	s1 =	sshll.u32 s1, $0x11  }
0xbb: {  	s0 =	sor.u32 s1, s0  }
0xbc: {  	s0 =	sadd.s32 $0x8F2B, s0  }
0xbd: {  	[sflag:s0] =	ssyncadd.remote.s32 $0x1  }
0xbe: {  	_ =	sfence.sel $0xFFFF  }
0xbf: {  	[dreg:$0x0] =	wrdreg $0xFFFFFFFF;
	(pc) =	sbr.abs _section_cstart, $3  }
0xc0: {  	[dreg:$0x1] =	wrdreg $0xFFFFFFFF  }
0xc1: {  	_ =	task.clear_ibuf [dreg:s7], $0x2FFFF;
	_ =	strace $0x9FFFFFFF  }
0xc2: {  	(tm) =	ssettm $0x7FFFFFFF  }
0xc3: {  	_ =	shalt  }
tec
execute0_lowered:
.L_overlay_start_1:
0x0: {  	(tag) =	ssettag $0x1  }
0x1: {  	s4 =	rddreg [dreg:$0x0];
	s1 =	srdreg.scid  }
0x2: {  	s0 =	stileid.u32;
	s6 =	rddreg [dreg:$0x1]  }
0x3: {  	s2 =	simm.s32 $0x0;
	s13 =	simm.s32 $0x2;
	s8 =	smul.u32 $0x50000, s0  }
0x4: {  	s14 =	simm.s32 $0x0;
	s5 =	sand.u32 $0x1, s1;
	s12 =	smul.u32 $0xA000, s0  }
0x5: {  	s3 =	sshll.u32 s0, $0x1;
	s1 =	rddreg [dreg:$0x2];
	s10 =	smul.u32 $0x28000, s5  }
0x6: {  	[smem:$0x7FF] =	sst s2;
	s3 =	sor.u32 s5, s3;
	s28 =	smul.u32 $0x5000, s5  }
0x7: {  	_ =	strace $0x8000004A;
	s9 =	ssub.s32 $0x2, s5;
	s7 =	smul.u32 $0x5000, s3  }
0x8: {  	s3 =	sadd.s32 $0x3400, s4;
	s11 =	sshrl.u32 s9, $0x1;
	s29 =	sadd.s32 s12, s6  }
0x9: {  	s12 =	simm.s32 $0x1;
	s26 =	ssub.s32 s9, s11;
	s8 =	sadd.s32 s10, s8  }
0xa: {  	s31 =	sadd.s32 s28, s29;
	s9 =	simm.s32 $0x80;
	s10 =	simm.s32 $0x5000  }
0xb: {  	s11 =	simm.s32 $0x5400;
	s7 =	sshrl.u32 s7, $0x3;
	s5 =	smax.u32 s26, $0x1  }
0xc: {  	s30 =	sshrl.u32 s8, $0x3;
	s8 =	simm.s32 $0x3;
	s4 =	sadd.s32 s7, s4  }
0xd: {  	s6 =	sadd.s32 s30, s6;
	s7 =	sadd.s32 $0x80, s31;
	s4 =	sadd.s32 $0x4400, s4  }
.LBB2_1:
0xe: {  	[tilespmem:s2], [sflag:$0x3] =	stream.linear.gather [hbm4b:s4+s2], $0x5000, $0x38;
	[tilespmem:$0x5800] =	vst v63  }
0xf: {  	_ =	swait.ge [sflag:s8], $0x5000  }
0x10: {  	[sflag:s8] =	ssyncset.done $0x0  }
0x11: {  	[sflag:s8] =	ssyncadd.s32 $0xFFFFB000  }
0x12: {  	[tilespmem:s10], [sflag:$0x1] =	stream.indirect.gather [hbm4b:s3+s9], $0x8, s2, s9, $0xb8;
	[tilespmem:$0x5800] =	vst v63  }
0x13: {  	s15 =	simm.s32 $0x80  }
0x14: {  	[tilespmem:s11], [sflag:$0x2] =	stream.indirect.gather [hbm4b:s3+s9], $0x8, s15, s9, $0xb8;
	[tilespmem:$0x5800] =	vst v63  }
0x15: {  	_ =	swait.ge [sflag:s12], $0x400  }
0x16: {  	[sflag:s12] =	ssyncset.done $0x0  }
0x17: {  	s30 =	sadd.s32 $0x0, s6;
	[sflag:s12] =	ssyncadd.s32 $0xFFFFFC00  }
0x18: {  	[hbm4b:s30+s2] =	stream.linear.scatter [tilespmem:s10], [sflag:$0x3], $0x400, $0x38;
	[tilespmem:$0x5800] =	vst v63  }
0x19: {  	_ =	swait.ge [sflag:s8], $0x400  }
0x1a: {  	[sflag:s8] =	ssyncset.done $0x0  }
0x1b: {  	[sflag:s8] =	ssyncadd.s32 $0xFFFFFC00  }
0x1c: {  	_ =	swait.ge [sflag:s13], $0x400  }
0x1d: {  	[sflag:s13] =	ssyncset.done $0x0  }
0x1e: {  	s31 =	sadd.s32 $0x0, s7;
	[sflag:s13] =	ssyncadd.s32 $0xFFFFFC00  }
0x1f: {  	[hbm4b:s31+s2] =	stream.linear.scatter [tilespmem:s11], [sflag:$0x3], $0x400, $0x38;
	[tilespmem:$0x5800] =	vst v63  }
0x20: {  	_ =	swait.ge [sflag:s8], $0x400  }
0x21: {  	s16 =	simm.s32 $0x0;
	s15 =	simm.s32 $0x100;
	[sflag:s8] =	ssyncset.done $0x0  }
.LBB2_2:
0x22: {  	p0 =	sne.s32 s15, $0x4F00;
	[sflag:s8] =	ssyncadd.s32 $0xFFFFFC00;
	s16 =	sadd.s32 $0x100, s16  }
0x23: {  	[tilespmem:s10], [sflag:$0x1] =	stream.indirect.gather [hbm4b:s3+s9], $0x8, s16, s9, $0xb8;
	[tilespmem:$0x5800] =	vst v63  }
0x24: {  	s18 =	smov.u32 s15;
	s15 =	sadd.s32 $0x100, s15;
	s17 =	sadd.s32 $0x80, s16  }
0x25: {  	[tilespmem:s11], [sflag:$0x2] =	stream.indirect.gather [hbm4b:s3+s9], $0x8, s17, s9, $0xb8;
	[tilespmem:$0x5800] =	vst v63  }
0x26: {  	_ =	swait.ge [sflag:s12], $0x400  }
0x27: {  	[sflag:s12] =	ssyncset.done $0x0  }
0x28: {  	s17 =	sadd.s32 s18, s6;
	[sflag:s12] =	ssyncadd.s32 $0xFFFFFC00  }
0x29: {  	[hbm4b:s17+s2] =	stream.linear.scatter [tilespmem:s10], [sflag:$0x3], $0x400, $0x38;
	[tilespmem:$0x5800] =	vst v63  }
0x2a: {  	_ =	swait.ge [sflag:s8], $0x400  }
0x2b: {  	[sflag:s8] =	ssyncset.done $0x0  }
0x2c: {  	[sflag:s8] =	ssyncadd.s32 $0xFFFFFC00  }
0x2d: {  	_ =	swait.ge [sflag:s13], $0x400  }
.Ltmp0:
0x2e: {  	[sflag:s13] =	ssyncset.done $0x0;
	(pc) =	sbr.rel @p0 .LBB2_2-.Ltmp0, $4  }
0x2f: {  	s17 =	sadd.s32 s18, s7;
	[sflag:s13] =	ssyncadd.s32 $0xFFFFFC00  }
0x30: {  	[hbm4b:s17+s2] =	stream.linear.scatter [tilespmem:s11], [sflag:$0x3], $0x400, $0x38;
	[tilespmem:$0x5800] =	vst v63  }
0x31: {  	_ =	swait.ge [sflag:s8], $0x400  }
0x32: {  	[sflag:s8] =	ssyncset.done $0x0  }
0x33: {  	s14 =	sadd.s32 $0x1, s14  }
0x34: {  	p0 =	sne.s32 s14, s5  }
.Ltmp1:
0x35: {  	_ = 	snop;
	(pc) =	sbr.rel @p0 .LBB2_1-.Ltmp1, $2  }
0x36: {  	_ =	sdelay $0x2  }
0x37: {  	[sflag:s8] =	ssyncadd.s32 $0xFFFFFC00  }
0x38: {  	_ =	sfence.sel $0x180000  }
0x39: {  	[bflag:$0x0] =	sbarrier.arrive $0xFFFF  }
0x3a: {  	p0 =	sne.s32 s0, $0x0;
	_ =	strace $0x9000004A  }
0x3b: {  	s0 =	sadd.s32 @!p0 $0x100000, s1;
	[bflag:$0x2] =	sbarrier.arrive $0xFFFF  }
0x3c: {  	[sflag:s0] =	ssyncadd.tile.s32 @!p0 $0x1;
	_ =	shalt  }
.Lfunc_end2:
_tile_overlayer_lowered:
.L_overlay_start_2:
0x3d: {  	(tag) =	ssettag $0x2  }
0x3e: {  	s0 =	rddreg [dreg:$0x0];
	s2 =	stileid.u32  }
0x3f: {  	s1 =	rddreg [dreg:$0x1];
	p0 =	sne.s32 s2, $0x0  }
0x40: {  	s3 =	rddreg [dreg:$0x2];
	[bflag:$0x3] =	sbarrier.arrive $0xFFFF;
	s2 =	simm.s32 @!p0 $0x1C03  }
0x41: {  	[timem:s3], [sflag:s2] =	dma.local @!p0 [hbm:s0], s1  }
0x42: {  	s0 =	simm.s32 @!p0 $0x3  }
0x43: {  	_ =	swait.ge @!p0 [sflag:s0], s1  }
0x44: {  	s1 =	ssub.s32 @!p0 $0x0, s1;
	[sflag:s0] =	ssyncset.done @!p0 $0x0  }
0x45: {  	[sflag:s0] =	ssyncadd.s32 @!p0 s1  }
0x46: {  	[bflag:$0x3] =	sbarrier.arrive $0xFFFF  }
0x47: {  	_ =	shalt  }

</sc_bundles>
